<compile_context>
chip_gen: v7x
topology: tpu7x:2x2x1
jax: 0.10.2.dev20260603
libtpu: 0.0.44.dev20260713+nightly
codegen_flags: <defaults>
</compile_context>

<pallas_src>
import functools
import jax
import jax.numpy as jnp
from jax import lax
from jax.experimental import pallas as pl
from jax.experimental.pallas import tpu as pltpu
from jax.experimental.pallas import tpu_sc as plsc

N = 10000
E = 320000
D = 128
G = 64

NC = 2
NS = 16
NW = NC * NS

NP = 10240
ROWS_PER_TILE = NP // NS

WIN = 80
E_PER_W = E // NW
NWIN = E_PER_W // WIN
E_PER_T = E // NS
NWIN_DEG = E_PER_T // WIN

@functools.cache
def _mesh():
    return plsc.VectorSubcoreMesh(
        core_axis_name="c", subcore_axis_name="s",
        num_cores=NC, num_subcores=NS)


LUTSZ = E + 8


def _sc_kernel(**kw):
    def deco(body):
        @functools.cache
        def build():
            return pl.kernel(
                body, mesh=_mesh(),
                compiler_params=pltpu.CompilerParams(
                    needs_layout_passes=False,
                    use_tc_tiling_on_sc=False),
                **kw)

        def call(*args):
            return build()(*args)
        return call
    return deco


@_sc_kernel(
    out_type=(
        jax.ShapeDtypeStruct((NW, NWIN, WIN), jnp.float32),
        jax.ShapeDtypeStruct((NP,), jnp.float32),
    ),
    scratch_types=[
        pltpu.VMEM((NWIN_DEG, WIN), jnp.int32),
        pltpu.VMEM((WIN,), jnp.float32),
        pltpu.VMEM((ROWS_PER_TILE,), jnp.float32),
        pltpu.VMEM((ROWS_PER_TILE,), jnp.int32),
        pltpu.VMEM((ROWS_PER_TILE,), jnp.float32),
        pltpu.VMEM((NWIN, WIN), jnp.int32),
        pltpu.VMEM((NWIN, WIN), jnp.int32),
        pltpu.VMEM((NWIN, WIN), jnp.float32),
        pltpu.VMEM((NP,), jnp.float32),
        pltpu.VMEM_SHARED((NP,), jnp.float32),
        pltpu.VMEM_SHARED((NP,), jnp.float32),
        pltpu.SemaphoreType.DMA,
    ],
)
def _prep_kernel(rowd3_hbm, row3_hbm, col3_hbm, lut_hbm, norm_out, deg_out,
                 rowwin_v, ones_v, deg_v, degi_v, dis_v, rown_v, coln_v,
                 normn_v, disfull_v, deg_sh, dis_sh, sem):
    c = lax.axis_index("c")
    s = lax.axis_index("s")
    wid = s * NC + c

    def _init16(i, _):
        ones_v[pl.ds(i * 16, 16)] = jnp.ones((16,), jnp.float32)
        return 0
    lax.fori_loop(0, WIN // 16, _init16, 0)

    def _zero16(i, _):
        deg_v[pl.ds(i * 16, 16)] = jnp.zeros((16,), jnp.float32)
        return 0
    lax.fori_loop(0, ROWS_PER_TILE // 16, _zero16, 0)
    pltpu.sync_copy(deg_v, deg_sh.at[pl.ds(s * ROWS_PER_TILE, ROWS_PER_TILE)])
    plsc.subcore_barrier()

    pltpu.sync_copy(rowd3_hbm.at[s], rowwin_v)

    def _deg_win(w, _):
        pltpu.sync_copy(ones_v, deg_sh.at[rowwin_v.at[w]], add=True)
        return 0
    lax.fori_loop(0, NWIN_DEG, _deg_win, 0)
    plsc.subcore_barrier()

    pltpu.sync_copy(deg_sh.at[pl.ds(s * ROWS_PER_TILE, ROWS_PER_TILE)], deg_v)

    def _dis16(i, _):
        x = deg_v[pl.ds(i * 16, 16)] + 1.0
        deg_v[pl.ds(i * 16, 16)] = x
        degi_v[pl.ds(i * 16, 16)] = x.astype(jnp.int32)
        return 0
    lax.fori_loop(0, ROWS_PER_TILE // 16, _dis16, 0)
    for k in range(ROWS_PER_TILE // 128):
        pltpu.async_copy(
            lut_hbm.at[degi_v.at[pl.ds(k * 128, 128)]],
            dis_v.at[pl.ds(k * 128, 128)], sem).wait()
    pltpu.sync_copy(dis_v, dis_sh.at[pl.ds(s * ROWS_PER_TILE, ROWS_PER_TILE)])

    @pl.when(c == 0)
    def _():
        pltpu.sync_copy(deg_v, deg_out.at[pl.ds(s * ROWS_PER_TILE, ROWS_PER_TILE)])
    plsc.subcore_barrier()

    pltpu.sync_copy(dis_sh, disfull_v)
    pltpu.sync_copy(row3_hbm.at[wid], rown_v)
    pltpu.sync_copy(col3_hbm.at[wid], coln_v)

    def _normw(w, _):
        for g in range(WIN // 16):
            r16 = rown_v[w, pl.ds(g * 16, 16)]
            c16 = coln_v[w, pl.ds(g * 16, 16)]
            dr = plsc.load_gather(disfull_v, [r16])
            dc = plsc.load_gather(disfull_v, [c16])
            normn_v[w, pl.ds(g * 16, 16)] = dr * dc
        return 0
    lax.fori_loop(0, NWIN, _normw, 0)
    pltpu.sync_copy(normn_v, norm_out.at[wid])


DH = D // 2


@_sc_kernel(
    out_type=jax.ShapeDtypeStruct((NC, 2, NP, DH), jnp.float32),
    scratch_types=[
        pltpu.VMEM((NWIN, WIN), jnp.int32),
        pltpu.VMEM((NWIN, WIN), jnp.int32),
        pltpu.VMEM((NWIN, WIN), jnp.int32),
        pltpu.VMEM((NWIN, WIN), jnp.float32),
        pltpu.VMEM((WIN, DH), jnp.float32),
        pltpu.VMEM((WIN, DH), jnp.float32),
        pltpu.VMEM((WIN, DH), jnp.float32),
        pltpu.VMEM_SHARED((NP, DH), jnp.float32),
        pltpu.SemaphoreType.DMA,
        pltpu.SemaphoreType.DMA,
    ],
)
def _msg_kernel(hwlo_hbm, hwhi_hbm, tlo_hbm, thi_hbm, row3d_hbm, col3d_hbm,
                code3d_hbm, norm3d_hbm, out_hbm, roww_v, colw_v, codew_v,
                normw_v, hbuf, ebuf, msgbuf, agg_sh, sem1, sem2):
    c = lax.axis_index("c")
    s = lax.axis_index("s")
    wid = s * NC + c

    pltpu.sync_copy(row3d_hbm.at[wid], roww_v)
    pltpu.sync_copy(col3d_hbm.at[wid], colw_v)
    pltpu.sync_copy(code3d_hbm.at[wid], codew_v)
    pltpu.sync_copy(norm3d_hbm.at[wid], normw_v)

    for dh, hw_hbm, t_hbm in ((0, hwlo_hbm, tlo_hbm), (1, hwhi_hbm, thi_hbm)):
        def _z(i, _):
            for j in range(DH // 16):
                msgbuf[i, pl.ds(j * 16, 16)] = jnp.zeros((16,), jnp.float32)
            return 0
        lax.fori_loop(0, WIN, _z, 0)
        for k in range(ROWS_PER_TILE // WIN):
            pltpu.sync_copy(
                msgbuf, agg_sh.at[pl.ds(s * ROWS_PER_TILE + k * WIN, WIN)])
        plsc.subcore_barrier()

        def _win(w, _):
            cp1 = pltpu.async_copy(hw_hbm.at[roww_v.at[w]], hbuf, sem1)
            cp2 = pltpu.async_copy(t_hbm.at[codew_v.at[w]], ebuf, sem2)
            cp1.wait()
            cp2.wait()

            def _edge(e, _):
                nv = plsc.load_gather(
                    normw_v, [jnp.full((16,), w, jnp.int32),
                              jnp.full((16,), e, jnp.int32)])
                for j in range(DH // 16):
                    v = hbuf[e, pl.ds(j * 16, 16)] + ebuf[e, pl.ds(j * 16, 16)]
                    msgbuf[e, pl.ds(j * 16, 16)] = jnp.maximum(v, 0.0) * nv
                return 0
            lax.fori_loop(0, WIN, _edge, 0)

            pltpu.sync_copy(msgbuf, agg_sh.at[colw_v.at[w]], add=True)
            return 0
        lax.fori_loop(0, NWIN, _win, 0)
        plsc.subcore_barrier()

        pltpu.sync_copy(
            agg_sh.at[pl.ds(s * ROWS_PER_TILE, ROWS_PER_TILE)],
            out_hbm.at[c, dh].at[pl.ds(s * ROWS_PER_TILE, ROWS_PER_TILE)])


BLK = 2000


def _atom_mm_body(x_ref, tab_ref, wt_ref, b_ref, root_ref, deg_ref,
                  hwlo_ref, hwhi_ref, s_ref):
    x = x_ref[...]
    h = jnp.zeros((BLK, D), jnp.float32)
    iota = lax.broadcasted_iota(jnp.int32, (1, 64), 1)
    for k in range(9):
        oh = (x[:, k:k + 1] == iota).astype(jnp.float32)
        h = h + jnp.dot(oh, tab_ref[pl.ds(k * 64, 64), :],
                        preferred_element_type=jnp.float32)
    hw = jnp.dot(h, wt_ref[...], preferred_element_type=jnp.float32) + b_ref[...]
    hwlo_ref[...] = hw[:, :DH]
    hwhi_ref[...] = hw[:, DH:]
    s_ref[...] = jnp.maximum(hw + root_ref[...], 0.0) / deg_ref[...]


def _ep_mm_body(a00_ref, a01_ref, a10_ref, a11_ref, sp_ref, scale_ref,
                shift_ref, wt_ref, b_ref, root_ref, deg_ref,
                hwlo_ref, hwhi_ref, s_ref):
    a = jnp.concatenate(
        [a00_ref[...] + a10_ref[...], a01_ref[...] + a11_ref[...]], axis=1)
    h = a + sp_ref[...]
    h = jnp.maximum(h * scale_ref[...] + shift_ref[...], 0.0)
    hw = jnp.dot(h, wt_ref[...], preferred_element_type=jnp.float32) + b_ref[...]
    hwlo_ref[...] = hw[:, :DH]
    hwhi_ref[...] = hw[:, DH:]
    s_ref[...] = jnp.maximum(hw + root_ref[...], 0.0) / deg_ref[...]


def _pool_body(batch_ref, a00_ref, a01_ref, a10_ref, a11_ref, sp_ref, wt_ref,
               b_ref, out_ref, accp, accc):
    step = pl.program_id(0)

    @pl.when(step == 0)
    def _():
        accp[...] = jnp.zeros((G, D), jnp.float32)
        accc[...] = jnp.zeros((8, G), jnp.float32)

    a = jnp.concatenate(
        [a00_ref[...] + a10_ref[...], a01_ref[...] + a11_ref[...]], axis=1)
    h3 = a + sp_ref[...]
    iota = lax.broadcasted_iota(jnp.int32, (1, G), 1)
    oh = (batch_ref[...] == iota).astype(jnp.float32)
    accp[...] += jnp.dot(oh.T, h3, preferred_element_type=jnp.float32)
    accc[...] += jnp.sum(oh.reshape(BLK // 8, 8, G), axis=0)

    @pl.when(step == pl.num_programs(0) - 1)
    def _():
        cnt = jnp.sum(accc[...], axis=0)[:, None]
        pooled = accp[...] / jnp.maximum(cnt, 1.0)
        out_ref[...] = jnp.dot(pooled, wt_ref[...],
                               preferred_element_type=jnp.float32) + b_ref[...]


def _row_spec(blk, d=D):
    return pl.BlockSpec((blk, d), lambda i: (i, 0))


def _full_spec(shape):
    return pl.BlockSpec(shape, lambda i: tuple(0 for _ in shape))


def _atom_mm(x, atom_flat, wt, bias, rootv, deg):
    grid = (N // BLK,)
    return pl.pallas_call(
        _atom_mm_body,
        grid=grid,
        in_specs=[
            pl.BlockSpec((BLK, 16), lambda i: (i, 0)),
            _full_spec((576, D)),
            _full_spec((D, D)),
            _full_spec((1, D)),
            _full_spec((1, D)),
            pl.BlockSpec((BLK, 1), lambda i: (i, 0)),
        ],
        out_specs=[_row_spec(BLK, DH), _row_spec(BLK, DH), _row_spec(BLK)],
        out_shape=[jax.ShapeDtypeStruct((N, DH), jnp.float32),
                   jax.ShapeDtypeStruct((N, DH), jnp.float32),
                   jax.ShapeDtypeStruct((N, D), jnp.float32)],
    )(x, atom_flat, wt, bias, rootv, deg)


def _ep_mm(a00, a01, a10, a11, sp, scale, shift, wt, bias, rootv, deg):
    grid = (N // BLK,)
    return pl.pallas_call(
        _ep_mm_body,
        grid=grid,
        in_specs=[
            _row_spec(BLK, DH), _row_spec(BLK, DH),
            _row_spec(BLK, DH), _row_spec(BLK, DH),
            _row_spec(BLK),
            _full_spec((1, D)), _full_spec((1, D)),
            _full_spec((D, D)), _full_spec((1, D)), _full_spec((1, D)),
            pl.BlockSpec((BLK, 1), lambda i: (i, 0)),
        ],
        out_specs=[_row_spec(BLK, DH), _row_spec(BLK, DH), _row_spec(BLK)],
        out_shape=[jax.ShapeDtypeStruct((N, DH), jnp.float32),
                   jax.ShapeDtypeStruct((N, DH), jnp.float32),
                   jax.ShapeDtypeStruct((N, D), jnp.float32)],
    )(a00, a01, a10, a11, sp, scale, shift, wt, bias, rootv, deg)


def _pool(batch2, a00, a01, a10, a11, sp, wt, bias):
    grid = (N // BLK,)
    return pl.pallas_call(
        _pool_body,
        grid=grid,
        in_specs=[
            pl.BlockSpec((BLK, 1), lambda i: (i, 0)),
            _row_spec(BLK, DH), _row_spec(BLK, DH),
            _row_spec(BLK, DH), _row_spec(BLK, DH),
            _row_spec(BLK),
            _full_spec((D, D)), _full_spec((1, D)),
        ],
        out_specs=pl.BlockSpec((G, D), lambda i: (0, 0)),
        out_shape=jax.ShapeDtypeStruct((G, D), jnp.float32),
        scratch_shapes=[
            pltpu.VMEM((G, D), jnp.float32),
            pltpu.VMEM((8, G), jnp.float32),
        ],
    )(batch2, a00, a01, a10, a11, sp, wt, bias)


def kernel(x, edge_index, edge_attr, batch, atom_tables, bond_tables, W, b,
           root, bn_gamma, bn_beta, W_out, b_out):
    row = edge_index[0].astype(jnp.int32)
    col = edge_index[1].astype(jnp.int32)
    ea = edge_attr.astype(jnp.int32)
    code = ea[:, 0] * 64 + ea[:, 1] * 8 + ea[:, 2]

    T = (bond_tables[:, 0][:, :, None, None, :]
         + bond_tables[:, 1][:, None, :, None, :]
         + bond_tables[:, 2][:, None, None, :, :]).reshape(3, 512, D)
    t_lo = T[:, :, :DH]
    t_hi = T[:, :, DH:]
    atom_flat = atom_tables.reshape(576, D)

    rowd3 = lax.optimization_barrier(row.reshape(NS, NWIN_DEG, WIN))
    row3 = row.reshape(NW, NWIN, WIN)
    col3 = col.reshape(NW, NWIN, WIN)
    code3 = code.reshape(NW, NWIN, WIN)

    lut = jnp.where(jnp.arange(LUTSZ) > 0,
                    jax.lax.rsqrt(jnp.arange(LUTSZ, dtype=jnp.float32)), 0.0)
    norm3, degp = _prep_kernel(rowd3, row3, col3, lut)
    deg = degp[:N, None]

    x16 = jnp.zeros((N, 16), jnp.int32).at[:, :9].set(x.astype(jnp.int32))

    bias = b.astype(jnp.float32)
    scale = (bn_gamma / jnp.sqrt(1.0 + 1e-5)).astype(jnp.float32)

    hwlo, hwhi, sterm = _atom_mm(x16, atom_flat, W[0].T, bias[0][None],
                                 root[0][None], deg)

    wt_p = jnp.concatenate(
        [jnp.swapaxes(W, 1, 2), jnp.zeros((1, D, D), jnp.float32)], 0)
    bias_p = jnp.concatenate([bias, jnp.zeros((1, D), jnp.float32)], 0)
    root_p = jnp.concatenate(
        [root.astype(jnp.float32), jnp.zeros((1, D), jnp.float32)], 0)
    scale_p = jnp.concatenate([scale, jnp.ones((1, D), jnp.float32)], 0)
    beta_p = jnp.concatenate(
        [bn_beta.astype(jnp.float32), jnp.zeros((1, D), jnp.float32)], 0)

    zero_nh = jnp.zeros((N, DH), jnp.float32)

    def body(i, carry):
        hwlo, hwhi, sterm = carry[0], carry[1], carry[2]
        agg = _msg_kernel(hwlo, hwhi, t_lo[i], t_hi[i],
                          row3, col3, code3, norm3)
        a00 = agg[0, 0, :N]
        a01 = agg[0, 1, :N]
        a10 = agg[1, 0, :N]
        a11 = agg[1, 1, :N]
        hwlo2, hwhi2, sterm2 = _ep_mm(
            a00, a01, a10, a11, sterm, scale_p[i][None], beta_p[i][None],
            wt_p[i + 1], bias_p[i + 1][None], root_p[i + 1][None], deg)
        return (hwlo2, hwhi2, sterm2, a00, a01, a10, a11, sterm)

    ub = lax.optimization_barrier(jnp.int32(3))
    res = lax.fori_loop(
        0, ub, body,
        (hwlo, hwhi, sterm, zero_nh, zero_nh, zero_nh, zero_nh,
         jnp.zeros((N, D), jnp.float32)))
    _, _, _, a00, a01, a10, a11, sterm_last = res
    return _pool(batch.astype(jnp.int32)[:, None], a00, a01, a10, a11,
                 sterm_last, W_out.T, b_out[None])

# --- scband reference (transcript-rebuilt; emitter-appended) ---
"""Pipeline reference for scband-egcn-41223096107020 (READ-ONLY COPY).

The authoritative reference and input builder live on the scoring server;
editing this copy changes nothing except your own understanding.
"""

import jax, jax.numpy as jnp
import numpy as np

N = 10000
E = 320000
D = 128
G = 64

def setup_inputs(seed: int = 0):
    key = jax.random.key(seed)
    ks = jax.random.split(key, 12)
    x = jax.random.randint(ks[0], (N, 9), 0, 64)
    edge_index = jax.random.randint(ks[1], (2, E), 0, N)
    edge_attr = jax.random.randint(ks[2], (E, 3), 0, 8)
    batch = jnp.sort(jax.random.randint(ks[3], (N,), 0, G))
    atom_tables = jax.random.normal(ks[4], (9, 64, D), dtype=jnp.float32) * 0.1
    bond_tables = jax.random.normal(ks[5], (3, 3, 8, D), dtype=jnp.float32) * 0.1
    W = jax.random.normal(ks[6], (3, D, D), dtype=jnp.float32) * 0.05
    b = jnp.zeros((3, D), dtype=jnp.float32)
    root = jax.random.normal(ks[7], (3, D), dtype=jnp.float32) * 0.1
    bn_gamma = jnp.ones((2, D), dtype=jnp.float32)
    bn_beta = jnp.zeros((2, D), dtype=jnp.float32)
    W_out = jax.random.normal(ks[8], (D, D), dtype=jnp.float32) * 0.05
    b_out = jnp.zeros((D,), dtype=jnp.float32)
    return {"x": x, "edge_index": edge_index, "edge_attr": edge_attr, "batch": batch,
            "atom_tables": atom_tables, "bond_tables": bond_tables, "W": W, "b": b,
            "root": root, "bn_gamma": bn_gamma, "bn_beta": bn_beta, "W_out": W_out, "b_out": b_out}

def _conv(h, edge_index, edge_attr, Wl, bl, rootl, bondl):
    h = h @ Wl.T + bl
    ee = bondl[0][edge_attr[:, 0]] + bondl[1][edge_attr[:, 1]] + bondl[2][edge_attr[:, 2]]
    row = edge_index[0]
    col = edge_index[1]
    n = h.shape[0]
    deg = jax.ops.segment_sum(jnp.ones((row.shape[0],), dtype=h.dtype), row, num_segments=n) + 1.0
    dis = deg ** -0.5
    dis = jnp.where(jnp.isinf(dis), 0.0, dis)
    norm = dis[row] * dis[col]
    msg = norm[:, None] * jax.nn.relu(h[row] + ee)
    agg = jax.ops.segment_sum(msg, col, num_segments=n)
    return agg + jax.nn.relu(h + rootl[None, :]) / deg[:, None]

def _bn_eval(h, gamma, beta):
    # eval-mode BatchNorm1d with running_mean=0, running_var=1
    return gamma * (h / jnp.sqrt(1.0 + 1e-5)) + beta

def reference(x, edge_index, edge_attr, batch, atom_tables, bond_tables, W, b, root, bn_gamma, bn_beta, W_out, b_out):
    # AtomEncoder: sum of per-feature embeddings
    h = jnp.zeros((x.shape[0], atom_tables.shape[2]), dtype=jnp.float32)
    for k in range(9):
        h = h + atom_tables[k][x[:, k]]
    for i in range(2):
        h = _conv(h, edge_index, edge_attr, W[i], b[i], root[i], bond_tables[i])
        h = _bn_eval(h, bn_gamma[i], bn_beta[i])
        h = jax.nn.relu(h)
        # dropout: eval mode -> identity
    h = _conv(h, edge_index, edge_attr, W[2], b[2], root[2], bond_tables[2])
    counts = jax.ops.segment_sum(jnp.ones((batch.shape[0],), dtype=h.dtype), batch, num_segments=G)
    pooled = jax.ops.segment_sum(h, batch, num_segments=G) / jnp.maximum(counts, 1.0)[:, None]
    return pooled @ W_out.T + b_out

if __name__ == "__main__":
    import jax
    _d = setup_inputs()
    print(jax.jit(kernel)(*tuple(_d.values())))

</pallas_src>

<mosaic_0001>
#map = affine_map<(d0, d1) -> (0, 0)>
#map1 = affine_map<(d0, d1) -> (0, 0, 0)>
#map2 = affine_map<(d0, d1) -> (0, 0, 0, 0)>
module attributes {stable_mosaic.version = 14 : i64} {
  func.func @_msg_kernel(%arg0: i32, %arg1: i32, %arg2: memref<10000x64xf32, #tpu.memory_space<hbm>>, %arg3: memref<10000x64xf32, #tpu.memory_space<hbm>>, %arg4: memref<512x64xf32, #tpu.memory_space<hbm>>, %arg5: memref<512x64xf32, #tpu.memory_space<hbm>>, %arg6: memref<32x125x80xi32, #tpu.memory_space<hbm>>, %arg7: memref<32x125x80xi32, #tpu.memory_space<hbm>>, %arg8: memref<32x125x80xi32, #tpu.memory_space<hbm>>, %arg9: memref<32x125x80xf32, #tpu.memory_space<hbm>>, %arg10: memref<2x2x10240x64xf32, #tpu.memory_space<hbm>>, %arg11: memref<125x80xi32, #tpu.memory_space<vmem>>, %arg12: memref<125x80xi32, #tpu.memory_space<vmem>>, %arg13: memref<125x80xi32, #tpu.memory_space<vmem>>, %arg14: memref<125x80xf32, #tpu.memory_space<vmem>>, %arg15: memref<80x64xf32, #tpu.memory_space<vmem>>, %arg16: memref<80x64xf32, #tpu.memory_space<vmem>>, %arg17: memref<80x64xf32, #tpu.memory_space<vmem>>, %arg18: memref<10240x64xf32, #tpu.memory_space<vmem_shared>>, %arg19: memref<!tpu.dma_semaphore, #tpu.memory_space<semaphore_mem>>, %arg20: memref<!tpu.dma_semaphore, #tpu.memory_space<semaphore_mem>>) attributes {dimension_semantics = [#tpu.dimension_semantics<core_parallel>, #tpu.dimension_semantics<subcore_parallel>], iteration_bounds = array<i64: 2, 16>, scalar_prefetch = 0 : i64, scratch_operands = 10 : i64, tpu.core_type = #tpu.core_type<sc_vector_subcore>, window_params = [{transform_indices = #map}, {transform_indices = #map}, {transform_indices = #map}, {transform_indices = #map}, {transform_indices = #map1}, {transform_indices = #map1}, {transform_indices = #map1}, {transform_indices = #map1}, {transform_indices = #map2}]} {
    %mul3A = arith.constant 2 : i32
    %mul3A_0 = arith.muli %arg1, %mul3A : i32
    %add3A = arith.addi %mul3A_0, %arg0 : i32
    "tpu.region"() ({
      %run_scoped3A_104 = tpu.sem_alloc : memref<!tpu.dma_semaphore, #tpu.memory_space<semaphore_mem>>
      %dma_start3A = arith.constant 0 : i32
      %dma_start3A_105 = arith.constant 0 : i32
      %dma_start3A_106 = tpu.memref_slice %arg6[%add3A, %dma_start3A, %dma_start3A_105] : memref<32x125x80xi32, #tpu.memory_space<hbm>> -> memref<1x125x80xi32, #tpu.memory_space<hbm>>
      %dma_start3A_107 = tpu.memref_squeeze %dma_start3A_106 : memref<1x125x80xi32, #tpu.memory_space<hbm>> -> memref<125x80xi32, #tpu.memory_space<hbm>>
      %dma_start3A_108 = arith.constant 0 : i32
      %dma_start3A_109 = arith.constant 0 : i32
      %dma_start3A_110 = tpu.memref_slice %arg6[%add3A, %dma_start3A_108, %dma_start3A_109] : memref<32x125x80xi32, #tpu.memory_space<hbm>> -> memref<1x125x80xi32, #tpu.memory_space<hbm>>
      %dma_start3A_111 = tpu.memref_squeeze %dma_start3A_110 : memref<1x125x80xi32, #tpu.memory_space<hbm>> -> memref<125x80xi32, #tpu.memory_space<hbm>>
      tpu.enqueue_dma source(%dma_start3A_111 : memref<125x80xi32, #tpu.memory_space<hbm>>) target(%arg11 : memref<125x80xi32, #tpu.memory_space<vmem>>) target_semaphore(%run_scoped3A_104 : memref<!tpu.dma_semaphore, #tpu.memory_space<semaphore_mem>>)
      %dma_wait3A = arith.constant 0 : i32
      %dma_wait3A_112 = arith.constant 0 : i32
      %dma_wait3A_113 = tpu.memref_slice %arg6[%add3A, %dma_wait3A, %dma_wait3A_112] : memref<32x125x80xi32, #tpu.memory_space<hbm>> -> memref<1x125x80xi32, #tpu.memory_space<hbm>>
      %dma_wait3A_114 = tpu.memref_squeeze %dma_wait3A_113 : memref<1x125x80xi32, #tpu.memory_space<hbm>> -> memref<125x80xi32, #tpu.memory_space<hbm>>
      %dma_wait3A_115 = arith.constant 0 : i32
      %dma_wait3A_116 = arith.constant 0 : i32
      %dma_wait3A_117 = tpu.memref_slice %arg6[%add3A, %dma_wait3A_115, %dma_wait3A_116] : memref<32x125x80xi32, #tpu.memory_space<hbm>> -> memref<1x125x80xi32, #tpu.memory_space<hbm>>
      %dma_wait3A_118 = tpu.memref_squeeze %dma_wait3A_117 : memref<1x125x80xi32, #tpu.memory_space<hbm>> -> memref<125x80xi32, #tpu.memory_space<hbm>>
      tpu.wait_dma2 semaphore(%run_scoped3A_104 : memref<!tpu.dma_semaphore, #tpu.memory_space<semaphore_mem>>) src(%dma_wait3A_118 : memref<125x80xi32, #tpu.memory_space<hbm>>) dst(%arg11 : memref<125x80xi32, #tpu.memory_space<vmem>>)
      tpu.yield
    }) : () -> ()
    "tpu.region"() ({
      %run_scoped3A_104 = tpu.sem_alloc : memref<!tpu.dma_semaphore, #tpu.memory_space<semaphore_mem>>
      %dma_start3A = arith.constant 0 : i32
      %dma_start3A_105 = arith.constant 0 : i32
      %dma_start3A_106 = tpu.memref_slice %arg7[%add3A, %dma_start3A, %dma_start3A_105] : memref<32x125x80xi32, #tpu.memory_space<hbm>> -> memref<1x125x80xi32, #tpu.memory_space<hbm>>
      %dma_start3A_107 = tpu.memref_squeeze %dma_start3A_106 : memref<1x125x80xi32, #tpu.memory_space<hbm>> -> memref<125x80xi32, #tpu.memory_space<hbm>>
      %dma_start3A_108 = arith.constant 0 : i32
      %dma_start3A_109 = arith.constant 0 : i32
      %dma_start3A_110 = tpu.memref_slice %arg7[%add3A, %dma_start3A_108, %dma_start3A_109] : memref<32x125x80xi32, #tpu.memory_space<hbm>> -> memref<1x125x80xi32, #tpu.memory_space<hbm>>
      %dma_start3A_111 = tpu.memref_squeeze %dma_start3A_110 : memref<1x125x80xi32, #tpu.memory_space<hbm>> -> memref<125x80xi32, #tpu.memory_space<hbm>>
      tpu.enqueue_dma source(%dma_start3A_111 : memref<125x80xi32, #tpu.memory_space<hbm>>) target(%arg12 : memref<125x80xi32, #tpu.memory_space<vmem>>) target_semaphore(%run_scoped3A_104 : memref<!tpu.dma_semaphore, #tpu.memory_space<semaphore_mem>>)
      %dma_wait3A = arith.constant 0 : i32
      %dma_wait3A_112 = arith.constant 0 : i32
      %dma_wait3A_113 = tpu.memref_slice %arg7[%add3A, %dma_wait3A, %dma_wait3A_112] : memref<32x125x80xi32, #tpu.memory_space<hbm>> -> memref<1x125x80xi32, #tpu.memory_space<hbm>>
      %dma_wait3A_114 = tpu.memref_squeeze %dma_wait3A_113 : memref<1x125x80xi32, #tpu.memory_space<hbm>> -> memref<125x80xi32, #tpu.memory_space<hbm>>
      %dma_wait3A_115 = arith.constant 0 : i32
      %dma_wait3A_116 = arith.constant 0 : i32
      %dma_wait3A_117 = tpu.memref_slice %arg7[%add3A, %dma_wait3A_115, %dma_wait3A_116] : memref<32x125x80xi32, #tpu.memory_space<hbm>> -> memref<1x125x80xi32, #tpu.memory_space<hbm>>
      %dma_wait3A_118 = tpu.memref_squeeze %dma_wait3A_117 : memref<1x125x80xi32, #tpu.memory_space<hbm>> -> memref<125x80xi32, #tpu.memory_space<hbm>>
      tpu.wait_dma2 semaphore(%run_scoped3A_104 : memref<!tpu.dma_semaphore, #tpu.memory_space<semaphore_mem>>) src(%dma_wait3A_118 : memref<125x80xi32, #tpu.memory_space<hbm>>) dst(%arg12 : memref<125x80xi32, #tpu.memory_space<vmem>>)
      tpu.yield
    }) : () -> ()
    "tpu.region"() ({
      %run_scoped3A_104 = tpu.sem_alloc : memref<!tpu.dma_semaphore, #tpu.memory_space<semaphore_mem>>
      %dma_start3A = arith.constant 0 : i32
      %dma_start3A_105 = arith.constant 0 : i32
      %dma_start3A_106 = tpu.memref_slice %arg8[%add3A, %dma_start3A, %dma_start3A_105] : memref<32x125x80xi32, #tpu.memory_space<hbm>> -> memref<1x125x80xi32, #tpu.memory_space<hbm>>
      %dma_start3A_107 = tpu.memref_squeeze %dma_start3A_106 : memref<1x125x80xi32, #tpu.memory_space<hbm>> -> memref<125x80xi32, #tpu.memory_space<hbm>>
      %dma_start3A_108 = arith.constant 0 : i32
      %dma_start3A_109 = arith.constant 0 : i32
      %dma_start3A_110 = tpu.memref_slice %arg8[%add3A, %dma_start3A_108, %dma_start3A_109] : memref<32x125x80xi32, #tpu.memory_space<hbm>> -> memref<1x125x80xi32, #tpu.memory_space<hbm>>
      %dma_start3A_111 = tpu.memref_squeeze %dma_start3A_110 : memref<1x125x80xi32, #tpu.memory_space<hbm>> -> memref<125x80xi32, #tpu.memory_space<hbm>>
      tpu.enqueue_dma source(%dma_start3A_111 : memref<125x80xi32, #tpu.memory_space<hbm>>) target(%arg13 : memref<125x80xi32, #tpu.memory_space<vmem>>) target_semaphore(%run_scoped3A_104 : memref<!tpu.dma_semaphore, #tpu.memory_space<semaphore_mem>>)
      %dma_wait3A = arith.constant 0 : i32
      %dma_wait3A_112 = arith.constant 0 : i32
      %dma_wait3A_113 = tpu.memref_slice %arg8[%add3A, %dma_wait3A, %dma_wait3A_112] : memref<32x125x80xi32, #tpu.memory_space<hbm>> -> memref<1x125x80xi32, #tpu.memory_space<hbm>>
      %dma_wait3A_114 = tpu.memref_squeeze %dma_wait3A_113 : memref<1x125x80xi32, #tpu.memory_space<hbm>> -> memref<125x80xi32, #tpu.memory_space<hbm>>
      %dma_wait3A_115 = arith.constant 0 : i32
      %dma_wait3A_116 = arith.constant 0 : i32
      %dma_wait3A_117 = tpu.memref_slice %arg8[%add3A, %dma_wait3A_115, %dma_wait3A_116] : memref<32x125x80xi32, #tpu.memory_space<hbm>> -> memref<1x125x80xi32, #tpu.memory_space<hbm>>
      %dma_wait3A_118 = tpu.memref_squeeze %dma_wait3A_117 : memref<1x125x80xi32, #tpu.memory_space<hbm>> -> memref<125x80xi32, #tpu.memory_space<hbm>>
      tpu.wait_dma2 semaphore(%run_scoped3A_104 : memref<!tpu.dma_semaphore, #tpu.memory_space<semaphore_mem>>) src(%dma_wait3A_118 : memref<125x80xi32, #tpu.memory_space<hbm>>) dst(%arg13 : memref<125x80xi32, #tpu.memory_space<vmem>>)
      tpu.yield
    }) : () -> ()
    "tpu.region"() ({
      %run_scoped3A_104 = tpu.sem_alloc : memref<!tpu.dma_semaphore, #tpu.memory_space<semaphore_mem>>
      %dma_start3A = arith.constant 0 : i32
      %dma_start3A_105 = arith.constant 0 : i32
      %dma_start3A_106 = tpu.memref_slice %arg9[%add3A, %dma_start3A, %dma_start3A_105] : memref<32x125x80xf32, #tpu.memory_space<hbm>> -> memref<1x125x80xf32, #tpu.memory_space<hbm>>
      %dma_start3A_107 = tpu.memref_squeeze %dma_start3A_106 : memref<1x125x80xf32, #tpu.memory_space<hbm>> -> memref<125x80xf32, #tpu.memory_space<hbm>>
      %dma_start3A_108 = arith.constant 0 : i32
      %dma_start3A_109 = arith.constant 0 : i32
      %dma_start3A_110 = tpu.memref_slice %arg9[%add3A, %dma_start3A_108, %dma_start3A_109] : memref<32x125x80xf32, #tpu.memory_space<hbm>> -> memref<1x125x80xf32, #tpu.memory_space<hbm>>
      %dma_start3A_111 = tpu.memref_squeeze %dma_start3A_110 : memref<1x125x80xf32, #tpu.memory_space<hbm>> -> memref<125x80xf32, #tpu.memory_space<hbm>>
      tpu.enqueue_dma source(%dma_start3A_111 : memref<125x80xf32, #tpu.memory_space<hbm>>) target(%arg14 : memref<125x80xf32, #tpu.memory_space<vmem>>) target_semaphore(%run_scoped3A_104 : memref<!tpu.dma_semaphore, #tpu.memory_space<semaphore_mem>>)
      %dma_wait3A = arith.constant 0 : i32
      %dma_wait3A_112 = arith.constant 0 : i32
      %dma_wait3A_113 = tpu.memref_slice %arg9[%add3A, %dma_wait3A, %dma_wait3A_112] : memref<32x125x80xf32, #tpu.memory_space<hbm>> -> memref<1x125x80xf32, #tpu.memory_space<hbm>>
      %dma_wait3A_114 = tpu.memref_squeeze %dma_wait3A_113 : memref<1x125x80xf32, #tpu.memory_space<hbm>> -> memref<125x80xf32, #tpu.memory_space<hbm>>
      %dma_wait3A_115 = arith.constant 0 : i32
      %dma_wait3A_116 = arith.constant 0 : i32
      %dma_wait3A_117 = tpu.memref_slice %arg9[%add3A, %dma_wait3A_115, %dma_wait3A_116] : memref<32x125x80xf32, #tpu.memory_space<hbm>> -> memref<1x125x80xf32, #tpu.memory_space<hbm>>
      %dma_wait3A_118 = tpu.memref_squeeze %dma_wait3A_117 : memref<1x125x80xf32, #tpu.memory_space<hbm>> -> memref<125x80xf32, #tpu.memory_space<hbm>>
      tpu.wait_dma2 semaphore(%run_scoped3A_104 : memref<!tpu.dma_semaphore, #tpu.memory_space<semaphore_mem>>) src(%dma_wait3A_118 : memref<125x80xf32, #tpu.memory_space<hbm>>) dst(%arg14 : memref<125x80xf32, #tpu.memory_space<vmem>>)
      tpu.yield
    }) : () -> ()
    %scan3A = arith.constant 0 : i32
    %scan3A_1 = arith.constant 0 : i32
    %scan3A_2 = arith.constant 80 : i32
    %scan3A_3 = arith.addi %scan3A_1, %scan3A_2 : i32
    %scan3A_4 = arith.constant 1 : i32
    %scan3A_5 = scf.for %scan3A_104 = %scan3A_1 to %scan3A_3 step %scan3A_4 iter_args(%scan3A_105 = %scan3A) -> (i32)  : i32 {
      %broadcast_in_dim3A = arith.constant 0.000000e+00 : f32
      %broadcast_in_dim3A_106 = vector.broadcast %broadcast_in_dim3A : f32 to vector<16xf32>
      %swap3A = arith.index_cast %scan3A_104 : i32 to index
      %swap3A_107 = arith.constant 0 : index
      %swap3A_108 = tpu.vector_load %arg17[%swap3A, %swap3A_107] {strides = array<i32>} : memref<80x64xf32, #tpu.memory_space<vmem>>, vector<16xf32>,
      tpu.vector_store %arg17[%swap3A, %swap3A_107], %broadcast_in_dim3A_106 {strides = array<i32>} : memref<80x64xf32, #tpu.memory_space<vmem>>, vector<16xf32>,
      %broadcast_in_dim3A_109 = arith.constant 0.000000e+00 : f32
      %broadcast_in_dim3A_110 = vector.broadcast %broadcast_in_dim3A_109 : f32 to vector<16xf32>
      %swap3A_111 = arith.index_cast %scan3A_104 : i32 to index
      %swap3A_112 = arith.constant 16 : index
      %swap3A_113 = tpu.vector_load %arg17[%swap3A_111, %swap3A_112] {strides = array<i32>} : memref<80x64xf32, #tpu.memory_space<vmem>>, vector<16xf32>,
      tpu.vector_store %arg17[%swap3A_111, %swap3A_112], %broadcast_in_dim3A_110 {strides = array<i32>} : memref<80x64xf32, #tpu.memory_space<vmem>>, vector<16xf32>,
      %broadcast_in_dim3A_114 = arith.constant 0.000000e+00 : f32
      %broadcast_in_dim3A_115 = vector.broadcast %broadcast_in_dim3A_114 : f32 to vector<16xf32>
      %swap3A_116 = arith.index_cast %scan3A_104 : i32 to index
      %swap3A_117 = arith.constant 32 : index
      %swap3A_118 = tpu.vector_load %arg17[%swap3A_116, %swap3A_117] {strides = array<i32>} : memref<80x64xf32, #tpu.memory_space<vmem>>, vector<16xf32>,
      tpu.vector_store %arg17[%swap3A_116, %swap3A_117], %broadcast_in_dim3A_115 {strides = array<i32>} : memref<80x64xf32, #tpu.memory_space<vmem>>, vector<16xf32>,
      %broadcast_in_dim3A_119 = arith.constant 0.000000e+00 : f32
      %broadcast_in_dim3A_120 = vector.broadcast %broadcast_in_dim3A_119 : f32 to vector<16xf32>
      %swap3A_121 = arith.index_cast %scan3A_104 : i32 to index
      %swap3A_122 = arith.constant 48 : index
      %swap3A_123 = tpu.vector_load %arg17[%swap3A_121, %swap3A_122] {strides = array<i32>} : memref<80x64xf32, #tpu.memory_space<vmem>>, vector<16xf32>,
      tpu.vector_store %arg17[%swap3A_121, %swap3A_122], %broadcast_in_dim3A_120 {strides = array<i32>} : memref<80x64xf32, #tpu.memory_space<vmem>>, vector<16xf32>,
      %scan3A_124 = arith.constant 0 : i32
      scf.yield %scan3A_124 : i32
    }
    %scan3A_6 = arith.constant 80 : i32
    %mul3A_7 = arith.constant 640 : i32
    %mul3A_8 = arith.muli %arg1, %mul3A_7 : i32
    %add3A_9 = arith.constant 0 : i32
    %add3A_10 = arith.addi %mul3A_8, %add3A_9 : i32
    "tpu.region"() ({
      %run_scoped3A_104 = tpu.sem_alloc : memref<!tpu.dma_semaphore, #tpu.memory_space<semaphore_mem>>
      %dma_start3A = arith.constant 0 : i32
      %dma_start3A_105 = tpu.memref_slice %arg18[%add3A_10, %dma_start3A] : memref<10240x64xf32, #tpu.memory_space<vmem_shared>> -> memref<80x64xf32, #tpu.memory_space<vmem_shared>>
      %dma_start3A_106 = arith.constant 0 : i32
      %dma_start3A_107 = tpu.memref_slice %arg18[%add3A_10, %dma_start3A_106] : memref<10240x64xf32, #tpu.memory_space<vmem_shared>> -> memref<80x64xf32, #tpu.memory_space<vmem_shared>>
      tpu.enqueue_dma source(%arg17 : memref<80x64xf32, #tpu.memory_space<vmem>>) target(%dma_start3A_107 : memref<80x64xf32, #tpu.memory_space<vmem_shared>>) target_semaphore(%run_scoped3A_104 : memref<!tpu.dma_semaphore, #tpu.memory_space<semaphore_mem>>)
      %dma_wait3A = arith.constant 0 : i32
      %dma_wait3A_108 = tpu.memref_slice %arg18[%add3A_10, %dma_wait3A] : memref<10240x64xf32, #tpu.memory_space<vmem_shared>> -> memref<80x64xf32, #tpu.memory_space<vmem_shared>>
      %dma_wait3A_109 = arith.constant 0 : i32
      %dma_wait3A_110 = tpu.memref_slice %arg18[%add3A_10, %dma_wait3A_109] : memref<10240x64xf32, #tpu.memory_space<vmem_shared>> -> memref<80x64xf32, #tpu.memory_space<vmem_shared>>
      tpu.wait_dma2 semaphore(%run_scoped3A_104 : memref<!tpu.dma_semaphore, #tpu.memory_space<semaphore_mem>>) src(%arg17 : memref<80x64xf32, #tpu.memory_space<vmem>>) dst(%dma_wait3A_110 : memref<80x64xf32, #tpu.memory_space<vmem_shared>>)
      tpu.yield
    }) : () -> ()
    %mul3A_11 = arith.constant 640 : i32
    %mul3A_12 = arith.muli %arg1, %mul3A_11 : i32
    %add3A_13 = arith.constant 80 : i32
    %add3A_14 = arith.addi %mul3A_12, %add3A_13 : i32
    "tpu.region"() ({
      %run_scoped3A_104 = tpu.sem_alloc : memref<!tpu.dma_semaphore, #tpu.memory_space<semaphore_mem>>
      %dma_start3A = arith.constant 0 : i32
      %dma_start3A_105 = tpu.memref_slice %arg18[%add3A_14, %dma_start3A] : memref<10240x64xf32, #tpu.memory_space<vmem_shared>> -> memref<80x64xf32, #tpu.memory_space<vmem_shared>>
      %dma_start3A_106 = arith.constant 0 : i32
      %dma_start3A_107 = tpu.memref_slice %arg18[%add3A_14, %dma_start3A_106] : memref<10240x64xf32, #tpu.memory_space<vmem_shared>> -> memref<80x64xf32, #tpu.memory_space<vmem_shared>>
      tpu.enqueue_dma source(%arg17 : memref<80x64xf32, #tpu.memory_space<vmem>>) target(%dma_start3A_107 : memref<80x64xf32, #tpu.memory_space<vmem_shared>>) target_semaphore(%run_scoped3A_104 : memref<!tpu.dma_semaphore, #tpu.memory_space<semaphore_mem>>)
      %dma_wait3A = arith.constant 0 : i32
      %dma_wait3A_108 = tpu.memref_slice %arg18[%add3A_14, %dma_wait3A] : memref<10240x64xf32, #tpu.memory_space<vmem_shared>> -> memref<80x64xf32, #tpu.memory_space<vmem_shared>>
      %dma_wait3A_109 = arith.constant 0 : i32
      %dma_wait3A_110 = tpu.memref_slice %arg18[%add3A_14, %dma_wait3A_109] : memref<10240x64xf32, #tpu.memory_space<vmem_shared>> -> memref<80x64xf32, #tpu.memory_space<vmem_shared>>
      tpu.wait_dma2 semaphore(%run_scoped3A_104 : memref<!tpu.dma_semaphore, #tpu.memory_space<semaphore_mem>>) src(%arg17 : memref<80x64xf32, #tpu.memory_space<vmem>>) dst(%dma_wait3A_110 : memref<80x64xf32, #tpu.memory_space<vmem_shared>>)
      tpu.yield
    }) : () -> ()
    %mul3A_15 = arith.constant 640 : i32
    %mul3A_16 = arith.muli %arg1, %mul3A_15 : i32
    %add3A_17 = arith.constant 160 : i32
    %add3A_18 = arith.addi %mul3A_16, %add3A_17 : i32
    "tpu.region"() ({
      %run_scoped3A_104 = tpu.sem_alloc : memref<!tpu.dma_semaphore, #tpu.memory_space<semaphore_mem>>
      %dma_start3A = arith.constant 0 : i32
      %dma_start3A_105 = tpu.memref_slice %arg18[%add3A_18, %dma_start3A] : memref<10240x64xf32, #tpu.memory_space<vmem_shared>> -> memref<80x64xf32, #tpu.memory_space<vmem_shared>>
      %dma_start3A_106 = arith.constant 0 : i32
      %dma_start3A_107 = tpu.memref_slice %arg18[%add3A_18, %dma_start3A_106] : memref<10240x64xf32, #tpu.memory_space<vmem_shared>> -> memref<80x64xf32, #tpu.memory_space<vmem_shared>>
      tpu.enqueue_dma source(%arg17 : memref<80x64xf32, #tpu.memory_space<vmem>>) target(%dma_start3A_107 : memref<80x64xf32, #tpu.memory_space<vmem_shared>>) target_semaphore(%run_scoped3A_104 : memref<!tpu.dma_semaphore, #tpu.memory_space<semaphore_mem>>)
      %dma_wait3A = arith.constant 0 : i32
      %dma_wait3A_108 = tpu.memref_slice %arg18[%add3A_18, %dma_wait3A] : memref<10240x64xf32, #tpu.memory_space<vmem_shared>> -> memref<80x64xf32, #tpu.memory_space<vmem_shared>>
      %dma_wait3A_109 = arith.constant 0 : i32
      %dma_wait3A_110 = tpu.memref_slice %arg18[%add3A_18, %dma_wait3A_109] : memref<10240x64xf32, #tpu.memory_space<vmem_shared>> -> memref<80x64xf32, #tpu.memory_space<vmem_shared>>
      tpu.wait_dma2 semaphore(%run_scoped3A_104 : memref<!tpu.dma_semaphore, #tpu.memory_space<semaphore_mem>>) src(%arg17 : memref<80x64xf32, #tpu.memory_space<vmem>>) dst(%dma_wait3A_110 : memref<80x64xf32, #tpu.memory_space<vmem_shared>>)
      tpu.yield
    }) : () -> ()
    %mul3A_19 = arith.constant 640 : i32
    %mul3A_20 = arith.muli %arg1, %mul3A_19 : i32
    %add3A_21 = arith.constant 240 : i32
    %add3A_22 = arith.addi %mul3A_20, %add3A_21 : i32
    "tpu.region"() ({
      %run_scoped3A_104 = tpu.sem_alloc : memref<!tpu.dma_semaphore, #tpu.memory_space<semaphore_mem>>
      %dma_start3A = arith.constant 0 : i32
      %dma_start3A_105 = tpu.memref_slice %arg18[%add3A_22, %dma_start3A] : memref<10240x64xf32, #tpu.memory_space<vmem_shared>> -> memref<80x64xf32, #tpu.memory_space<vmem_shared>>
      %dma_start3A_106 = arith.constant 0 : i32
      %dma_start3A_107 = tpu.memref_slice %arg18[%add3A_22, %dma_start3A_106] : memref<10240x64xf32, #tpu.memory_space<vmem_shared>> -> memref<80x64xf32, #tpu.memory_space<vmem_shared>>
      tpu.enqueue_dma source(%arg17 : memref<80x64xf32, #tpu.memory_space<vmem>>) target(%dma_start3A_107 : memref<80x64xf32, #tpu.memory_space<vmem_shared>>) target_semaphore(%run_scoped3A_104 : memref<!tpu.dma_semaphore, #tpu.memory_space<semaphore_mem>>)
      %dma_wait3A = arith.constant 0 : i32
      %dma_wait3A_108 = tpu.memref_slice %arg18[%add3A_22, %dma_wait3A] : memref<10240x64xf32, #tpu.memory_space<vmem_shared>> -> memref<80x64xf32, #tpu.memory_space<vmem_shared>>
      %dma_wait3A_109 = arith.constant 0 : i32
      %dma_wait3A_110 = tpu.memref_slice %arg18[%add3A_22, %dma_wait3A_109] : memref<10240x64xf32, #tpu.memory_space<vmem_shared>> -> memref<80x64xf32, #tpu.memory_space<vmem_shared>>
      tpu.wait_dma2 semaphore(%run_scoped3A_104 : memref<!tpu.dma_semaphore, #tpu.memory_space<semaphore_mem>>) src(%arg17 : memref<80x64xf32, #tpu.memory_space<vmem>>) dst(%dma_wait3A_110 : memref<80x64xf32, #tpu.memory_space<vmem_shared>>)
      tpu.yield
    }) : () -> ()
    %mul3A_23 = arith.constant 640 : i32
    %mul3A_24 = arith.muli %arg1, %mul3A_23 : i32
    %add3A_25 = arith.constant 320 : i32
    %add3A_26 = arith.addi %mul3A_24, %add3A_25 : i32
    "tpu.region"() ({
      %run_scoped3A_104 = tpu.sem_alloc : memref<!tpu.dma_semaphore, #tpu.memory_space<semaphore_mem>>
      %dma_start3A = arith.constant 0 : i32
      %dma_start3A_105 = tpu.memref_slice %arg18[%add3A_26, %dma_start3A] : memref<10240x64xf32, #tpu.memory_space<vmem_shared>> -> memref<80x64xf32, #tpu.memory_space<vmem_shared>>
      %dma_start3A_106 = arith.constant 0 : i32
      %dma_start3A_107 = tpu.memref_slice %arg18[%add3A_26, %dma_start3A_106] : memref<10240x64xf32, #tpu.memory_space<vmem_shared>> -> memref<80x64xf32, #tpu.memory_space<vmem_shared>>
      tpu.enqueue_dma source(%arg17 : memref<80x64xf32, #tpu.memory_space<vmem>>) target(%dma_start3A_107 : memref<80x64xf32, #tpu.memory_space<vmem_shared>>) target_semaphore(%run_scoped3A_104 : memref<!tpu.dma_semaphore, #tpu.memory_space<semaphore_mem>>)
      %dma_wait3A = arith.constant 0 : i32
      %dma_wait3A_108 = tpu.memref_slice %arg18[%add3A_26, %dma_wait3A] : memref<10240x64xf32, #tpu.memory_space<vmem_shared>> -> memref<80x64xf32, #tpu.memory_space<vmem_shared>>
      %dma_wait3A_109 = arith.constant 0 : i32
      %dma_wait3A_110 = tpu.memref_slice %arg18[%add3A_26, %dma_wait3A_109] : memref<10240x64xf32, #tpu.memory_space<vmem_shared>> -> memref<80x64xf32, #tpu.memory_space<vmem_shared>>
      tpu.wait_dma2 semaphore(%run_scoped3A_104 : memref<!tpu.dma_semaphore, #tpu.memory_space<semaphore_mem>>) src(%arg17 : memref<80x64xf32, #tpu.memory_space<vmem>>) dst(%dma_wait3A_110 : memref<80x64xf32, #tpu.memory_space<vmem_shared>>)
      tpu.yield
    }) : () -> ()
    %mul3A_27 = arith.constant 640 : i32
    %mul3A_28 = arith.muli %arg1, %mul3A_27 : i32
    %add3A_29 = arith.constant 400 : i32
    %add3A_30 = arith.addi %mul3A_28, %add3A_29 : i32
    "tpu.region"() ({
      %run_scoped3A_104 = tpu.sem_alloc : memref<!tpu.dma_semaphore, #tpu.memory_space<semaphore_mem>>
      %dma_start3A = arith.constant 0 : i32
      %dma_start3A_105 = tpu.memref_slice %arg18[%add3A_30, %dma_start3A] : memref<10240x64xf32, #tpu.memory_space<vmem_shared>> -> memref<80x64xf32, #tpu.memory_space<vmem_shared>>
      %dma_start3A_106 = arith.constant 0 : i32
      %dma_start3A_107 = tpu.memref_slice %arg18[%add3A_30, %dma_start3A_106] : memref<10240x64xf32, #tpu.memory_space<vmem_shared>> -> memref<80x64xf32, #tpu.memory_space<vmem_shared>>
      tpu.enqueue_dma source(%arg17 : memref<80x64xf32, #tpu.memory_space<vmem>>) target(%dma_start3A_107 : memref<80x64xf32, #tpu.memory_space<vmem_shared>>) target_semaphore(%run_scoped3A_104 : memref<!tpu.dma_semaphore, #tpu.memory_space<semaphore_mem>>)
      %dma_wait3A = arith.constant 0 : i32
      %dma_wait3A_108 = tpu.memref_slice %arg18[%add3A_30, %dma_wait3A] : memref<10240x64xf32, #tpu.memory_space<vmem_shared>> -> memref<80x64xf32, #tpu.memory_space<vmem_shared>>
      %dma_wait3A_109 = arith.constant 0 : i32
      %dma_wait3A_110 = tpu.memref_slice %arg18[%add3A_30, %dma_wait3A_109] : memref<10240x64xf32, #tpu.memory_space<vmem_shared>> -> memref<80x64xf32, #tpu.memory_space<vmem_shared>>
      tpu.wait_dma2 semaphore(%run_scoped3A_104 : memref<!tpu.dma_semaphore, #tpu.memory_space<semaphore_mem>>) src(%arg17 : memref<80x64xf32, #tpu.memory_space<vmem>>) dst(%dma_wait3A_110 : memref<80x64xf32, #tpu.memory_space<vmem_shared>>)
      tpu.yield
    }) : () -> ()
    %mul3A_31 = arith.constant 640 : i32
    %mul3A_32 = arith.muli %arg1, %mul3A_31 : i32
    %add3A_33 = arith.constant 480 : i32
    %add3A_34 = arith.addi %mul3A_32, %add3A_33 : i32
    "tpu.region"() ({
      %run_scoped3A_104 = tpu.sem_alloc : memref<!tpu.dma_semaphore, #tpu.memory_space<semaphore_mem>>
      %dma_start3A = arith.constant 0 : i32
      %dma_start3A_105 = tpu.memref_slice %arg18[%add3A_34, %dma_start3A] : memref<10240x64xf32, #tpu.memory_space<vmem_shared>> -> memref<80x64xf32, #tpu.memory_space<vmem_shared>>
      %dma_start3A_106 = arith.constant 0 : i32
      %dma_start3A_107 = tpu.memref_slice %arg18[%add3A_34, %dma_start3A_106] : memref<10240x64xf32, #tpu.memory_space<vmem_shared>> -> memref<80x64xf32, #tpu.memory_space<vmem_shared>>
      tpu.enqueue_dma source(%arg17 : memref<80x64xf32, #tpu.memory_space<vmem>>) target(%dma_start3A_107 : memref<80x64xf32, #tpu.memory_space<vmem_shared>>) target_semaphore(%run_scoped3A_104 : memref<!tpu.dma_semaphore, #tpu.memory_space<semaphore_mem>>)
      %dma_wait3A = arith.constant 0 : i32
      %dma_wait3A_108 = tpu.memref_slice %arg18[%add3A_34, %dma_wait3A] : memref<10240x64xf32, #tpu.memory_space<vmem_shared>> -> memref<80x64xf32, #tpu.memory_space<vmem_shared>>
      %dma_wait3A_109 = arith.constant 0 : i32
      %dma_wait3A_110 = tpu.memref_slice %arg18[%add3A_34, %dma_wait3A_109] : memref<10240x64xf32, #tpu.memory_space<vmem_shared>> -> memref<80x64xf32, #tpu.memory_space<vmem_shared>>
      tpu.wait_dma2 semaphore(%run_scoped3A_104 : memref<!tpu.dma_semaphore, #tpu.memory_space<semaphore_mem>>) src(%arg17 : memref<80x64xf32, #tpu.memory_space<vmem>>) dst(%dma_wait3A_110 : memref<80x64xf32, #tpu.memory_space<vmem_shared>>)
      tpu.yield
    }) : () -> ()
    %mul3A_35 = arith.constant 640 : i32
    %mul3A_36 = arith.muli %arg1, %mul3A_35 : i32
    %add3A_37 = arith.constant 560 : i32
    %add3A_38 = arith.addi %mul3A_36, %add3A_37 : i32
    "tpu.region"() ({
      %run_scoped3A_104 = tpu.sem_alloc : memref<!tpu.dma_semaphore, #tpu.memory_space<semaphore_mem>>
      %dma_start3A = arith.constant 0 : i32
      %dma_start3A_105 = tpu.memref_slice %arg18[%add3A_38, %dma_start3A] : memref<10240x64xf32, #tpu.memory_space<vmem_shared>> -> memref<80x64xf32, #tpu.memory_space<vmem_shared>>
      %dma_start3A_106 = arith.constant 0 : i32
      %dma_start3A_107 = tpu.memref_slice %arg18[%add3A_38, %dma_start3A_106] : memref<10240x64xf32, #tpu.memory_space<vmem_shared>> -> memref<80x64xf32, #tpu.memory_space<vmem_shared>>
      tpu.enqueue_dma source(%arg17 : memref<80x64xf32, #tpu.memory_space<vmem>>) target(%dma_start3A_107 : memref<80x64xf32, #tpu.memory_space<vmem_shared>>) target_semaphore(%run_scoped3A_104 : memref<!tpu.dma_semaphore, #tpu.memory_space<semaphore_mem>>)
      %dma_wait3A = arith.constant 0 : i32
      %dma_wait3A_108 = tpu.memref_slice %arg18[%add3A_38, %dma_wait3A] : memref<10240x64xf32, #tpu.memory_space<vmem_shared>> -> memref<80x64xf32, #tpu.memory_space<vmem_shared>>
      %dma_wait3A_109 = arith.constant 0 : i32
      %dma_wait3A_110 = tpu.memref_slice %arg18[%add3A_38, %dma_wait3A_109] : memref<10240x64xf32, #tpu.memory_space<vmem_shared>> -> memref<80x64xf32, #tpu.memory_space<vmem_shared>>
      tpu.wait_dma2 semaphore(%run_scoped3A_104 : memref<!tpu.dma_semaphore, #tpu.memory_space<semaphore_mem>>) src(%arg17 : memref<80x64xf32, #tpu.memory_space<vmem>>) dst(%dma_wait3A_110 : memref<80x64xf32, #tpu.memory_space<vmem_shared>>)
      tpu.yield
    }) : () -> ()
    %barrier3A = arith.constant 0 : index
    tpu.barrier barrier_id(%barrier3A)
    %scan3A_39 = arith.constant 0 : i32
    %scan3A_40 = arith.constant 0 : i32
    %scan3A_41 = arith.constant 125 : i32
    %scan3A_42 = arith.addi %scan3A_40, %scan3A_41 : i32
    %scan3A_43 = arith.constant 1 : i32
    %scan3A_44 = scf.for %scan3A_104 = %scan3A_40 to %scan3A_42 step %scan3A_43 iter_args(%scan3A_105 = %scan3A_39) -> (i32)  : i32 {
      %dma_start3A = arith.constant 0 : i32
      %dma_start3A_106 = tpu.memref_slice %arg11[%scan3A_104, %dma_start3A] : memref<125x80xi32, #tpu.memory_space<vmem>> -> memref<1x80xi32, #tpu.memory_space<vmem>>
      %dma_start3A_107 = tpu.memref_squeeze %dma_start3A_106 : memref<1x80xi32, #tpu.memory_space<vmem>> -> memref<80xi32, #tpu.memory_space<vmem>>
      %dma_start3A_108 = arith.constant 0 : i32
      %dma_start3A_109 = arith.constant 0 : i32
      %dma_start3A_110 = tpu.memref_slice %arg2[%dma_start3A_108, %dma_start3A_109] : memref<10000x64xf32, #tpu.memory_space<hbm>> -> memref<10000x64xf32, #tpu.memory_space<hbm>>
      tpu.enqueue_indirect_dma source(%dma_start3A_110 : memref<10000x64xf32, #tpu.memory_space<hbm>>) target(%arg15 : memref<80x64xf32, #tpu.memory_space<vmem>>) offsets(%dma_start3A_107 : memref<80xi32, #tpu.memory_space<vmem>>) semaphore(%arg19 : memref<!tpu.dma_semaphore, #tpu.memory_space<semaphore_mem>>)
      %dma_start3A_111 = arith.constant 0 : i32
      %dma_start3A_112 = tpu.memref_slice %arg13[%scan3A_104, %dma_start3A_111] : memref<125x80xi32, #tpu.memory_space<vmem>> -> memref<1x80xi32, #tpu.memory_space<vmem>>
      %dma_start3A_113 = tpu.memref_squeeze %dma_start3A_112 : memref<1x80xi32, #tpu.memory_space<vmem>> -> memref<80xi32, #tpu.memory_space<vmem>>
      %dma_start3A_114 = arith.constant 0 : i32
      %dma_start3A_115 = arith.constant 0 : i32
      %dma_start3A_116 = tpu.memref_slice %arg4[%dma_start3A_114, %dma_start3A_115] : memref<512x64xf32, #tpu.memory_space<hbm>> -> memref<512x64xf32, #tpu.memory_space<hbm>>
      tpu.enqueue_indirect_dma source(%dma_start3A_116 : memref<512x64xf32, #tpu.memory_space<hbm>>) target(%arg16 : memref<80x64xf32, #tpu.memory_space<vmem>>) offsets(%dma_start3A_113 : memref<80xi32, #tpu.memory_space<vmem>>) semaphore(%arg20 : memref<!tpu.dma_semaphore, #tpu.memory_space<semaphore_mem>>)
      %dma_wait3A = arith.constant 0 : i32
      %dma_wait3A_117 = tpu.memref_slice %arg11[%scan3A_104, %dma_wait3A] : memref<125x80xi32, #tpu.memory_space<vmem>> -> memref<1x80xi32, #tpu.memory_space<vmem>>
      %dma_wait3A_118 = tpu.memref_squeeze %dma_wait3A_117 : memref<1x80xi32, #tpu.memory_space<vmem>> -> memref<80xi32, #tpu.memory_space<vmem>>
      %dma_wait3A_119 = arith.constant 0 : i32
      %dma_wait3A_120 = arith.constant 0 : i32
      %dma_wait3A_121 = tpu.memref_slice %arg2[%dma_wait3A_119, %dma_wait3A_120] : memref<10000x64xf32, #tpu.memory_space<hbm>> -> memref<10000x64xf32, #tpu.memory_space<hbm>>
      tpu.wait_indirect_dma semaphore(%arg19 : memref<!tpu.dma_semaphore, #tpu.memory_space<semaphore_mem>>) src(%dma_wait3A_121 : memref<10000x64xf32, #tpu.memory_space<hbm>>) dst(%arg15 : memref<80x64xf32, #tpu.memory_space<vmem>>)
      %dma_wait3A_122 = arith.constant 0 : i32
      %dma_wait3A_123 = tpu.memref_slice %arg13[%scan3A_104, %dma_wait3A_122] : memref<125x80xi32, #tpu.memory_space<vmem>> -> memref<1x80xi32, #tpu.memory_space<vmem>>
      %dma_wait3A_124 = tpu.memref_squeeze %dma_wait3A_123 : memref<1x80xi32, #tpu.memory_space<vmem>> -> memref<80xi32, #tpu.memory_space<vmem>>
      %dma_wait3A_125 = arith.constant 0 : i32
      %dma_wait3A_126 = arith.constant 0 : i32
      %dma_wait3A_127 = tpu.memref_slice %arg4[%dma_wait3A_125, %dma_wait3A_126] : memref<512x64xf32, #tpu.memory_space<hbm>> -> memref<512x64xf32, #tpu.memory_space<hbm>>
      tpu.wait_indirect_dma semaphore(%arg20 : memref<!tpu.dma_semaphore, #tpu.memory_space<semaphore_mem>>) src(%dma_wait3A_127 : memref<512x64xf32, #tpu.memory_space<hbm>>) dst(%arg16 : memref<80x64xf32, #tpu.memory_space<vmem>>)
      %scan3A_128 = arith.constant 0 : i32
      %scan3A_129 = arith.constant 0 : i32
      %scan3A_130 = arith.constant 80 : i32
      %scan3A_131 = arith.addi %scan3A_129, %scan3A_130 : i32
      %scan3A_132 = arith.constant 1 : i32
      %scan3A_133 = scf.for %scan3A_136 = %scan3A_129 to %scan3A_131 step %scan3A_132 iter_args(%scan3A_137 = %scan3A_128) -> (i32)  : i32 {
        %broadcast_in_dim3A = vector.broadcast %scan3A_104 : i32 to vector<16xi32>
        %broadcast_in_dim3A_138 = vector.broadcast %scan3A_136 : i32 to vector<16xi32>
        %gather3A = tpu.vector_load_idx %arg14[%broadcast_in_dim3A, %broadcast_in_dim3A_138] : memref<125x80xf32, #tpu.memory_space<vmem>>[vector<16xi32>, vector<16xi32>], vector<16xf32>,
        %get3A = arith.index_cast %scan3A_136 : i32 to index
        %get3A_139 = arith.constant 0 : index
        %get3A_140 = tpu.vector_load %arg15[%get3A, %get3A_139] {strides = array<i32>} : memref<80x64xf32, #tpu.memory_space<vmem>>, vector<16xf32>,
        %get3A_141 = arith.index_cast %scan3A_136 : i32 to index
        %get3A_142 = arith.constant 0 : index
        %get3A_143 = tpu.vector_load %arg16[%get3A_141, %get3A_142] {strides = array<i32>} : memref<80x64xf32, #tpu.memory_space<vmem>>, vector<16xf32>,
        %add3A_144 = arith.addf %get3A_140, %get3A_143 : vector<16xf32>
        %max3A = arith.constant 0.000000e+00 : f32
        %max3A_145 = vector.broadcast %max3A : f32 to vector<16xf32>
        %max3A_146 = arith.maximumf %add3A_144, %max3A_145 : vector<16xf32>
        %mul3A_147 = arith.mulf %max3A_146, %gather3A : vector<16xf32>
        %swap3A = arith.index_cast %scan3A_136 : i32 to index
        %swap3A_148 = arith.constant 0 : index
        %swap3A_149 = tpu.vector_load %arg17[%swap3A, %swap3A_148] {strides = array<i32>} : memref<80x64xf32, #tpu.memory_space<vmem>>, vector<16xf32>,
        tpu.vector_store %arg17[%swap3A, %swap3A_148], %mul3A_147 {strides = array<i32>} : memref<80x64xf32, #tpu.memory_space<vmem>>, vector<16xf32>,
        %get3A_150 = arith.index_cast %scan3A_136 : i32 to index
        %get3A_151 = arith.constant 16 : index
        %get3A_152 = tpu.vector_load %arg15[%get3A_150, %get3A_151] {strides = array<i32>} : memref<80x64xf32, #tpu.memory_space<vmem>>, vector<16xf32>,
        %get3A_153 = arith.index_cast %scan3A_136 : i32 to index
        %get3A_154 = arith.constant 16 : index
        %get3A_155 = tpu.vector_load %arg16[%get3A_153, %get3A_154] {strides = array<i32>} : memref<80x64xf32, #tpu.memory_space<vmem>>, vector<16xf32>,
        %add3A_156 = arith.addf %get3A_152, %get3A_155 : vector<16xf32>
        %max3A_157 = arith.constant 0.000000e+00 : f32
        %max3A_158 = vector.broadcast %max3A_157 : f32 to vector<16xf32>
        %max3A_159 = arith.maximumf %add3A_156, %max3A_158 : vector<16xf32>
        %mul3A_160 = arith.mulf %max3A_159, %gather3A : vector<16xf32>
        %swap3A_161 = arith.index_cast %scan3A_136 : i32 to index
        %swap3A_162 = arith.constant 16 : index
        %swap3A_163 = tpu.vector_load %arg17[%swap3A_161, %swap3A_162] {strides = array<i32>} : memref<80x64xf32, #tpu.memory_space<vmem>>, vector<16xf32>,
        tpu.vector_store %arg17[%swap3A_161, %swap3A_162], %mul3A_160 {strides = array<i32>} : memref<80x64xf32, #tpu.memory_space<vmem>>, vector<16xf32>,
        %get3A_164 = arith.index_cast %scan3A_136 : i32 to index
        %get3A_165 = arith.constant 32 : index
        %get3A_166 = tpu.vector_load %arg15[%get3A_164, %get3A_165] {strides = array<i32>} : memref<80x64xf32, #tpu.memory_space<vmem>>, vector<16xf32>,
        %get3A_167 = arith.index_cast %scan3A_136 : i32 to index
        %get3A_168 = arith.constant 32 : index
        %get3A_169 = tpu.vector_load %arg16[%get3A_167, %get3A_168] {strides = array<i32>} : memref<80x64xf32, #tpu.memory_space<vmem>>, vector<16xf32>,
        %add3A_170 = arith.addf %get3A_166, %get3A_169 : vector<16xf32>
        %max3A_171 = arith.constant 0.000000e+00 : f32
        %max3A_172 = vector.broadcast %max3A_171 : f32 to vector<16xf32>
        %max3A_173 = arith.maximumf %add3A_170, %max3A_172 : vector<16xf32>
        %mul3A_174 = arith.mulf %max3A_173, %gather3A : vector<16xf32>
        %swap3A_175 = arith.index_cast %scan3A_136 : i32 to index
        %swap3A_176 = arith.constant 32 : index
        %swap3A_177 = tpu.vector_load %arg17[%swap3A_175, %swap3A_176] {strides = array<i32>} : memref<80x64xf32, #tpu.memory_space<vmem>>, vector<16xf32>,
        tpu.vector_store %arg17[%swap3A_175, %swap3A_176], %mul3A_174 {strides = array<i32>} : memref<80x64xf32, #tpu.memory_space<vmem>>, vector<16xf32>,
        %get3A_178 = arith.index_cast %scan3A_136 : i32 to index
        %get3A_179 = arith.constant 48 : index
        %get3A_180 = tpu.vector_load %arg15[%get3A_178, %get3A_179] {strides = array<i32>} : memref<80x64xf32, #tpu.memory_space<vmem>>, vector<16xf32>,
        %get3A_181 = arith.index_cast %scan3A_136 : i32 to index
        %get3A_182 = arith.constant 48 : index
        %get3A_183 = tpu.vector_load %arg16[%get3A_181, %get3A_182] {strides = array<i32>} : memref<80x64xf32, #tpu.memory_space<vmem>>, vector<16xf32>,
        %add3A_184 = arith.addf %get3A_180, %get3A_183 : vector<16xf32>
        %max3A_185 = arith.constant 0.000000e+00 : f32
        %max3A_186 = vector.broadcast %max3A_185 : f32 to vector<16xf32>
        %max3A_187 = arith.maximumf %add3A_184, %max3A_186 : vector<16xf32>
        %mul3A_188 = arith.mulf %max3A_187, %gather3A : vector<16xf32>
        %swap3A_189 = arith.index_cast %scan3A_136 : i32 to index
        %swap3A_190 = arith.constant 48 : index
        %swap3A_191 = tpu.vector_load %arg17[%swap3A_189, %swap3A_190] {strides = array<i32>} : memref<80x64xf32, #tpu.memory_space<vmem>>, vector<16xf32>,
        tpu.vector_store %arg17[%swap3A_189, %swap3A_190], %mul3A_188 {strides = array<i32>} : memref<80x64xf32, #tpu.memory_space<vmem>>, vector<16xf32>,
        %scan3A_192 = arith.constant 0 : i32
        scf.yield %scan3A_192 : i32
      }
      %scan3A_134 = arith.constant 80 : i32
      "tpu.region"() ({
        %run_scoped3A_136 = tpu.sem_alloc : memref<!tpu.dma_semaphore, #tpu.memory_space<semaphore_mem>>
        %dma_start3A_137 = arith.constant 0 : i32
        %dma_start3A_138 = tpu.memref_slice %arg12[%scan3A_104, %dma_start3A_137] : memref<125x80xi32, #tpu.memory_space<vmem>> -> memref<1x80xi32, #tpu.memory_space<vmem>>
        %dma_start3A_139 = tpu.memref_squeeze %dma_start3A_138 : memref<1x80xi32, #tpu.memory_space<vmem>> -> memref<80xi32, #tpu.memory_space<vmem>>
        %dma_start3A_140 = arith.constant 0 : i32
        %dma_start3A_141 = arith.constant 0 : i32
        %dma_start3A_142 = tpu.memref_slice %arg18[%dma_start3A_140, %dma_start3A_141] : memref<10240x64xf32, #tpu.memory_space<vmem_shared>> -> memref<10240x64xf32, #tpu.memory_space<vmem_shared>>
        tpu.enqueue_indirect_dma source(%arg17 : memref<80x64xf32, #tpu.memory_space<vmem>>) target(%dma_start3A_142 : memref<10240x64xf32, #tpu.memory_space<vmem_shared>>) offsets(%dma_start3A_139 : memref<80xi32, #tpu.memory_space<vmem>>) semaphore(%run_scoped3A_136 : memref<!tpu.dma_semaphore, #tpu.memory_space<semaphore_mem>>) {add = true}
        %dma_wait3A_143 = arith.constant 0 : i32
        %dma_wait3A_144 = tpu.memref_slice %arg12[%scan3A_104, %dma_wait3A_143] : memref<125x80xi32, #tpu.memory_space<vmem>> -> memref<1x80xi32, #tpu.memory_space<vmem>>
        %dma_wait3A_145 = tpu.memref_squeeze %dma_wait3A_144 : memref<1x80xi32, #tpu.memory_space<vmem>> -> memref<80xi32, #tpu.memory_space<vmem>>
        %dma_wait3A_146 = arith.constant 0 : i32
        %dma_wait3A_147 = arith.constant 0 : i32
        %dma_wait3A_148 = tpu.memref_slice %arg18[%dma_wait3A_146, %dma_wait3A_147] : memref<10240x64xf32, #tpu.memory_space<vmem_shared>> -> memref<10240x64xf32, #tpu.memory_space<vmem_shared>>
        tpu.wait_indirect_dma semaphore(%run_scoped3A_136 : memref<!tpu.dma_semaphore, #tpu.memory_space<semaphore_mem>>) src(%arg17 : memref<80x64xf32, #tpu.memory_space<vmem>>) dst(%dma_wait3A_148 : memref<10240x64xf32, #tpu.memory_space<vmem_shared>>)
        tpu.yield
      }) : () -> ()
      %scan3A_135 = arith.constant 0 : i32
      scf.yield %scan3A_135 : i32
    }
    %scan3A_45 = arith.constant 125 : i32
    %barrier3A_46 = arith.constant 0 : index
    tpu.barrier barrier_id(%barrier3A_46)
    %mul3A_47 = arith.constant 640 : i32
    %mul3A_48 = arith.muli %arg1, %mul3A_47 : i32
    %mul3A_49 = arith.constant 640 : i32
    %mul3A_50 = arith.muli %arg1, %mul3A_49 : i32
    %run_scoped3A = arith.constant 0 : i32
    "tpu.region"() ({
      %run_scoped3A_104 = tpu.sem_alloc : memref<!tpu.dma_semaphore, #tpu.memory_space<semaphore_mem>>
      %dma_start3A = arith.constant 0 : i32
      %dma_start3A_105 = arith.constant 0 : i32
      %dma_start3A_106 = tpu.memref_slice %arg10[%arg0, %run_scoped3A, %dma_start3A, %dma_start3A_105] : memref<2x2x10240x64xf32, #tpu.memory_space<hbm>> -> memref<1x1x10240x64xf32, #tpu.memory_space<hbm>>
      %dma_start3A_107 = tpu.memref_squeeze %dma_start3A_106 : memref<1x1x10240x64xf32, #tpu.memory_space<hbm>> -> memref<10240x64xf32, #tpu.memory_space<hbm>>
      %dma_start3A_108 = arith.constant 0 : i32
      %dma_start3A_109 = tpu.memref_slice %dma_start3A_107[%mul3A_50, %dma_start3A_108] : memref<10240x64xf32, #tpu.memory_space<hbm>> -> memref<640x64xf32, #tpu.memory_space<hbm>>
      %dma_start3A_110 = arith.constant 0 : i32
      %dma_start3A_111 = tpu.memref_slice %arg18[%mul3A_48, %dma_start3A_110] : memref<10240x64xf32, #tpu.memory_space<vmem_shared>> -> memref<640x64xf32, #tpu.memory_space<vmem_shared>>
      tpu.enqueue_dma source(%dma_start3A_111 : memref<640x64xf32, #tpu.memory_space<vmem_shared>>) target(%dma_start3A_109 : memref<640x64xf32, #tpu.memory_space<hbm>>) target_semaphore(%run_scoped3A_104 : memref<!tpu.dma_semaphore, #tpu.memory_space<semaphore_mem>>)
      %dma_wait3A = arith.constant 0 : i32
      %dma_wait3A_112 = arith.constant 0 : i32
      %dma_wait3A_113 = tpu.memref_slice %arg10[%arg0, %run_scoped3A, %dma_wait3A, %dma_wait3A_112] : memref<2x2x10240x64xf32, #tpu.memory_space<hbm>> -> memref<1x1x10240x64xf32, #tpu.memory_space<hbm>>
      %dma_wait3A_114 = tpu.memref_squeeze %dma_wait3A_113 : memref<1x1x10240x64xf32, #tpu.memory_space<hbm>> -> memref<10240x64xf32, #tpu.memory_space<hbm>>
      %dma_wait3A_115 = arith.constant 0 : i32
      %dma_wait3A_116 = tpu.memref_slice %dma_wait3A_114[%mul3A_50, %dma_wait3A_115] : memref<10240x64xf32, #tpu.memory_space<hbm>> -> memref<640x64xf32, #tpu.memory_space<hbm>>
      %dma_wait3A_117 = arith.constant 0 : i32
      %dma_wait3A_118 = tpu.memref_slice %arg18[%mul3A_48, %dma_wait3A_117] : memref<10240x64xf32, #tpu.memory_space<vmem_shared>> -> memref<640x64xf32, #tpu.memory_space<vmem_shared>>
      tpu.wait_dma2 semaphore(%run_scoped3A_104 : memref<!tpu.dma_semaphore, #tpu.memory_space<semaphore_mem>>) src(%dma_wait3A_118 : memref<640x64xf32, #tpu.memory_space<vmem_shared>>) dst(%dma_wait3A_116 : memref<640x64xf32, #tpu.memory_space<hbm>>)
      tpu.yield
    }) : () -> ()
    %scan3A_51 = arith.constant 0 : i32
    %scan3A_52 = arith.constant 0 : i32
    %scan3A_53 = arith.constant 80 : i32
    %scan3A_54 = arith.addi %scan3A_52, %scan3A_53 : i32
    %scan3A_55 = arith.constant 1 : i32
    %scan3A_56 = scf.for %scan3A_104 = %scan3A_52 to %scan3A_54 step %scan3A_55 iter_args(%scan3A_105 = %scan3A_51) -> (i32)  : i32 {
      %broadcast_in_dim3A = arith.constant 0.000000e+00 : f32
      %broadcast_in_dim3A_106 = vector.broadcast %broadcast_in_dim3A : f32 to vector<16xf32>
      %swap3A = arith.index_cast %scan3A_104 : i32 to index
      %swap3A_107 = arith.constant 0 : index
      %swap3A_108 = tpu.vector_load %arg17[%swap3A, %swap3A_107] {strides = array<i32>} : memref<80x64xf32, #tpu.memory_space<vmem>>, vector<16xf32>,
      tpu.vector_store %arg17[%swap3A, %swap3A_107], %broadcast_in_dim3A_106 {strides = array<i32>} : memref<80x64xf32, #tpu.memory_space<vmem>>, vector<16xf32>,
      %broadcast_in_dim3A_109 = arith.constant 0.000000e+00 : f32
      %broadcast_in_dim3A_110 = vector.broadcast %broadcast_in_dim3A_109 : f32 to vector<16xf32>
      %swap3A_111 = arith.index_cast %scan3A_104 : i32 to index
      %swap3A_112 = arith.constant 16 : index
      %swap3A_113 = tpu.vector_load %arg17[%swap3A_111, %swap3A_112] {strides = array<i32>} : memref<80x64xf32, #tpu.memory_space<vmem>>, vector<16xf32>,
      tpu.vector_store %arg17[%swap3A_111, %swap3A_112], %broadcast_in_dim3A_110 {strides = array<i32>} : memref<80x64xf32, #tpu.memory_space<vmem>>, vector<16xf32>,
      %broadcast_in_dim3A_114 = arith.constant 0.000000e+00 : f32
      %broadcast_in_dim3A_115 = vector.broadcast %broadcast_in_dim3A_114 : f32 to vector<16xf32>
      %swap3A_116 = arith.index_cast %scan3A_104 : i32 to index
      %swap3A_117 = arith.constant 32 : index
      %swap3A_118 = tpu.vector_load %arg17[%swap3A_116, %swap3A_117] {strides = array<i32>} : memref<80x64xf32, #tpu.memory_space<vmem>>, vector<16xf32>,
      tpu.vector_store %arg17[%swap3A_116, %swap3A_117], %broadcast_in_dim3A_115 {strides = array<i32>} : memref<80x64xf32, #tpu.memory_space<vmem>>, vector<16xf32>,
      %broadcast_in_dim3A_119 = arith.constant 0.000000e+00 : f32
      %broadcast_in_dim3A_120 = vector.broadcast %broadcast_in_dim3A_119 : f32 to vector<16xf32>
      %swap3A_121 = arith.index_cast %scan3A_104 : i32 to index
      %swap3A_122 = arith.constant 48 : index
      %swap3A_123 = tpu.vector_load %arg17[%swap3A_121, %swap3A_122] {strides = array<i32>} : memref<80x64xf32, #tpu.memory_space<vmem>>, vector<16xf32>,
      tpu.vector_store %arg17[%swap3A_121, %swap3A_122], %broadcast_in_dim3A_120 {strides = array<i32>} : memref<80x64xf32, #tpu.memory_space<vmem>>, vector<16xf32>,
      %scan3A_124 = arith.constant 0 : i32
      scf.yield %scan3A_124 : i32
    }
    %scan3A_57 = arith.constant 80 : i32
    %mul3A_58 = arith.constant 640 : i32
    %mul3A_59 = arith.muli %arg1, %mul3A_58 : i32
    %add3A_60 = arith.constant 0 : i32
    %add3A_61 = arith.addi %mul3A_59, %add3A_60 : i32
    "tpu.region"() ({
      %run_scoped3A_104 = tpu.sem_alloc : memref<!tpu.dma_semaphore, #tpu.memory_space<semaphore_mem>>
      %dma_start3A = arith.constant 0 : i32
      %dma_start3A_105 = tpu.memref_slice %arg18[%add3A_61, %dma_start3A] : memref<10240x64xf32, #tpu.memory_space<vmem_shared>> -> memref<80x64xf32, #tpu.memory_space<vmem_shared>>
      %dma_start3A_106 = arith.constant 0 : i32
      %dma_start3A_107 = tpu.memref_slice %arg18[%add3A_61, %dma_start3A_106] : memref<10240x64xf32, #tpu.memory_space<vmem_shared>> -> memref<80x64xf32, #tpu.memory_space<vmem_shared>>
      tpu.enqueue_dma source(%arg17 : memref<80x64xf32, #tpu.memory_space<vmem>>) target(%dma_start3A_107 : memref<80x64xf32, #tpu.memory_space<vmem_shared>>) target_semaphore(%run_scoped3A_104 : memref<!tpu.dma_semaphore, #tpu.memory_space<semaphore_mem>>)
      %dma_wait3A = arith.constant 0 : i32
      %dma_wait3A_108 = tpu.memref_slice %arg18[%add3A_61, %dma_wait3A] : memref<10240x64xf32, #tpu.memory_space<vmem_shared>> -> memref<80x64xf32, #tpu.memory_space<vmem_shared>>
      %dma_wait3A_109 = arith.constant 0 : i32
      %dma_wait3A_110 = tpu.memref_slice %arg18[%add3A_61, %dma_wait3A_109] : memref<10240x64xf32, #tpu.memory_space<vmem_shared>> -> memref<80x64xf32, #tpu.memory_space<vmem_shared>>
      tpu.wait_dma2 semaphore(%run_scoped3A_104 : memref<!tpu.dma_semaphore, #tpu.memory_space<semaphore_mem>>) src(%arg17 : memref<80x64xf32, #tpu.memory_space<vmem>>) dst(%dma_wait3A_110 : memref<80x64xf32, #tpu.memory_space<vmem_shared>>)
      tpu.yield
    }) : () -> ()
    %mul3A_62 = arith.constant 640 : i32
    %mul3A_63 = arith.muli %arg1, %mul3A_62 : i32
    %add3A_64 = arith.constant 80 : i32
    %add3A_65 = arith.addi %mul3A_63, %add3A_64 : i32
    "tpu.region"() ({
      %run_scoped3A_104 = tpu.sem_alloc : memref<!tpu.dma_semaphore, #tpu.memory_space<semaphore_mem>>
      %dma_start3A = arith.constant 0 : i32
      %dma_start3A_105 = tpu.memref_slice %arg18[%add3A_65, %dma_start3A] : memref<10240x64xf32, #tpu.memory_space<vmem_shared>> -> memref<80x64xf32, #tpu.memory_space<vmem_shared>>
      %dma_start3A_106 = arith.constant 0 : i32
      %dma_start3A_107 = tpu.memref_slice %arg18[%add3A_65, %dma_start3A_106] : memref<10240x64xf32, #tpu.memory_space<vmem_shared>> -> memref<80x64xf32, #tpu.memory_space<vmem_shared>>
      tpu.enqueue_dma source(%arg17 : memref<80x64xf32, #tpu.memory_space<vmem>>) target(%dma_start3A_107 : memref<80x64xf32, #tpu.memory_space<vmem_shared>>) target_semaphore(%run_scoped3A_104 : memref<!tpu.dma_semaphore, #tpu.memory_space<semaphore_mem>>)
      %dma_wait3A = arith.constant 0 : i32
      %dma_wait3A_108 = tpu.memref_slice %arg18[%add3A_65, %dma_wait3A] : memref<10240x64xf32, #tpu.memory_space<vmem_shared>> -> memref<80x64xf32, #tpu.memory_space<vmem_shared>>
      %dma_wait3A_109 = arith.constant 0 : i32
      %dma_wait3A_110 = tpu.memref_slice %arg18[%add3A_65, %dma_wait3A_109] : memref<10240x64xf32, #tpu.memory_space<vmem_shared>> -> memref<80x64xf32, #tpu.memory_space<vmem_shared>>
      tpu.wait_dma2 semaphore(%run_scoped3A_104 : memref<!tpu.dma_semaphore, #tpu.memory_space<semaphore_mem>>) src(%arg17 : memref<80x64xf32, #tpu.memory_space<vmem>>) dst(%dma_wait3A_110 : memref<80x64xf32, #tpu.memory_space<vmem_shared>>)
      tpu.yield
    }) : () -> ()
    %mul3A_66 = arith.constant 640 : i32
    %mul3A_67 = arith.muli %arg1, %mul3A_66 : i32
    %add3A_68 = arith.constant 160 : i32
    %add3A_69 = arith.addi %mul3A_67, %add3A_68 : i32
    "tpu.region"() ({
      %run_scoped3A_104 = tpu.sem_alloc : memref<!tpu.dma_semaphore, #tpu.memory_space<semaphore_mem>>
      %dma_start3A = arith.constant 0 : i32
      %dma_start3A_105 = tpu.memref_slice %arg18[%add3A_69, %dma_start3A] : memref<10240x64xf32, #tpu.memory_space<vmem_shared>> -> memref<80x64xf32, #tpu.memory_space<vmem_shared>>
      %dma_start3A_106 = arith.constant 0 : i32
      %dma_start3A_107 = tpu.memref_slice %arg18[%add3A_69, %dma_start3A_106] : memref<10240x64xf32, #tpu.memory_space<vmem_shared>> -> memref<80x64xf32, #tpu.memory_space<vmem_shared>>
      tpu.enqueue_dma source(%arg17 : memref<80x64xf32, #tpu.memory_space<vmem>>) target(%dma_start3A_107 : memref<80x64xf32, #tpu.memory_space<vmem_shared>>) target_semaphore(%run_scoped3A_104 : memref<!tpu.dma_semaphore, #tpu.memory_space<semaphore_mem>>)
      %dma_wait3A = arith.constant 0 : i32
      %dma_wait3A_108 = tpu.memref_slice %arg18[%add3A_69, %dma_wait3A] : memref<10240x64xf32, #tpu.memory_space<vmem_shared>> -> memref<80x64xf32, #tpu.memory_space<vmem_shared>>
      %dma_wait3A_109 = arith.constant 0 : i32
      %dma_wait3A_110 = tpu.memref_slice %arg18[%add3A_69, %dma_wait3A_109] : memref<10240x64xf32, #tpu.memory_space<vmem_shared>> -> memref<80x64xf32, #tpu.memory_space<vmem_shared>>
      tpu.wait_dma2 semaphore(%run_scoped3A_104 : memref<!tpu.dma_semaphore, #tpu.memory_space<semaphore_mem>>) src(%arg17 : memref<80x64xf32, #tpu.memory_space<vmem>>) dst(%dma_wait3A_110 : memref<80x64xf32, #tpu.memory_space<vmem_shared>>)
      tpu.yield
    }) : () -> ()
    %mul3A_70 = arith.constant 640 : i32
    %mul3A_71 = arith.muli %arg1, %mul3A_70 : i32
    %add3A_72 = arith.constant 240 : i32
    %add3A_73 = arith.addi %mul3A_71, %add3A_72 : i32
    "tpu.region"() ({
      %run_scoped3A_104 = tpu.sem_alloc : memref<!tpu.dma_semaphore, #tpu.memory_space<semaphore_mem>>
      %dma_start3A = arith.constant 0 : i32
      %dma_start3A_105 = tpu.memref_slice %arg18[%add3A_73, %dma_start3A] : memref<10240x64xf32, #tpu.memory_space<vmem_shared>> -> memref<80x64xf32, #tpu.memory_space<vmem_shared>>
      %dma_start3A_106 = arith.constant 0 : i32
      %dma_start3A_107 = tpu.memref_slice %arg18[%add3A_73, %dma_start3A_106] : memref<10240x64xf32, #tpu.memory_space<vmem_shared>> -> memref<80x64xf32, #tpu.memory_space<vmem_shared>>
      tpu.enqueue_dma source(%arg17 : memref<80x64xf32, #tpu.memory_space<vmem>>) target(%dma_start3A_107 : memref<80x64xf32, #tpu.memory_space<vmem_shared>>) target_semaphore(%run_scoped3A_104 : memref<!tpu.dma_semaphore, #tpu.memory_space<semaphore_mem>>)
      %dma_wait3A = arith.constant 0 : i32
      %dma_wait3A_108 = tpu.memref_slice %arg18[%add3A_73, %dma_wait3A] : memref<10240x64xf32, #tpu.memory_space<vmem_shared>> -> memref<80x64xf32, #tpu.memory_space<vmem_shared>>
      %dma_wait3A_109 = arith.constant 0 : i32
      %dma_wait3A_110 = tpu.memref_slice %arg18[%add3A_73, %dma_wait3A_109] : memref<10240x64xf32, #tpu.memory_space<vmem_shared>> -> memref<80x64xf32, #tpu.memory_space<vmem_shared>>
      tpu.wait_dma2 semaphore(%run_scoped3A_104 : memref<!tpu.dma_semaphore, #tpu.memory_space<semaphore_mem>>) src(%arg17 : memref<80x64xf32, #tpu.memory_space<vmem>>) dst(%dma_wait3A_110 : memref<80x64xf32, #tpu.memory_space<vmem_shared>>)
      tpu.yield
    }) : () -> ()
    %mul3A_74 = arith.constant 640 : i32
    %mul3A_75 = arith.muli %arg1, %mul3A_74 : i32
    %add3A_76 = arith.constant 320 : i32
    %add3A_77 = arith.addi %mul3A_75, %add3A_76 : i32
    "tpu.region"() ({
      %run_scoped3A_104 = tpu.sem_alloc : memref<!tpu.dma_semaphore, #tpu.memory_space<semaphore_mem>>
      %dma_start3A = arith.constant 0 : i32
      %dma_start3A_105 = tpu.memref_slice %arg18[%add3A_77, %dma_start3A] : memref<10240x64xf32, #tpu.memory_space<vmem_shared>> -> memref<80x64xf32, #tpu.memory_space<vmem_shared>>
      %dma_start3A_106 = arith.constant 0 : i32
      %dma_start3A_107 = tpu.memref_slice %arg18[%add3A_77, %dma_start3A_106] : memref<10240x64xf32, #tpu.memory_space<vmem_shared>> -> memref<80x64xf32, #tpu.memory_space<vmem_shared>>
      tpu.enqueue_dma source(%arg17 : memref<80x64xf32, #tpu.memory_space<vmem>>) target(%dma_start3A_107 : memref<80x64xf32, #tpu.memory_space<vmem_shared>>) target_semaphore(%run_scoped3A_104 : memref<!tpu.dma_semaphore, #tpu.memory_space<semaphore_mem>>)
      %dma_wait3A = arith.constant 0 : i32
      %dma_wait3A_108 = tpu.memref_slice %arg18[%add3A_77, %dma_wait3A] : memref<10240x64xf32, #tpu.memory_space<vmem_shared>> -> memref<80x64xf32, #tpu.memory_space<vmem_shared>>
      %dma_wait3A_109 = arith.constant 0 : i32
      %dma_wait3A_110 = tpu.memref_slice %arg18[%add3A_77, %dma_wait3A_109] : memref<10240x64xf32, #tpu.memory_space<vmem_shared>> -> memref<80x64xf32, #tpu.memory_space<vmem_shared>>
      tpu.wait_dma2 semaphore(%run_scoped3A_104 : memref<!tpu.dma_semaphore, #tpu.memory_space<semaphore_mem>>) src(%arg17 : memref<80x64xf32, #tpu.memory_space<vmem>>) dst(%dma_wait3A_110 : memref<80x64xf32, #tpu.memory_space<vmem_shared>>)
      tpu.yield
    }) : () -> ()
    %mul3A_78 = arith.constant 640 : i32
    %mul3A_79 = arith.muli %arg1, %mul3A_78 : i32
    %add3A_80 = arith.constant 400 : i32
    %add3A_81 = arith.addi %mul3A_79, %add3A_80 : i32
    "tpu.region"() ({
      %run_scoped3A_104 = tpu.sem_alloc : memref<!tpu.dma_semaphore, #tpu.memory_space<semaphore_mem>>
      %dma_start3A = arith.constant 0 : i32
      %dma_start3A_105 = tpu.memref_slice %arg18[%add3A_81, %dma_start3A] : memref<10240x64xf32, #tpu.memory_space<vmem_shared>> -> memref<80x64xf32, #tpu.memory_space<vmem_shared>>
      %dma_start3A_106 = arith.constant 0 : i32
      %dma_start3A_107 = tpu.memref_slice %arg18[%add3A_81, %dma_start3A_106] : memref<10240x64xf32, #tpu.memory_space<vmem_shared>> -> memref<80x64xf32, #tpu.memory_space<vmem_shared>>
      tpu.enqueue_dma source(%arg17 : memref<80x64xf32, #tpu.memory_space<vmem>>) target(%dma_start3A_107 : memref<80x64xf32, #tpu.memory_space<vmem_shared>>) target_semaphore(%run_scoped3A_104 : memref<!tpu.dma_semaphore, #tpu.memory_space<semaphore_mem>>)
      %dma_wait3A = arith.constant 0 : i32
      %dma_wait3A_108 = tpu.memref_slice %arg18[%add3A_81, %dma_wait3A] : memref<10240x64xf32, #tpu.memory_space<vmem_shared>> -> memref<80x64xf32, #tpu.memory_space<vmem_shared>>
      %dma_wait3A_109 = arith.constant 0 : i32
      %dma_wait3A_110 = tpu.memref_slice %arg18[%add3A_81, %dma_wait3A_109] : memref<10240x64xf32, #tpu.memory_space<vmem_shared>> -> memref<80x64xf32, #tpu.memory_space<vmem_shared>>
      tpu.wait_dma2 semaphore(%run_scoped3A_104 : memref<!tpu.dma_semaphore, #tpu.memory_space<semaphore_mem>>) src(%arg17 : memref<80x64xf32, #tpu.memory_space<vmem>>) dst(%dma_wait3A_110 : memref<80x64xf32, #tpu.memory_space<vmem_shared>>)
      tpu.yield
    }) : () -> ()
    %mul3A_82 = arith.constant 640 : i32
    %mul3A_83 = arith.muli %arg1, %mul3A_82 : i32
    %add3A_84 = arith.constant 480 : i32
    %add3A_85 = arith.addi %mul3A_83, %add3A_84 : i32
    "tpu.region"() ({
      %run_scoped3A_104 = tpu.sem_alloc : memref<!tpu.dma_semaphore, #tpu.memory_space<semaphore_mem>>
      %dma_start3A = arith.constant 0 : i32
      %dma_start3A_105 = tpu.memref_slice %arg18[%add3A_85, %dma_start3A] : memref<10240x64xf32, #tpu.memory_space<vmem_shared>> -> memref<80x64xf32, #tpu.memory_space<vmem_shared>>
      %dma_start3A_106 = arith.constant 0 : i32
      %dma_start3A_107 = tpu.memref_slice %arg18[%add3A_85, %dma_start3A_106] : memref<10240x64xf32, #tpu.memory_space<vmem_shared>> -> memref<80x64xf32, #tpu.memory_space<vmem_shared>>
      tpu.enqueue_dma source(%arg17 : memref<80x64xf32, #tpu.memory_space<vmem>>) target(%dma_start3A_107 : memref<80x64xf32, #tpu.memory_space<vmem_shared>>) target_semaphore(%run_scoped3A_104 : memref<!tpu.dma_semaphore, #tpu.memory_space<semaphore_mem>>)
      %dma_wait3A = arith.constant 0 : i32
      %dma_wait3A_108 = tpu.memref_slice %arg18[%add3A_85, %dma_wait3A] : memref<10240x64xf32, #tpu.memory_space<vmem_shared>> -> memref<80x64xf32, #tpu.memory_space<vmem_shared>>
      %dma_wait3A_109 = arith.constant 0 : i32
      %dma_wait3A_110 = tpu.memref_slice %arg18[%add3A_85, %dma_wait3A_109] : memref<10240x64xf32, #tpu.memory_space<vmem_shared>> -> memref<80x64xf32, #tpu.memory_space<vmem_shared>>
      tpu.wait_dma2 semaphore(%run_scoped3A_104 : memref<!tpu.dma_semaphore, #tpu.memory_space<semaphore_mem>>) src(%arg17 : memref<80x64xf32, #tpu.memory_space<vmem>>) dst(%dma_wait3A_110 : memref<80x64xf32, #tpu.memory_space<vmem_shared>>)
      tpu.yield
    }) : () -> ()
    %mul3A_86 = arith.constant 640 : i32
    %mul3A_87 = arith.muli %arg1, %mul3A_86 : i32
    %add3A_88 = arith.constant 560 : i32
    %add3A_89 = arith.addi %mul3A_87, %add3A_88 : i32
    "tpu.region"() ({
      %run_scoped3A_104 = tpu.sem_alloc : memref<!tpu.dma_semaphore, #tpu.memory_space<semaphore_mem>>
      %dma_start3A = arith.constant 0 : i32
      %dma_start3A_105 = tpu.memref_slice %arg18[%add3A_89, %dma_start3A] : memref<10240x64xf32, #tpu.memory_space<vmem_shared>> -> memref<80x64xf32, #tpu.memory_space<vmem_shared>>
      %dma_start3A_106 = arith.constant 0 : i32
      %dma_start3A_107 = tpu.memref_slice %arg18[%add3A_89, %dma_start3A_106] : memref<10240x64xf32, #tpu.memory_space<vmem_shared>> -> memref<80x64xf32, #tpu.memory_space<vmem_shared>>
      tpu.enqueue_dma source(%arg17 : memref<80x64xf32, #tpu.memory_space<vmem>>) target(%dma_start3A_107 : memref<80x64xf32, #tpu.memory_space<vmem_shared>>) target_semaphore(%run_scoped3A_104 : memref<!tpu.dma_semaphore, #tpu.memory_space<semaphore_mem>>)
      %dma_wait3A = arith.constant 0 : i32
      %dma_wait3A_108 = tpu.memref_slice %arg18[%add3A_89, %dma_wait3A] : memref<10240x64xf32, #tpu.memory_space<vmem_shared>> -> memref<80x64xf32, #tpu.memory_space<vmem_shared>>
      %dma_wait3A_109 = arith.constant 0 : i32
      %dma_wait3A_110 = tpu.memref_slice %arg18[%add3A_89, %dma_wait3A_109] : memref<10240x64xf32, #tpu.memory_space<vmem_shared>> -> memref<80x64xf32, #tpu.memory_space<vmem_shared>>
      tpu.wait_dma2 semaphore(%run_scoped3A_104 : memref<!tpu.dma_semaphore, #tpu.memory_space<semaphore_mem>>) src(%arg17 : memref<80x64xf32, #tpu.memory_space<vmem>>) dst(%dma_wait3A_110 : memref<80x64xf32, #tpu.memory_space<vmem_shared>>)
      tpu.yield
    }) : () -> ()
    %barrier3A_90 = arith.constant 0 : index
    tpu.barrier barrier_id(%barrier3A_90)
    %scan3A_91 = arith.constant 0 : i32
    %scan3A_92 = arith.constant 0 : i32
    %scan3A_93 = arith.constant 125 : i32
    %scan3A_94 = arith.addi %scan3A_92, %scan3A_93 : i32
    %scan3A_95 = arith.constant 1 : i32
    %scan3A_96 = scf.for %scan3A_104 = %scan3A_92 to %scan3A_94 step %scan3A_95 iter_args(%scan3A_105 = %scan3A_91) -> (i32)  : i32 {
      %dma_start3A = arith.constant 0 : i32
      %dma_start3A_106 = tpu.memref_slice %arg11[%scan3A_104, %dma_start3A] : memref<125x80xi32, #tpu.memory_space<vmem>> -> memref<1x80xi32, #tpu.memory_space<vmem>>
      %dma_start3A_107 = tpu.memref_squeeze %dma_start3A_106 : memref<1x80xi32, #tpu.memory_space<vmem>> -> memref<80xi32, #tpu.memory_space<vmem>>
      %dma_start3A_108 = arith.constant 0 : i32
      %dma_start3A_109 = arith.constant 0 : i32
      %dma_start3A_110 = tpu.memref_slice %arg3[%dma_start3A_108, %dma_start3A_109] : memref<10000x64xf32, #tpu.memory_space<hbm>> -> memref<10000x64xf32, #tpu.memory_space<hbm>>
      tpu.enqueue_indirect_dma source(%dma_start3A_110 : memref<10000x64xf32, #tpu.memory_space<hbm>>) target(%arg15 : memref<80x64xf32, #tpu.memory_space<vmem>>) offsets(%dma_start3A_107 : memref<80xi32, #tpu.memory_space<vmem>>) semaphore(%arg19 : memref<!tpu.dma_semaphore, #tpu.memory_space<semaphore_mem>>)
      %dma_start3A_111 = arith.constant 0 : i32
      %dma_start3A_112 = tpu.memref_slice %arg13[%scan3A_104, %dma_start3A_111] : memref<125x80xi32, #tpu.memory_space<vmem>> -> memref<1x80xi32, #tpu.memory_space<vmem>>
      %dma_start3A_113 = tpu.memref_squeeze %dma_start3A_112 : memref<1x80xi32, #tpu.memory_space<vmem>> -> memref<80xi32, #tpu.memory_space<vmem>>
      %dma_start3A_114 = arith.constant 0 : i32
      %dma_start3A_115 = arith.constant 0 : i32
      %dma_start3A_116 = tpu.memref_slice %arg5[%dma_start3A_114, %dma_start3A_115] : memref<512x64xf32, #tpu.memory_space<hbm>> -> memref<512x64xf32, #tpu.memory_space<hbm>>
      tpu.enqueue_indirect_dma source(%dma_start3A_116 : memref<512x64xf32, #tpu.memory_space<hbm>>) target(%arg16 : memref<80x64xf32, #tpu.memory_space<vmem>>) offsets(%dma_start3A_113 : memref<80xi32, #tpu.memory_space<vmem>>) semaphore(%arg20 : memref<!tpu.dma_semaphore, #tpu.memory_space<semaphore_mem>>)
      %dma_wait3A = arith.constant 0 : i32
      %dma_wait3A_117 = tpu.memref_slice %arg11[%scan3A_104, %dma_wait3A] : memref<125x80xi32, #tpu.memory_space<vmem>> -> memref<1x80xi32, #tpu.memory_space<vmem>>
      %dma_wait3A_118 = tpu.memref_squeeze %dma_wait3A_117 : memref<1x80xi32, #tpu.memory_space<vmem>> -> memref<80xi32, #tpu.memory_space<vmem>>
      %dma_wait3A_119 = arith.constant 0 : i32
      %dma_wait3A_120 = arith.constant 0 : i32
      %dma_wait3A_121 = tpu.memref_slice %arg3[%dma_wait3A_119, %dma_wait3A_120] : memref<10000x64xf32, #tpu.memory_space<hbm>> -> memref<10000x64xf32, #tpu.memory_space<hbm>>
      tpu.wait_indirect_dma semaphore(%arg19 : memref<!tpu.dma_semaphore, #tpu.memory_space<semaphore_mem>>) src(%dma_wait3A_121 : memref<10000x64xf32, #tpu.memory_space<hbm>>) dst(%arg15 : memref<80x64xf32, #tpu.memory_space<vmem>>)
      %dma_wait3A_122 = arith.constant 0 : i32
      %dma_wait3A_123 = tpu.memref_slice %arg13[%scan3A_104, %dma_wait3A_122] : memref<125x80xi32, #tpu.memory_space<vmem>> -> memref<1x80xi32, #tpu.memory_space<vmem>>
      %dma_wait3A_124 = tpu.memref_squeeze %dma_wait3A_123 : memref<1x80xi32, #tpu.memory_space<vmem>> -> memref<80xi32, #tpu.memory_space<vmem>>
      %dma_wait3A_125 = arith.constant 0 : i32
      %dma_wait3A_126 = arith.constant 0 : i32
      %dma_wait3A_127 = tpu.memref_slice %arg5[%dma_wait3A_125, %dma_wait3A_126] : memref<512x64xf32, #tpu.memory_space<hbm>> -> memref<512x64xf32, #tpu.memory_space<hbm>>
      tpu.wait_indirect_dma semaphore(%arg20 : memref<!tpu.dma_semaphore, #tpu.memory_space<semaphore_mem>>) src(%dma_wait3A_127 : memref<512x64xf32, #tpu.memory_space<hbm>>) dst(%arg16 : memref<80x64xf32, #tpu.memory_space<vmem>>)
      %scan3A_128 = arith.constant 0 : i32
      %scan3A_129 = arith.constant 0 : i32
      %scan3A_130 = arith.constant 80 : i32
      %scan3A_131 = arith.addi %scan3A_129, %scan3A_130 : i32
      %scan3A_132 = arith.constant 1 : i32
      %scan3A_133 = scf.for %scan3A_136 = %scan3A_129 to %scan3A_131 step %scan3A_132 iter_args(%scan3A_137 = %scan3A_128) -> (i32)  : i32 {
        %broadcast_in_dim3A = vector.broadcast %scan3A_104 : i32 to vector<16xi32>
        %broadcast_in_dim3A_138 = vector.broadcast %scan3A_136 : i32 to vector<16xi32>
        %gather3A = tpu.vector_load_idx %arg14[%broadcast_in_dim3A, %broadcast_in_dim3A_138] : memref<125x80xf32, #tpu.memory_space<vmem>>[vector<16xi32>, vector<16xi32>], vector<16xf32>,
        %get3A = arith.index_cast %scan3A_136 : i32 to index
        %get3A_139 = arith.constant 0 : index
        %get3A_140 = tpu.vector_load %arg15[%get3A, %get3A_139] {strides = array<i32>} : memref<80x64xf32, #tpu.memory_space<vmem>>, vector<16xf32>,
        %get3A_141 = arith.index_cast %scan3A_136 : i32 to index
        %get3A_142 = arith.constant 0 : index
        %get3A_143 = tpu.vector_load %arg16[%get3A_141, %get3A_142] {strides = array<i32>} : memref<80x64xf32, #tpu.memory_space<vmem>>, vector<16xf32>,
        %add3A_144 = arith.addf %get3A_140, %get3A_143 : vector<16xf32>
        %max3A = arith.constant 0.000000e+00 : f32
        %max3A_145 = vector.broadcast %max3A : f32 to vector<16xf32>
        %max3A_146 = arith.maximumf %add3A_144, %max3A_145 : vector<16xf32>
        %mul3A_147 = arith.mulf %max3A_146, %gather3A : vector<16xf32>
        %swap3A = arith.index_cast %scan3A_136 : i32 to index
        %swap3A_148 = arith.constant 0 : index
        %swap3A_149 = tpu.vector_load %arg17[%swap3A, %swap3A_148] {strides = array<i32>} : memref<80x64xf32, #tpu.memory_space<vmem>>, vector<16xf32>,
        tpu.vector_store %arg17[%swap3A, %swap3A_148], %mul3A_147 {strides = array<i32>} : memref<80x64xf32, #tpu.memory_space<vmem>>, vector<16xf32>,
        %get3A_150 = arith.index_cast %scan3A_136 : i32 to index
        %get3A_151 = arith.constant 16 : index
        %get3A_152 = tpu.vector_load %arg15[%get3A_150, %get3A_151] {strides = array<i32>} : memref<80x64xf32, #tpu.memory_space<vmem>>, vector<16xf32>,
        %get3A_153 = arith.index_cast %scan3A_136 : i32 to index
        %get3A_154 = arith.constant 16 : index
        %get3A_155 = tpu.vector_load %arg16[%get3A_153, %get3A_154] {strides = array<i32>} : memref<80x64xf32, #tpu.memory_space<vmem>>, vector<16xf32>,
        %add3A_156 = arith.addf %get3A_152, %get3A_155 : vector<16xf32>
        %max3A_157 = arith.constant 0.000000e+00 : f32
        %max3A_158 = vector.broadcast %max3A_157 : f32 to vector<16xf32>
        %max3A_159 = arith.maximumf %add3A_156, %max3A_158 : vector<16xf32>
        %mul3A_160 = arith.mulf %max3A_159, %gather3A : vector<16xf32>
        %swap3A_161 = arith.index_cast %scan3A_136 : i32 to index
        %swap3A_162 = arith.constant 16 : index
        %swap3A_163 = tpu.vector_load %arg17[%swap3A_161, %swap3A_162] {strides = array<i32>} : memref<80x64xf32, #tpu.memory_space<vmem>>, vector<16xf32>,
        tpu.vector_store %arg17[%swap3A_161, %swap3A_162], %mul3A_160 {strides = array<i32>} : memref<80x64xf32, #tpu.memory_space<vmem>>, vector<16xf32>,
        %get3A_164 = arith.index_cast %scan3A_136 : i32 to index
        %get3A_165 = arith.constant 32 : index
        %get3A_166 = tpu.vector_load %arg15[%get3A_164, %get3A_165] {strides = array<i32>} : memref<80x64xf32, #tpu.memory_space<vmem>>, vector<16xf32>,
        %get3A_167 = arith.index_cast %scan3A_136 : i32 to index
        %get3A_168 = arith.constant 32 : index
        %get3A_169 = tpu.vector_load %arg16[%get3A_167, %get3A_168] {strides = array<i32>} : memref<80x64xf32, #tpu.memory_space<vmem>>, vector<16xf32>,
        %add3A_170 = arith.addf %get3A_166, %get3A_169 : vector<16xf32>
        %max3A_171 = arith.constant 0.000000e+00 : f32
        %max3A_172 = vector.broadcast %max3A_171 : f32 to vector<16xf32>
        %max3A_173 = arith.maximumf %add3A_170, %max3A_172 : vector<16xf32>
        %mul3A_174 = arith.mulf %max3A_173, %gather3A : vector<16xf32>
        %swap3A_175 = arith.index_cast %scan3A_136 : i32 to index
        %swap3A_176 = arith.constant 32 : index
        %swap3A_177 = tpu.vector_load %arg17[%swap3A_175, %swap3A_176] {strides = array<i32>} : memref<80x64xf32, #tpu.memory_space<vmem>>, vector<16xf32>,
        tpu.vector_store %arg17[%swap3A_175, %swap3A_176], %mul3A_174 {strides = array<i32>} : memref<80x64xf32, #tpu.memory_space<vmem>>, vector<16xf32>,
        %get3A_178 = arith.index_cast %scan3A_136 : i32 to index
        %get3A_179 = arith.constant 48 : index
        %get3A_180 = tpu.vector_load %arg15[%get3A_178, %get3A_179] {strides = array<i32>} : memref<80x64xf32, #tpu.memory_space<vmem>>, vector<16xf32>,
        %get3A_181 = arith.index_cast %scan3A_136 : i32 to index
        %get3A_182 = arith.constant 48 : index
        %get3A_183 = tpu.vector_load %arg16[%get3A_181, %get3A_182] {strides = array<i32>} : memref<80x64xf32, #tpu.memory_space<vmem>>, vector<16xf32>,
        %add3A_184 = arith.addf %get3A_180, %get3A_183 : vector<16xf32>
        %max3A_185 = arith.constant 0.000000e+00 : f32
        %max3A_186 = vector.broadcast %max3A_185 : f32 to vector<16xf32>
        %max3A_187 = arith.maximumf %add3A_184, %max3A_186 : vector<16xf32>
        %mul3A_188 = arith.mulf %max3A_187, %gather3A : vector<16xf32>
        %swap3A_189 = arith.index_cast %scan3A_136 : i32 to index
        %swap3A_190 = arith.constant 48 : index
        %swap3A_191 = tpu.vector_load %arg17[%swap3A_189, %swap3A_190] {strides = array<i32>} : memref<80x64xf32, #tpu.memory_space<vmem>>, vector<16xf32>,
        tpu.vector_store %arg17[%swap3A_189, %swap3A_190], %mul3A_188 {strides = array<i32>} : memref<80x64xf32, #tpu.memory_space<vmem>>, vector<16xf32>,
        %scan3A_192 = arith.constant 0 : i32
        scf.yield %scan3A_192 : i32
      }
      %scan3A_134 = arith.constant 80 : i32
      "tpu.region"() ({
        %run_scoped3A_136 = tpu.sem_alloc : memref<!tpu.dma_semaphore, #tpu.memory_space<semaphore_mem>>
        %dma_start3A_137 = arith.constant 0 : i32
        %dma_start3A_138 = tpu.memref_slice %arg12[%scan3A_104, %dma_start3A_137] : memref<125x80xi32, #tpu.memory_space<vmem>> -> memref<1x80xi32, #tpu.memory_space<vmem>>
        %dma_start3A_139 = tpu.memref_squeeze %dma_start3A_138 : memref<1x80xi32, #tpu.memory_space<vmem>> -> memref<80xi32, #tpu.memory_space<vmem>>
        %dma_start3A_140 = arith.constant 0 : i32
        %dma_start3A_141 = arith.constant 0 : i32
        %dma_start3A_142 = tpu.memref_slice %arg18[%dma_start3A_140, %dma_start3A_141] : memref<10240x64xf32, #tpu.memory_space<vmem_shared>> -> memref<10240x64xf32, #tpu.memory_space<vmem_shared>>
        tpu.enqueue_indirect_dma source(%arg17 : memref<80x64xf32, #tpu.memory_space<vmem>>) target(%dma_start3A_142 : memref<10240x64xf32, #tpu.memory_space<vmem_shared>>) offsets(%dma_start3A_139 : memref<80xi32, #tpu.memory_space<vmem>>) semaphore(%run_scoped3A_136 : memref<!tpu.dma_semaphore, #tpu.memory_space<semaphore_mem>>) {add = true}
        %dma_wait3A_143 = arith.constant 0 : i32
        %dma_wait3A_144 = tpu.memref_slice %arg12[%scan3A_104, %dma_wait3A_143] : memref<125x80xi32, #tpu.memory_space<vmem>> -> memref<1x80xi32, #tpu.memory_space<vmem>>
        %dma_wait3A_145 = tpu.memref_squeeze %dma_wait3A_144 : memref<1x80xi32, #tpu.memory_space<vmem>> -> memref<80xi32, #tpu.memory_space<vmem>>
        %dma_wait3A_146 = arith.constant 0 : i32
        %dma_wait3A_147 = arith.constant 0 : i32
        %dma_wait3A_148 = tpu.memref_slice %arg18[%dma_wait3A_146, %dma_wait3A_147] : memref<10240x64xf32, #tpu.memory_space<vmem_shared>> -> memref<10240x64xf32, #tpu.memory_space<vmem_shared>>
        tpu.wait_indirect_dma semaphore(%run_scoped3A_136 : memref<!tpu.dma_semaphore, #tpu.memory_space<semaphore_mem>>) src(%arg17 : memref<80x64xf32, #tpu.memory_space<vmem>>) dst(%dma_wait3A_148 : memref<10240x64xf32, #tpu.memory_space<vmem_shared>>)
        tpu.yield
      }) : () -> ()
      %scan3A_135 = arith.constant 0 : i32
      scf.yield %scan3A_135 : i32
    }
    %scan3A_97 = arith.constant 125 : i32
    %barrier3A_98 = arith.constant 0 : index
    tpu.barrier barrier_id(%barrier3A_98)
    %mul3A_99 = arith.constant 640 : i32
    %mul3A_100 = arith.muli %arg1, %mul3A_99 : i32
    %mul3A_101 = arith.constant 640 : i32
    %mul3A_102 = arith.muli %arg1, %mul3A_101 : i32
    %run_scoped3A_103 = arith.constant 1 : i32
    "tpu.region"() ({
      %run_scoped3A_104 = tpu.sem_alloc : memref<!tpu.dma_semaphore, #tpu.memory_space<semaphore_mem>>
      %dma_start3A = arith.constant 0 : i32
      %dma_start3A_105 = arith.constant 0 : i32
      %dma_start3A_106 = tpu.memref_slice %arg10[%arg0, %run_scoped3A_103, %dma_start3A, %dma_start3A_105] : memref<2x2x10240x64xf32, #tpu.memory_space<hbm>> -> memref<1x1x10240x64xf32, #tpu.memory_space<hbm>>
      %dma_start3A_107 = tpu.memref_squeeze %dma_start3A_106 : memref<1x1x10240x64xf32, #tpu.memory_space<hbm>> -> memref<10240x64xf32, #tpu.memory_space<hbm>>
      %dma_start3A_108 = arith.constant 0 : i32
      %dma_start3A_109 = tpu.memref_slice %dma_start3A_107[%mul3A_102, %dma_start3A_108] : memref<10240x64xf32, #tpu.memory_space<hbm>> -> memref<640x64xf32, #tpu.memory_space<hbm>>
      %dma_start3A_110 = arith.constant 0 : i32
      %dma_start3A_111 = tpu.memref_slice %arg18[%mul3A_100, %dma_start3A_110] : memref<10240x64xf32, #tpu.memory_space<vmem_shared>> -> memref<640x64xf32, #tpu.memory_space<vmem_shared>>
      tpu.enqueue_dma source(%dma_start3A_111 : memref<640x64xf32, #tpu.memory_space<vmem_shared>>) target(%dma_start3A_109 : memref<640x64xf32, #tpu.memory_space<hbm>>) target_semaphore(%run_scoped3A_104 : memref<!tpu.dma_semaphore, #tpu.memory_space<semaphore_mem>>)
      %dma_wait3A = arith.constant 0 : i32
      %dma_wait3A_112 = arith.constant 0 : i32
      %dma_wait3A_113 = tpu.memref_slice %arg10[%arg0, %run_scoped3A_103, %dma_wait3A, %dma_wait3A_112] : memref<2x2x10240x64xf32, #tpu.memory_space<hbm>> -> memref<1x1x10240x64xf32, #tpu.memory_space<hbm>>
      %dma_wait3A_114 = tpu.memref_squeeze %dma_wait3A_113 : memref<1x1x10240x64xf32, #tpu.memory_space<hbm>> -> memref<10240x64xf32, #tpu.memory_space<hbm>>
      %dma_wait3A_115 = arith.constant 0 : i32
      %dma_wait3A_116 = tpu.memref_slice %dma_wait3A_114[%mul3A_102, %dma_wait3A_115] : memref<10240x64xf32, #tpu.memory_space<hbm>> -> memref<640x64xf32, #tpu.memory_space<hbm>>
      %dma_wait3A_117 = arith.constant 0 : i32
      %dma_wait3A_118 = tpu.memref_slice %arg18[%mul3A_100, %dma_wait3A_117] : memref<10240x64xf32, #tpu.memory_space<vmem_shared>> -> memref<640x64xf32, #tpu.memory_space<vmem_shared>>
      tpu.wait_dma2 semaphore(%run_scoped3A_104 : memref<!tpu.dma_semaphore, #tpu.memory_space<semaphore_mem>>) src(%dma_wait3A_118 : memref<640x64xf32, #tpu.memory_space<vmem_shared>>) dst(%dma_wait3A_116 : memref<640x64xf32, #tpu.memory_space<hbm>>)
      tpu.yield
    }) : () -> ()
    return
  }
}

#map = affine_map<(d0, d1) -> (0, 0, 0)>
#map1 = affine_map<(d0, d1) -> (0)>
module attributes {stable_mosaic.version = 14 : i64} {
  func.func @_prep_kernel(%arg0: i32, %arg1: i32, %arg2: memref<16x250x80xi32, #tpu.memory_space<hbm>>, %arg3: memref<32x125x80xi32, #tpu.memory_space<hbm>>, %arg4: memref<32x125x80xi32, #tpu.memory_space<hbm>>, %arg5: memref<320008xf32, #tpu.memory_space<hbm>>, %arg6: memref<32x125x80xf32, #tpu.memory_space<hbm>>, %arg7: memref<10240xf32, #tpu.memory_space<hbm>>, %arg8: memref<250x80xi32, #tpu.memory_space<vmem>>, %arg9: memref<80xf32, #tpu.memory_space<vmem>>, %arg10: memref<640xf32, #tpu.memory_space<vmem>>, %arg11: memref<640xi32, #tpu.memory_space<vmem>>, %arg12: memref<640xf32, #tpu.memory_space<vmem>>, %arg13: memref<125x80xi32, #tpu.memory_space<vmem>>, %arg14: memref<125x80xi32, #tpu.memory_space<vmem>>, %arg15: memref<125x80xf32, #tpu.memory_space<vmem>>, %arg16: memref<10240xf32, #tpu.memory_space<vmem>>, %arg17: memref<10240xf32, #tpu.memory_space<vmem_shared>>, %arg18: memref<10240xf32, #tpu.memory_space<vmem_shared>>, %arg19: memref<!tpu.dma_semaphore, #tpu.memory_space<semaphore_mem>>) attributes {dimension_semantics = [#tpu.dimension_semantics<core_parallel>, #tpu.dimension_semantics<subcore_parallel>], iteration_bounds = array<i64: 2, 16>, scalar_prefetch = 0 : i64, scratch_operands = 12 : i64, tpu.core_type = #tpu.core_type<sc_vector_subcore>, window_params = [{transform_indices = #map}, {transform_indices = #map}, {transform_indices = #map}, {transform_indices = #map1}, {transform_indices = #map}, {transform_indices = #map1}]} {
    %mul3A = arith.constant 2 : i32
    %mul3A_0 = arith.muli %arg1, %mul3A : i32
    %add3A = arith.addi %mul3A_0, %arg0 : i32
    %scan3A = arith.constant 0 : i32
    %scan3A_1 = arith.constant 0 : i32
    %scan3A_2 = arith.constant 5 : i32
    %scan3A_3 = arith.addi %scan3A_1, %scan3A_2 : i32
    %scan3A_4 = arith.constant 1 : i32
    %scan3A_5 = scf.for %scan3A_103 = %scan3A_1 to %scan3A_3 step %scan3A_4 iter_args(%scan3A_104 = %scan3A) -> (i32)  : i32 {
      %broadcast_in_dim3A = arith.constant 1.000000e+00 : f32
      %broadcast_in_dim3A_105 = vector.broadcast %broadcast_in_dim3A : f32 to vector<16xf32>
      %mul3A_106 = arith.constant 16 : i32
      %mul3A_107 = arith.muli %scan3A_103, %mul3A_106 : i32
      %swap3A = arith.index_cast %mul3A_107 : i32 to index
      %swap3A_108 = tpu.vector_load %arg9[%swap3A] {strides = array<i32>} : memref<80xf32, #tpu.memory_space<vmem>>, vector<16xf32>,
      tpu.vector_store %arg9[%swap3A], %broadcast_in_dim3A_105 {strides = array<i32>} : memref<80xf32, #tpu.memory_space<vmem>>, vector<16xf32>,
      %scan3A_109 = arith.constant 0 : i32
      scf.yield %scan3A_109 : i32
    }
    %scan3A_6 = arith.constant 5 : i32
    %scan3A_7 = arith.constant 0 : i32
    %scan3A_8 = arith.constant 0 : i32
    %scan3A_9 = arith.constant 40 : i32
    %scan3A_10 = arith.addi %scan3A_8, %scan3A_9 : i32
    %scan3A_11 = arith.constant 1 : i32
    %scan3A_12 = scf.for %scan3A_103 = %scan3A_8 to %scan3A_10 step %scan3A_11 iter_args(%scan3A_104 = %scan3A_7) -> (i32)  : i32 {
      %broadcast_in_dim3A = arith.constant 0.000000e+00 : f32
      %broadcast_in_dim3A_105 = vector.broadcast %broadcast_in_dim3A : f32 to vector<16xf32>
      %mul3A_106 = arith.constant 16 : i32
      %mul3A_107 = arith.muli %scan3A_103, %mul3A_106 : i32
      %swap3A = arith.index_cast %mul3A_107 : i32 to index
      %swap3A_108 = tpu.vector_load %arg10[%swap3A] {strides = array<i32>} : memref<640xf32, #tpu.memory_space<vmem>>, vector<16xf32>,
      tpu.vector_store %arg10[%swap3A], %broadcast_in_dim3A_105 {strides = array<i32>} : memref<640xf32, #tpu.memory_space<vmem>>, vector<16xf32>,
      %scan3A_109 = arith.constant 0 : i32
      scf.yield %scan3A_109 : i32
    }
    %scan3A_13 = arith.constant 40 : i32
    %mul3A_14 = arith.constant 640 : i32
    %mul3A_15 = arith.muli %arg1, %mul3A_14 : i32
    "tpu.region"() ({
      %run_scoped3A = tpu.sem_alloc : memref<!tpu.dma_semaphore, #tpu.memory_space<semaphore_mem>>
      %dma_start3A_103 = tpu.memref_slice %arg17[%mul3A_15] : memref<10240xf32, #tpu.memory_space<vmem_shared>> -> memref<640xf32, #tpu.memory_space<vmem_shared>>
      %dma_start3A_104 = tpu.memref_slice %arg17[%mul3A_15] : memref<10240xf32, #tpu.memory_space<vmem_shared>> -> memref<640xf32, #tpu.memory_space<vmem_shared>>
      tpu.enqueue_dma source(%arg10 : memref<640xf32, #tpu.memory_space<vmem>>) target(%dma_start3A_104 : memref<640xf32, #tpu.memory_space<vmem_shared>>) target_semaphore(%run_scoped3A : memref<!tpu.dma_semaphore, #tpu.memory_space<semaphore_mem>>)
      %dma_wait3A_105 = tpu.memref_slice %arg17[%mul3A_15] : memref<10240xf32, #tpu.memory_space<vmem_shared>> -> memref<640xf32, #tpu.memory_space<vmem_shared>>
      %dma_wait3A_106 = tpu.memref_slice %arg17[%mul3A_15] : memref<10240xf32, #tpu.memory_space<vmem_shared>> -> memref<640xf32, #tpu.memory_space<vmem_shared>>
      tpu.wait_dma2 semaphore(%run_scoped3A : memref<!tpu.dma_semaphore, #tpu.memory_space<semaphore_mem>>) src(%arg10 : memref<640xf32, #tpu.memory_space<vmem>>) dst(%dma_wait3A_106 : memref<640xf32, #tpu.memory_space<vmem_shared>>)
      tpu.yield
    }) : () -> ()
    %barrier3A = arith.constant 0 : index
    tpu.barrier barrier_id(%barrier3A)
    "tpu.region"() ({
      %run_scoped3A = tpu.sem_alloc : memref<!tpu.dma_semaphore, #tpu.memory_space<semaphore_mem>>
      %dma_start3A_103 = arith.constant 0 : i32
      %dma_start3A_104 = arith.constant 0 : i32
      %dma_start3A_105 = tpu.memref_slice %arg2[%arg1, %dma_start3A_103, %dma_start3A_104] : memref<16x250x80xi32, #tpu.memory_space<hbm>> -> memref<1x250x80xi32, #tpu.memory_space<hbm>>
      %dma_start3A_106 = tpu.memref_squeeze %dma_start3A_105 : memref<1x250x80xi32, #tpu.memory_space<hbm>> -> memref<250x80xi32, #tpu.memory_space<hbm>>
      %dma_start3A_107 = arith.constant 0 : i32
      %dma_start3A_108 = arith.constant 0 : i32
      %dma_start3A_109 = tpu.memref_slice %arg2[%arg1, %dma_start3A_107, %dma_start3A_108] : memref<16x250x80xi32, #tpu.memory_space<hbm>> -> memref<1x250x80xi32, #tpu.memory_space<hbm>>
      %dma_start3A_110 = tpu.memref_squeeze %dma_start3A_109 : memref<1x250x80xi32, #tpu.memory_space<hbm>> -> memref<250x80xi32, #tpu.memory_space<hbm>>
      tpu.enqueue_dma source(%dma_start3A_110 : memref<250x80xi32, #tpu.memory_space<hbm>>) target(%arg8 : memref<250x80xi32, #tpu.memory_space<vmem>>) target_semaphore(%run_scoped3A : memref<!tpu.dma_semaphore, #tpu.memory_space<semaphore_mem>>)
      %dma_wait3A_111 = arith.constant 0 : i32
      %dma_wait3A_112 = arith.constant 0 : i32
      %dma_wait3A_113 = tpu.memref_slice %arg2[%arg1, %dma_wait3A_111, %dma_wait3A_112] : memref<16x250x80xi32, #tpu.memory_space<hbm>> -> memref<1x250x80xi32, #tpu.memory_space<hbm>>
      %dma_wait3A_114 = tpu.memref_squeeze %dma_wait3A_113 : memref<1x250x80xi32, #tpu.memory_space<hbm>> -> memref<250x80xi32, #tpu.memory_space<hbm>>
      %dma_wait3A_115 = arith.constant 0 : i32
      %dma_wait3A_116 = arith.constant 0 : i32
      %dma_wait3A_117 = tpu.memref_slice %arg2[%arg1, %dma_wait3A_115, %dma_wait3A_116] : memref<16x250x80xi32, #tpu.memory_space<hbm>> -> memref<1x250x80xi32, #tpu.memory_space<hbm>>
      %dma_wait3A_118 = tpu.memref_squeeze %dma_wait3A_117 : memref<1x250x80xi32, #tpu.memory_space<hbm>> -> memref<250x80xi32, #tpu.memory_space<hbm>>
      tpu.wait_dma2 semaphore(%run_scoped3A : memref<!tpu.dma_semaphore, #tpu.memory_space<semaphore_mem>>) src(%dma_wait3A_118 : memref<250x80xi32, #tpu.memory_space<hbm>>) dst(%arg8 : memref<250x80xi32, #tpu.memory_space<vmem>>)
      tpu.yield
    }) : () -> ()
    %scan3A_16 = arith.constant 0 : i32
    %scan3A_17 = arith.constant 0 : i32
    %scan3A_18 = arith.constant 250 : i32
    %scan3A_19 = arith.addi %scan3A_17, %scan3A_18 : i32
    %scan3A_20 = arith.constant 1 : i32
    %scan3A_21 = scf.for %scan3A_103 = %scan3A_17 to %scan3A_19 step %scan3A_20 iter_args(%scan3A_104 = %scan3A_16) -> (i32)  : i32 {
      "tpu.region"() ({
        %run_scoped3A = tpu.sem_alloc : memref<!tpu.dma_semaphore, #tpu.memory_space<semaphore_mem>>
        %dma_start3A_106 = arith.constant 0 : i32
        %dma_start3A_107 = tpu.memref_slice %arg8[%scan3A_103, %dma_start3A_106] : memref<250x80xi32, #tpu.memory_space<vmem>> -> memref<1x80xi32, #tpu.memory_space<vmem>>
        %dma_start3A_108 = tpu.memref_squeeze %dma_start3A_107 : memref<1x80xi32, #tpu.memory_space<vmem>> -> memref<80xi32, #tpu.memory_space<vmem>>
        %dma_start3A_109 = arith.constant 0 : i32
        %dma_start3A_110 = tpu.memref_slice %arg17[%dma_start3A_109] : memref<10240xf32, #tpu.memory_space<vmem_shared>> -> memref<10240xf32, #tpu.memory_space<vmem_shared>>
        tpu.enqueue_indirect_dma source(%arg9 : memref<80xf32, #tpu.memory_space<vmem>>) target(%dma_start3A_110 : memref<10240xf32, #tpu.memory_space<vmem_shared>>) offsets(%dma_start3A_108 : memref<80xi32, #tpu.memory_space<vmem>>) semaphore(%run_scoped3A : memref<!tpu.dma_semaphore, #tpu.memory_space<semaphore_mem>>) {add = true}
        %dma_wait3A_111 = arith.constant 0 : i32
        %dma_wait3A_112 = tpu.memref_slice %arg8[%scan3A_103, %dma_wait3A_111] : memref<250x80xi32, #tpu.memory_space<vmem>> -> memref<1x80xi32, #tpu.memory_space<vmem>>
        %dma_wait3A_113 = tpu.memref_squeeze %dma_wait3A_112 : memref<1x80xi32, #tpu.memory_space<vmem>> -> memref<80xi32, #tpu.memory_space<vmem>>
        %dma_wait3A_114 = arith.constant 0 : i32
        %dma_wait3A_115 = tpu.memref_slice %arg17[%dma_wait3A_114] : memref<10240xf32, #tpu.memory_space<vmem_shared>> -> memref<10240xf32, #tpu.memory_space<vmem_shared>>
        tpu.wait_indirect_dma semaphore(%run_scoped3A : memref<!tpu.dma_semaphore, #tpu.memory_space<semaphore_mem>>) src(%arg9 : memref<80xf32, #tpu.memory_space<vmem>>) dst(%dma_wait3A_115 : memref<10240xf32, #tpu.memory_space<vmem_shared>>)
        tpu.yield
      }) : () -> ()
      %scan3A_105 = arith.constant 0 : i32
      scf.yield %scan3A_105 : i32
    }
    %scan3A_22 = arith.constant 250 : i32
    %barrier3A_23 = arith.constant 0 : index
    tpu.barrier barrier_id(%barrier3A_23)
    %mul3A_24 = arith.constant 640 : i32
    %mul3A_25 = arith.muli %arg1, %mul3A_24 : i32
    "tpu.region"() ({
      %run_scoped3A = tpu.sem_alloc : memref<!tpu.dma_semaphore, #tpu.memory_space<semaphore_mem>>
      %dma_start3A_103 = tpu.memref_slice %arg17[%mul3A_25] : memref<10240xf32, #tpu.memory_space<vmem_shared>> -> memref<640xf32, #tpu.memory_space<vmem_shared>>
      %dma_start3A_104 = tpu.memref_slice %arg17[%mul3A_25] : memref<10240xf32, #tpu.memory_space<vmem_shared>> -> memref<640xf32, #tpu.memory_space<vmem_shared>>
      tpu.enqueue_dma source(%dma_start3A_104 : memref<640xf32, #tpu.memory_space<vmem_shared>>) target(%arg10 : memref<640xf32, #tpu.memory_space<vmem>>) target_semaphore(%run_scoped3A : memref<!tpu.dma_semaphore, #tpu.memory_space<semaphore_mem>>)
      %dma_wait3A_105 = tpu.memref_slice %arg17[%mul3A_25] : memref<10240xf32, #tpu.memory_space<vmem_shared>> -> memref<640xf32, #tpu.memory_space<vmem_shared>>
      %dma_wait3A_106 = tpu.memref_slice %arg17[%mul3A_25] : memref<10240xf32, #tpu.memory_space<vmem_shared>> -> memref<640xf32, #tpu.memory_space<vmem_shared>>
      tpu.wait_dma2 semaphore(%run_scoped3A : memref<!tpu.dma_semaphore, #tpu.memory_space<semaphore_mem>>) src(%dma_wait3A_106 : memref<640xf32, #tpu.memory_space<vmem_shared>>) dst(%arg10 : memref<640xf32, #tpu.memory_space<vmem>>)
      tpu.yield
    }) : () -> ()
    %scan3A_26 = arith.constant 0 : i32
    %scan3A_27 = arith.constant 0 : i32
    %scan3A_28 = arith.constant 40 : i32
    %scan3A_29 = arith.addi %scan3A_27, %scan3A_28 : i32
    %scan3A_30 = arith.constant 1 : i32
    %scan3A_31 = scf.for %scan3A_103 = %scan3A_27 to %scan3A_29 step %scan3A_30 iter_args(%scan3A_104 = %scan3A_26) -> (i32)  : i32 {
      %mul3A_105 = arith.constant 16 : i32
      %mul3A_106 = arith.muli %scan3A_103, %mul3A_105 : i32
      %get3A = arith.index_cast %mul3A_106 : i32 to index
      %get3A_107 = tpu.vector_load %arg10[%get3A] {strides = array<i32>} : memref<640xf32, #tpu.memory_space<vmem>>, vector<16xf32>,
      %add3A_108 = arith.constant 1.000000e+00 : f32
      %add3A_109 = vector.broadcast %add3A_108 : f32 to vector<16xf32>
      %add3A_110 = arith.addf %get3A_107, %add3A_109 : vector<16xf32>
      %mul3A_111 = arith.constant 16 : i32
      %mul3A_112 = arith.muli %scan3A_103, %mul3A_111 : i32
      %swap3A = arith.index_cast %mul3A_112 : i32 to index
      %swap3A_113 = tpu.vector_load %arg10[%swap3A] {strides = array<i32>} : memref<640xf32, #tpu.memory_space<vmem>>, vector<16xf32>,
      tpu.vector_store %arg10[%swap3A], %add3A_110 {strides = array<i32>} : memref<640xf32, #tpu.memory_space<vmem>>, vector<16xf32>,
      %convert_element_type3A_114 = arith.fptosi %add3A_110 : vector<16xf32> to vector<16xi32>
      %mul3A_115 = arith.constant 16 : i32
      %mul3A_116 = arith.muli %scan3A_103, %mul3A_115 : i32
      %swap3A_117 = arith.index_cast %mul3A_116 : i32 to index
      %swap3A_118 = tpu.vector_load %arg11[%swap3A_117] {strides = array<i32>} : memref<640xi32, #tpu.memory_space<vmem>>, vector<16xi32>,
      tpu.vector_store %arg11[%swap3A_117], %convert_element_type3A_114 {strides = array<i32>} : memref<640xi32, #tpu.memory_space<vmem>>, vector<16xi32>,
      %scan3A_119 = arith.constant 0 : i32
      scf.yield %scan3A_119 : i32
    }
    %scan3A_32 = arith.constant 40 : i32
    %dma_start3A = arith.constant 0 : i32
    %dma_start3A_33 = tpu.memref_slice %arg12[%dma_start3A] : memref<640xf32, #tpu.memory_space<vmem>> -> memref<128xf32, #tpu.memory_space<vmem>>
    %dma_start3A_34 = arith.constant 0 : i32
    %dma_start3A_35 = tpu.memref_slice %arg11[%dma_start3A_34] : memref<640xi32, #tpu.memory_space<vmem>> -> memref<128xi32, #tpu.memory_space<vmem>>
    %dma_start3A_36 = arith.constant 0 : i32
    %dma_start3A_37 = tpu.memref_slice %arg5[%dma_start3A_36] : memref<320008xf32, #tpu.memory_space<hbm>> -> memref<320008xf32, #tpu.memory_space<hbm>>
    tpu.enqueue_indirect_dma source(%dma_start3A_37 : memref<320008xf32, #tpu.memory_space<hbm>>) target(%dma_start3A_33 : memref<128xf32, #tpu.memory_space<vmem>>) offsets(%dma_start3A_35 : memref<128xi32, #tpu.memory_space<vmem>>) semaphore(%arg19 : memref<!tpu.dma_semaphore, #tpu.memory_space<semaphore_mem>>)
    %dma_wait3A = arith.constant 0 : i32
    %dma_wait3A_38 = tpu.memref_slice %arg12[%dma_wait3A] : memref<640xf32, #tpu.memory_space<vmem>> -> memref<128xf32, #tpu.memory_space<vmem>>
    %dma_wait3A_39 = arith.constant 0 : i32
    %dma_wait3A_40 = tpu.memref_slice %arg11[%dma_wait3A_39] : memref<640xi32, #tpu.memory_space<vmem>> -> memref<128xi32, #tpu.memory_space<vmem>>
    %dma_wait3A_41 = arith.constant 0 : i32
    %dma_wait3A_42 = tpu.memref_slice %arg5[%dma_wait3A_41] : memref<320008xf32, #tpu.memory_space<hbm>> -> memref<320008xf32, #tpu.memory_space<hbm>>
    tpu.wait_indirect_dma semaphore(%arg19 : memref<!tpu.dma_semaphore, #tpu.memory_space<semaphore_mem>>) src(%dma_wait3A_42 : memref<320008xf32, #tpu.memory_space<hbm>>) dst(%dma_wait3A_38 : memref<128xf32, #tpu.memory_space<vmem>>)
    %dma_start3A_43 = arith.constant 128 : i32
    %dma_start3A_44 = tpu.memref_slice %arg12[%dma_start3A_43] : memref<640xf32, #tpu.memory_space<vmem>> -> memref<128xf32, #tpu.memory_space<vmem>>
    %dma_start3A_45 = arith.constant 128 : i32
    %dma_start3A_46 = tpu.memref_slice %arg11[%dma_start3A_45] : memref<640xi32, #tpu.memory_space<vmem>> -> memref<128xi32, #tpu.memory_space<vmem>>
    %dma_start3A_47 = arith.constant 0 : i32
    %dma_start3A_48 = tpu.memref_slice %arg5[%dma_start3A_47] : memref<320008xf32, #tpu.memory_space<hbm>> -> memref<320008xf32, #tpu.memory_space<hbm>>
    tpu.enqueue_indirect_dma source(%dma_start3A_48 : memref<320008xf32, #tpu.memory_space<hbm>>) target(%dma_start3A_44 : memref<128xf32, #tpu.memory_space<vmem>>) offsets(%dma_start3A_46 : memref<128xi32, #tpu.memory_space<vmem>>) semaphore(%arg19 : memref<!tpu.dma_semaphore, #tpu.memory_space<semaphore_mem>>)
    %dma_wait3A_49 = arith.constant 128 : i32
    %dma_wait3A_50 = tpu.memref_slice %arg12[%dma_wait3A_49] : memref<640xf32, #tpu.memory_space<vmem>> -> memref<128xf32, #tpu.memory_space<vmem>>
    %dma_wait3A_51 = arith.constant 128 : i32
    %dma_wait3A_52 = tpu.memref_slice %arg11[%dma_wait3A_51] : memref<640xi32, #tpu.memory_space<vmem>> -> memref<128xi32, #tpu.memory_space<vmem>>
    %dma_wait3A_53 = arith.constant 0 : i32
    %dma_wait3A_54 = tpu.memref_slice %arg5[%dma_wait3A_53] : memref<320008xf32, #tpu.memory_space<hbm>> -> memref<320008xf32, #tpu.memory_space<hbm>>
    tpu.wait_indirect_dma semaphore(%arg19 : memref<!tpu.dma_semaphore, #tpu.memory_space<semaphore_mem>>) src(%dma_wait3A_54 : memref<320008xf32, #tpu.memory_space<hbm>>) dst(%dma_wait3A_50 : memref<128xf32, #tpu.memory_space<vmem>>)
    %dma_start3A_55 = arith.constant 256 : i32
    %dma_start3A_56 = tpu.memref_slice %arg12[%dma_start3A_55] : memref<640xf32, #tpu.memory_space<vmem>> -> memref<128xf32, #tpu.memory_space<vmem>>
    %dma_start3A_57 = arith.constant 256 : i32
    %dma_start3A_58 = tpu.memref_slice %arg11[%dma_start3A_57] : memref<640xi32, #tpu.memory_space<vmem>> -> memref<128xi32, #tpu.memory_space<vmem>>
    %dma_start3A_59 = arith.constant 0 : i32
    %dma_start3A_60 = tpu.memref_slice %arg5[%dma_start3A_59] : memref<320008xf32, #tpu.memory_space<hbm>> -> memref<320008xf32, #tpu.memory_space<hbm>>
    tpu.enqueue_indirect_dma source(%dma_start3A_60 : memref<320008xf32, #tpu.memory_space<hbm>>) target(%dma_start3A_56 : memref<128xf32, #tpu.memory_space<vmem>>) offsets(%dma_start3A_58 : memref<128xi32, #tpu.memory_space<vmem>>) semaphore(%arg19 : memref<!tpu.dma_semaphore, #tpu.memory_space<semaphore_mem>>)
    %dma_wait3A_61 = arith.constant 256 : i32
    %dma_wait3A_62 = tpu.memref_slice %arg12[%dma_wait3A_61] : memref<640xf32, #tpu.memory_space<vmem>> -> memref<128xf32, #tpu.memory_space<vmem>>
    %dma_wait3A_63 = arith.constant 256 : i32
    %dma_wait3A_64 = tpu.memref_slice %arg11[%dma_wait3A_63] : memref<640xi32, #tpu.memory_space<vmem>> -> memref<128xi32, #tpu.memory_space<vmem>>
    %dma_wait3A_65 = arith.constant 0 : i32
    %dma_wait3A_66 = tpu.memref_slice %arg5[%dma_wait3A_65] : memref<320008xf32, #tpu.memory_space<hbm>> -> memref<320008xf32, #tpu.memory_space<hbm>>
    tpu.wait_indirect_dma semaphore(%arg19 : memref<!tpu.dma_semaphore, #tpu.memory_space<semaphore_mem>>) src(%dma_wait3A_66 : memref<320008xf32, #tpu.memory_space<hbm>>) dst(%dma_wait3A_62 : memref<128xf32, #tpu.memory_space<vmem>>)
    %dma_start3A_67 = arith.constant 384 : i32
    %dma_start3A_68 = tpu.memref_slice %arg12[%dma_start3A_67] : memref<640xf32, #tpu.memory_space<vmem>> -> memref<128xf32, #tpu.memory_space<vmem>>
    %dma_start3A_69 = arith.constant 384 : i32
    %dma_start3A_70 = tpu.memref_slice %arg11[%dma_start3A_69] : memref<640xi32, #tpu.memory_space<vmem>> -> memref<128xi32, #tpu.memory_space<vmem>>
    %dma_start3A_71 = arith.constant 0 : i32
    %dma_start3A_72 = tpu.memref_slice %arg5[%dma_start3A_71] : memref<320008xf32, #tpu.memory_space<hbm>> -> memref<320008xf32, #tpu.memory_space<hbm>>
    tpu.enqueue_indirect_dma source(%dma_start3A_72 : memref<320008xf32, #tpu.memory_space<hbm>>) target(%dma_start3A_68 : memref<128xf32, #tpu.memory_space<vmem>>) offsets(%dma_start3A_70 : memref<128xi32, #tpu.memory_space<vmem>>) semaphore(%arg19 : memref<!tpu.dma_semaphore, #tpu.memory_space<semaphore_mem>>)
    %dma_wait3A_73 = arith.constant 384 : i32
    %dma_wait3A_74 = tpu.memref_slice %arg12[%dma_wait3A_73] : memref<640xf32, #tpu.memory_space<vmem>> -> memref<128xf32, #tpu.memory_space<vmem>>
    %dma_wait3A_75 = arith.constant 384 : i32
    %dma_wait3A_76 = tpu.memref_slice %arg11[%dma_wait3A_75] : memref<640xi32, #tpu.memory_space<vmem>> -> memref<128xi32, #tpu.memory_space<vmem>>
    %dma_wait3A_77 = arith.constant 0 : i32
    %dma_wait3A_78 = tpu.memref_slice %arg5[%dma_wait3A_77] : memref<320008xf32, #tpu.memory_space<hbm>> -> memref<320008xf32, #tpu.memory_space<hbm>>
    tpu.wait_indirect_dma semaphore(%arg19 : memref<!tpu.dma_semaphore, #tpu.memory_space<semaphore_mem>>) src(%dma_wait3A_78 : memref<320008xf32, #tpu.memory_space<hbm>>) dst(%dma_wait3A_74 : memref<128xf32, #tpu.memory_space<vmem>>)
    %dma_start3A_79 = arith.constant 512 : i32
    %dma_start3A_80 = tpu.memref_slice %arg12[%dma_start3A_79] : memref<640xf32, #tpu.memory_space<vmem>> -> memref<128xf32, #tpu.memory_space<vmem>>
    %dma_start3A_81 = arith.constant 512 : i32
    %dma_start3A_82 = tpu.memref_slice %arg11[%dma_start3A_81] : memref<640xi32, #tpu.memory_space<vmem>> -> memref<128xi32, #tpu.memory_space<vmem>>
    %dma_start3A_83 = arith.constant 0 : i32
    %dma_start3A_84 = tpu.memref_slice %arg5[%dma_start3A_83] : memref<320008xf32, #tpu.memory_space<hbm>> -> memref<320008xf32, #tpu.memory_space<hbm>>
    tpu.enqueue_indirect_dma source(%dma_start3A_84 : memref<320008xf32, #tpu.memory_space<hbm>>) target(%dma_start3A_80 : memref<128xf32, #tpu.memory_space<vmem>>) offsets(%dma_start3A_82 : memref<128xi32, #tpu.memory_space<vmem>>) semaphore(%arg19 : memref<!tpu.dma_semaphore, #tpu.memory_space<semaphore_mem>>)
    %dma_wait3A_85 = arith.constant 512 : i32
    %dma_wait3A_86 = tpu.memref_slice %arg12[%dma_wait3A_85] : memref<640xf32, #tpu.memory_space<vmem>> -> memref<128xf32, #tpu.memory_space<vmem>>
    %dma_wait3A_87 = arith.constant 512 : i32
    %dma_wait3A_88 = tpu.memref_slice %arg11[%dma_wait3A_87] : memref<640xi32, #tpu.memory_space<vmem>> -> memref<128xi32, #tpu.memory_space<vmem>>
    %dma_wait3A_89 = arith.constant 0 : i32
    %dma_wait3A_90 = tpu.memref_slice %arg5[%dma_wait3A_89] : memref<320008xf32, #tpu.memory_space<hbm>> -> memref<320008xf32, #tpu.memory_space<hbm>>
    tpu.wait_indirect_dma semaphore(%arg19 : memref<!tpu.dma_semaphore, #tpu.memory_space<semaphore_mem>>) src(%dma_wait3A_90 : memref<320008xf32, #tpu.memory_space<hbm>>) dst(%dma_wait3A_86 : memref<128xf32, #tpu.memory_space<vmem>>)
    %mul3A_91 = arith.constant 640 : i32
    %mul3A_92 = arith.muli %arg1, %mul3A_91 : i32
    "tpu.region"() ({
      %run_scoped3A = tpu.sem_alloc : memref<!tpu.dma_semaphore, #tpu.memory_space<semaphore_mem>>
      %dma_start3A_103 = tpu.memref_slice %arg18[%mul3A_92] : memref<10240xf32, #tpu.memory_space<vmem_shared>> -> memref<640xf32, #tpu.memory_space<vmem_shared>>
      %dma_start3A_104 = tpu.memref_slice %arg18[%mul3A_92] : memref<10240xf32, #tpu.memory_space<vmem_shared>> -> memref<640xf32, #tpu.memory_space<vmem_shared>>
      tpu.enqueue_dma source(%arg12 : memref<640xf32, #tpu.memory_space<vmem>>) target(%dma_start3A_104 : memref<640xf32, #tpu.memory_space<vmem_shared>>) target_semaphore(%run_scoped3A : memref<!tpu.dma_semaphore, #tpu.memory_space<semaphore_mem>>)
      %dma_wait3A_105 = tpu.memref_slice %arg18[%mul3A_92] : memref<10240xf32, #tpu.memory_space<vmem_shared>> -> memref<640xf32, #tpu.memory_space<vmem_shared>>
      %dma_wait3A_106 = tpu.memref_slice %arg18[%mul3A_92] : memref<10240xf32, #tpu.memory_space<vmem_shared>> -> memref<640xf32, #tpu.memory_space<vmem_shared>>
      tpu.wait_dma2 semaphore(%run_scoped3A : memref<!tpu.dma_semaphore, #tpu.memory_space<semaphore_mem>>) src(%arg12 : memref<640xf32, #tpu.memory_space<vmem>>) dst(%dma_wait3A_106 : memref<640xf32, #tpu.memory_space<vmem_shared>>)
      tpu.yield
    }) : () -> ()
    %eq3A = arith.constant 0 : i32
    %eq3A_93 = arith.cmpi eq, %arg0, %eq3A : i32
    %convert_element_type3A = arith.extui %eq3A_93 : i1 to i32
    %cond3A = arith.constant 0 : i32
    %cond3A_94 = arith.cmpi ne, %convert_element_type3A, %cond3A : i32
    scf.if %cond3A_94 {
      %mul3A_103 = arith.constant 640 : i32
      %mul3A_104 = arith.muli %arg1, %mul3A_103 : i32
      "tpu.region"() ({
        %run_scoped3A = tpu.sem_alloc : memref<!tpu.dma_semaphore, #tpu.memory_space<semaphore_mem>>
        %dma_start3A_105 = tpu.memref_slice %arg7[%mul3A_104] : memref<10240xf32, #tpu.memory_space<hbm>> -> memref<640xf32, #tpu.memory_space<hbm>>
        %dma_start3A_106 = tpu.memref_slice %arg7[%mul3A_104] : memref<10240xf32, #tpu.memory_space<hbm>> -> memref<640xf32, #tpu.memory_space<hbm>>
        tpu.enqueue_dma source(%arg10 : memref<640xf32, #tpu.memory_space<vmem>>) target(%dma_start3A_106 : memref<640xf32, #tpu.memory_space<hbm>>) target_semaphore(%run_scoped3A : memref<!tpu.dma_semaphore, #tpu.memory_space<semaphore_mem>>)
        %dma_wait3A_107 = tpu.memref_slice %arg7[%mul3A_104] : memref<10240xf32, #tpu.memory_space<hbm>> -> memref<640xf32, #tpu.memory_space<hbm>>
        %dma_wait3A_108 = tpu.memref_slice %arg7[%mul3A_104] : memref<10240xf32, #tpu.memory_space<hbm>> -> memref<640xf32, #tpu.memory_space<hbm>>
        tpu.wait_dma2 semaphore(%run_scoped3A : memref<!tpu.dma_semaphore, #tpu.memory_space<semaphore_mem>>) src(%arg10 : memref<640xf32, #tpu.memory_space<vmem>>) dst(%dma_wait3A_108 : memref<640xf32, #tpu.memory_space<hbm>>)
        tpu.yield
      }) : () -> ()
    } else {
    }
    %barrier3A_95 = arith.constant 0 : index
    tpu.barrier barrier_id(%barrier3A_95)
    "tpu.region"() ({
      %run_scoped3A = tpu.sem_alloc : memref<!tpu.dma_semaphore, #tpu.memory_space<semaphore_mem>>
      tpu.enqueue_dma source(%arg18 : memref<10240xf32, #tpu.memory_space<vmem_shared>>) target(%arg16 : memref<10240xf32, #tpu.memory_space<vmem>>) target_semaphore(%run_scoped3A : memref<!tpu.dma_semaphore, #tpu.memory_space<semaphore_mem>>)
      tpu.wait_dma2 semaphore(%run_scoped3A : memref<!tpu.dma_semaphore, #tpu.memory_space<semaphore_mem>>) src(%arg18 : memref<10240xf32, #tpu.memory_space<vmem_shared>>) dst(%arg16 : memref<10240xf32, #tpu.memory_space<vmem>>)
      tpu.yield
    }) : () -> ()
    "tpu.region"() ({
      %run_scoped3A = tpu.sem_alloc : memref<!tpu.dma_semaphore, #tpu.memory_space<semaphore_mem>>
      %dma_start3A_103 = arith.constant 0 : i32
      %dma_start3A_104 = arith.constant 0 : i32
      %dma_start3A_105 = tpu.memref_slice %arg3[%add3A, %dma_start3A_103, %dma_start3A_104] : memref<32x125x80xi32, #tpu.memory_space<hbm>> -> memref<1x125x80xi32, #tpu.memory_space<hbm>>
      %dma_start3A_106 = tpu.memref_squeeze %dma_start3A_105 : memref<1x125x80xi32, #tpu.memory_space<hbm>> -> memref<125x80xi32, #tpu.memory_space<hbm>>
      %dma_start3A_107 = arith.constant 0 : i32
      %dma_start3A_108 = arith.constant 0 : i32
      %dma_start3A_109 = tpu.memref_slice %arg3[%add3A, %dma_start3A_107, %dma_start3A_108] : memref<32x125x80xi32, #tpu.memory_space<hbm>> -> memref<1x125x80xi32, #tpu.memory_space<hbm>>
      %dma_start3A_110 = tpu.memref_squeeze %dma_start3A_109 : memref<1x125x80xi32, #tpu.memory_space<hbm>> -> memref<125x80xi32, #tpu.memory_space<hbm>>
      tpu.enqueue_dma source(%dma_start3A_110 : memref<125x80xi32, #tpu.memory_space<hbm>>) target(%arg13 : memref<125x80xi32, #tpu.memory_space<vmem>>) target_semaphore(%run_scoped3A : memref<!tpu.dma_semaphore, #tpu.memory_space<semaphore_mem>>)
      %dma_wait3A_111 = arith.constant 0 : i32
      %dma_wait3A_112 = arith.constant 0 : i32
      %dma_wait3A_113 = tpu.memref_slice %arg3[%add3A, %dma_wait3A_111, %dma_wait3A_112] : memref<32x125x80xi32, #tpu.memory_space<hbm>> -> memref<1x125x80xi32, #tpu.memory_space<hbm>>
      %dma_wait3A_114 = tpu.memref_squeeze %dma_wait3A_113 : memref<1x125x80xi32, #tpu.memory_space<hbm>> -> memref<125x80xi32, #tpu.memory_space<hbm>>
      %dma_wait3A_115 = arith.constant 0 : i32
      %dma_wait3A_116 = arith.constant 0 : i32
      %dma_wait3A_117 = tpu.memref_slice %arg3[%add3A, %dma_wait3A_115, %dma_wait3A_116] : memref<32x125x80xi32, #tpu.memory_space<hbm>> -> memref<1x125x80xi32, #tpu.memory_space<hbm>>
      %dma_wait3A_118 = tpu.memref_squeeze %dma_wait3A_117 : memref<1x125x80xi32, #tpu.memory_space<hbm>> -> memref<125x80xi32, #tpu.memory_space<hbm>>
      tpu.wait_dma2 semaphore(%run_scoped3A : memref<!tpu.dma_semaphore, #tpu.memory_space<semaphore_mem>>) src(%dma_wait3A_118 : memref<125x80xi32, #tpu.memory_space<hbm>>) dst(%arg13 : memref<125x80xi32, #tpu.memory_space<vmem>>)
      tpu.yield
    }) : () -> ()
    "tpu.region"() ({
      %run_scoped3A = tpu.sem_alloc : memref<!tpu.dma_semaphore, #tpu.memory_space<semaphore_mem>>
      %dma_start3A_103 = arith.constant 0 : i32
      %dma_start3A_104 = arith.constant 0 : i32
      %dma_start3A_105 = tpu.memref_slice %arg4[%add3A, %dma_start3A_103, %dma_start3A_104] : memref<32x125x80xi32, #tpu.memory_space<hbm>> -> memref<1x125x80xi32, #tpu.memory_space<hbm>>
      %dma_start3A_106 = tpu.memref_squeeze %dma_start3A_105 : memref<1x125x80xi32, #tpu.memory_space<hbm>> -> memref<125x80xi32, #tpu.memory_space<hbm>>
      %dma_start3A_107 = arith.constant 0 : i32
      %dma_start3A_108 = arith.constant 0 : i32
      %dma_start3A_109 = tpu.memref_slice %arg4[%add3A, %dma_start3A_107, %dma_start3A_108] : memref<32x125x80xi32, #tpu.memory_space<hbm>> -> memref<1x125x80xi32, #tpu.memory_space<hbm>>
      %dma_start3A_110 = tpu.memref_squeeze %dma_start3A_109 : memref<1x125x80xi32, #tpu.memory_space<hbm>> -> memref<125x80xi32, #tpu.memory_space<hbm>>
      tpu.enqueue_dma source(%dma_start3A_110 : memref<125x80xi32, #tpu.memory_space<hbm>>) target(%arg14 : memref<125x80xi32, #tpu.memory_space<vmem>>) target_semaphore(%run_scoped3A : memref<!tpu.dma_semaphore, #tpu.memory_space<semaphore_mem>>)
      %dma_wait3A_111 = arith.constant 0 : i32
      %dma_wait3A_112 = arith.constant 0 : i32
      %dma_wait3A_113 = tpu.memref_slice %arg4[%add3A, %dma_wait3A_111, %dma_wait3A_112] : memref<32x125x80xi32, #tpu.memory_space<hbm>> -> memref<1x125x80xi32, #tpu.memory_space<hbm>>
      %dma_wait3A_114 = tpu.memref_squeeze %dma_wait3A_113 : memref<1x125x80xi32, #tpu.memory_space<hbm>> -> memref<125x80xi32, #tpu.memory_space<hbm>>
      %dma_wait3A_115 = arith.constant 0 : i32
      %dma_wait3A_116 = arith.constant 0 : i32
      %dma_wait3A_117 = tpu.memref_slice %arg4[%add3A, %dma_wait3A_115, %dma_wait3A_116] : memref<32x125x80xi32, #tpu.memory_space<hbm>> -> memref<1x125x80xi32, #tpu.memory_space<hbm>>
      %dma_wait3A_118 = tpu.memref_squeeze %dma_wait3A_117 : memref<1x125x80xi32, #tpu.memory_space<hbm>> -> memref<125x80xi32, #tpu.memory_space<hbm>>
      tpu.wait_dma2 semaphore(%run_scoped3A : memref<!tpu.dma_semaphore, #tpu.memory_space<semaphore_mem>>) src(%dma_wait3A_118 : memref<125x80xi32, #tpu.memory_space<hbm>>) dst(%arg14 : memref<125x80xi32, #tpu.memory_space<vmem>>)
      tpu.yield
    }) : () -> ()
    %scan3A_96 = arith.constant 0 : i32
    %scan3A_97 = arith.constant 0 : i32
    %scan3A_98 = arith.constant 125 : i32
    %scan3A_99 = arith.addi %scan3A_97, %scan3A_98 : i32
    %scan3A_100 = arith.constant 1 : i32
    %scan3A_101 = scf.for %scan3A_103 = %scan3A_97 to %scan3A_99 step %scan3A_100 iter_args(%scan3A_104 = %scan3A_96) -> (i32)  : i32 {
      %get3A = arith.index_cast %scan3A_103 : i32 to index
      %get3A_105 = arith.constant 0 : index
      %get3A_106 = tpu.vector_load %arg13[%get3A, %get3A_105] {strides = array<i32>} : memref<125x80xi32, #tpu.memory_space<vmem>>, vector<16xi32>,
      %get3A_107 = arith.index_cast %scan3A_103 : i32 to index
      %get3A_108 = arith.constant 0 : index
      %get3A_109 = tpu.vector_load %arg14[%get3A_107, %get3A_108] {strides = array<i32>} : memref<125x80xi32, #tpu.memory_space<vmem>>, vector<16xi32>,
      %gather3A = tpu.vector_load_idx %arg16[%get3A_106] : memref<10240xf32, #tpu.memory_space<vmem>>[vector<16xi32>], vector<16xf32>,
      %gather3A_110 = tpu.vector_load_idx %arg16[%get3A_109] : memref<10240xf32, #tpu.memory_space<vmem>>[vector<16xi32>], vector<16xf32>,
      %mul3A_111 = arith.mulf %gather3A, %gather3A_110 : vector<16xf32>
      %swap3A = arith.index_cast %scan3A_103 : i32 to index
      %swap3A_112 = arith.constant 0 : index
      %swap3A_113 = tpu.vector_load %arg15[%swap3A, %swap3A_112] {strides = array<i32>} : memref<125x80xf32, #tpu.memory_space<vmem>>, vector<16xf32>,
      tpu.vector_store %arg15[%swap3A, %swap3A_112], %mul3A_111 {strides = array<i32>} : memref<125x80xf32, #tpu.memory_space<vmem>>, vector<16xf32>,
      %get3A_114 = arith.index_cast %scan3A_103 : i32 to index
      %get3A_115 = arith.constant 16 : index
      %get3A_116 = tpu.vector_load %arg13[%get3A_114, %get3A_115] {strides = array<i32>} : memref<125x80xi32, #tpu.memory_space<vmem>>, vector<16xi32>,
      %get3A_117 = arith.index_cast %scan3A_103 : i32 to index
      %get3A_118 = arith.constant 16 : index
      %get3A_119 = tpu.vector_load %arg14[%get3A_117, %get3A_118] {strides = array<i32>} : memref<125x80xi32, #tpu.memory_space<vmem>>, vector<16xi32>,
      %gather3A_120 = tpu.vector_load_idx %arg16[%get3A_116] : memref<10240xf32, #tpu.memory_space<vmem>>[vector<16xi32>], vector<16xf32>,
      %gather3A_121 = tpu.vector_load_idx %arg16[%get3A_119] : memref<10240xf32, #tpu.memory_space<vmem>>[vector<16xi32>], vector<16xf32>,
      %mul3A_122 = arith.mulf %gather3A_120, %gather3A_121 : vector<16xf32>
      %swap3A_123 = arith.index_cast %scan3A_103 : i32 to index
      %swap3A_124 = arith.constant 16 : index
      %swap3A_125 = tpu.vector_load %arg15[%swap3A_123, %swap3A_124] {strides = array<i32>} : memref<125x80xf32, #tpu.memory_space<vmem>>, vector<16xf32>,
      tpu.vector_store %arg15[%swap3A_123, %swap3A_124], %mul3A_122 {strides = array<i32>} : memref<125x80xf32, #tpu.memory_space<vmem>>, vector<16xf32>,
      %get3A_126 = arith.index_cast %scan3A_103 : i32 to index
      %get3A_127 = arith.constant 32 : index
      %get3A_128 = tpu.vector_load %arg13[%get3A_126, %get3A_127] {strides = array<i32>} : memref<125x80xi32, #tpu.memory_space<vmem>>, vector<16xi32>,
      %get3A_129 = arith.index_cast %scan3A_103 : i32 to index
      %get3A_130 = arith.constant 32 : index
      %get3A_131 = tpu.vector_load %arg14[%get3A_129, %get3A_130] {strides = array<i32>} : memref<125x80xi32, #tpu.memory_space<vmem>>, vector<16xi32>,
      %gather3A_132 = tpu.vector_load_idx %arg16[%get3A_128] : memref<10240xf32, #tpu.memory_space<vmem>>[vector<16xi32>], vector<16xf32>,
      %gather3A_133 = tpu.vector_load_idx %arg16[%get3A_131] : memref<10240xf32, #tpu.memory_space<vmem>>[vector<16xi32>], vector<16xf32>,
      %mul3A_134 = arith.mulf %gather3A_132, %gather3A_133 : vector<16xf32>
      %swap3A_135 = arith.index_cast %scan3A_103 : i32 to index
      %swap3A_136 = arith.constant 32 : index
      %swap3A_137 = tpu.vector_load %arg15[%swap3A_135, %swap3A_136] {strides = array<i32>} : memref<125x80xf32, #tpu.memory_space<vmem>>, vector<16xf32>,
      tpu.vector_store %arg15[%swap3A_135, %swap3A_136], %mul3A_134 {strides = array<i32>} : memref<125x80xf32, #tpu.memory_space<vmem>>, vector<16xf32>,
      %get3A_138 = arith.index_cast %scan3A_103 : i32 to index
      %get3A_139 = arith.constant 48 : index
      %get3A_140 = tpu.vector_load %arg13[%get3A_138, %get3A_139] {strides = array<i32>} : memref<125x80xi32, #tpu.memory_space<vmem>>, vector<16xi32>,
      %get3A_141 = arith.index_cast %scan3A_103 : i32 to index
      %get3A_142 = arith.constant 48 : index
      %get3A_143 = tpu.vector_load %arg14[%get3A_141, %get3A_142] {strides = array<i32>} : memref<125x80xi32, #tpu.memory_space<vmem>>, vector<16xi32>,
      %gather3A_144 = tpu.vector_load_idx %arg16[%get3A_140] : memref<10240xf32, #tpu.memory_space<vmem>>[vector<16xi32>], vector<16xf32>,
      %gather3A_145 = tpu.vector_load_idx %arg16[%get3A_143] : memref<10240xf32, #tpu.memory_space<vmem>>[vector<16xi32>], vector<16xf32>,
      %mul3A_146 = arith.mulf %gather3A_144, %gather3A_145 : vector<16xf32>
      %swap3A_147 = arith.index_cast %scan3A_103 : i32 to index
      %swap3A_148 = arith.constant 48 : index
      %swap3A_149 = tpu.vector_load %arg15[%swap3A_147, %swap3A_148] {strides = array<i32>} : memref<125x80xf32, #tpu.memory_space<vmem>>, vector<16xf32>,
      tpu.vector_store %arg15[%swap3A_147, %swap3A_148], %mul3A_146 {strides = array<i32>} : memref<125x80xf32, #tpu.memory_space<vmem>>, vector<16xf32>,
      %get3A_150 = arith.index_cast %scan3A_103 : i32 to index
      %get3A_151 = arith.constant 64 : index
      %get3A_152 = tpu.vector_load %arg13[%get3A_150, %get3A_151] {strides = array<i32>} : memref<125x80xi32, #tpu.memory_space<vmem>>, vector<16xi32>,
      %get3A_153 = arith.index_cast %scan3A_103 : i32 to index
      %get3A_154 = arith.constant 64 : index
      %get3A_155 = tpu.vector_load %arg14[%get3A_153, %get3A_154] {strides = array<i32>} : memref<125x80xi32, #tpu.memory_space<vmem>>, vector<16xi32>,
      %gather3A_156 = tpu.vector_load_idx %arg16[%get3A_152] : memref<10240xf32, #tpu.memory_space<vmem>>[vector<16xi32>], vector<16xf32>,
      %gather3A_157 = tpu.vector_load_idx %arg16[%get3A_155] : memref<10240xf32, #tpu.memory_space<vmem>>[vector<16xi32>], vector<16xf32>,
      %mul3A_158 = arith.mulf %gather3A_156, %gather3A_157 : vector<16xf32>
      %swap3A_159 = arith.index_cast %scan3A_103 : i32 to index
      %swap3A_160 = arith.constant 64 : index
      %swap3A_161 = tpu.vector_load %arg15[%swap3A_159, %swap3A_160] {strides = array<i32>} : memref<125x80xf32, #tpu.memory_space<vmem>>, vector<16xf32>,
      tpu.vector_store %arg15[%swap3A_159, %swap3A_160], %mul3A_158 {strides = array<i32>} : memref<125x80xf32, #tpu.memory_space<vmem>>, vector<16xf32>,
      %scan3A_162 = arith.constant 0 : i32
      scf.yield %scan3A_162 : i32
    }
    %scan3A_102 = arith.constant 125 : i32
    "tpu.region"() ({
      %run_scoped3A = tpu.sem_alloc : memref<!tpu.dma_semaphore, #tpu.memory_space<semaphore_mem>>
      %dma_start3A_103 = arith.constant 0 : i32
      %dma_start3A_104 = arith.constant 0 : i32
      %dma_start3A_105 = tpu.memref_slice %arg6[%add3A, %dma_start3A_103, %dma_start3A_104] : memref<32x125x80xf32, #tpu.memory_space<hbm>> -> memref<1x125x80xf32, #tpu.memory_space<hbm>>
      %dma_start3A_106 = tpu.memref_squeeze %dma_start3A_105 : memref<1x125x80xf32, #tpu.memory_space<hbm>> -> memref<125x80xf32, #tpu.memory_space<hbm>>
      %dma_start3A_107 = arith.constant 0 : i32
      %dma_start3A_108 = arith.constant 0 : i32
      %dma_start3A_109 = tpu.memref_slice %arg6[%add3A, %dma_start3A_107, %dma_start3A_108] : memref<32x125x80xf32, #tpu.memory_space<hbm>> -> memref<1x125x80xf32, #tpu.memory_space<hbm>>
      %dma_start3A_110 = tpu.memref_squeeze %dma_start3A_109 : memref<1x125x80xf32, #tpu.memory_space<hbm>> -> memref<125x80xf32, #tpu.memory_space<hbm>>
      tpu.enqueue_dma source(%arg15 : memref<125x80xf32, #tpu.memory_space<vmem>>) target(%dma_start3A_110 : memref<125x80xf32, #tpu.memory_space<hbm>>) target_semaphore(%run_scoped3A : memref<!tpu.dma_semaphore, #tpu.memory_space<semaphore_mem>>)
      %dma_wait3A_111 = arith.constant 0 : i32
      %dma_wait3A_112 = arith.constant 0 : i32
      %dma_wait3A_113 = tpu.memref_slice %arg6[%add3A, %dma_wait3A_111, %dma_wait3A_112] : memref<32x125x80xf32, #tpu.memory_space<hbm>> -> memref<1x125x80xf32, #tpu.memory_space<hbm>>
      %dma_wait3A_114 = tpu.memref_squeeze %dma_wait3A_113 : memref<1x125x80xf32, #tpu.memory_space<hbm>> -> memref<125x80xf32, #tpu.memory_space<hbm>>
      %dma_wait3A_115 = arith.constant 0 : i32
      %dma_wait3A_116 = arith.constant 0 : i32
      %dma_wait3A_117 = tpu.memref_slice %arg6[%add3A, %dma_wait3A_115, %dma_wait3A_116] : memref<32x125x80xf32, #tpu.memory_space<hbm>> -> memref<1x125x80xf32, #tpu.memory_space<hbm>>
      %dma_wait3A_118 = tpu.memref_squeeze %dma_wait3A_117 : memref<1x125x80xf32, #tpu.memory_space<hbm>> -> memref<125x80xf32, #tpu.memory_space<hbm>>
      tpu.wait_dma2 semaphore(%run_scoped3A : memref<!tpu.dma_semaphore, #tpu.memory_space<semaphore_mem>>) src(%arg15 : memref<125x80xf32, #tpu.memory_space<vmem>>) dst(%dma_wait3A_118 : memref<125x80xf32, #tpu.memory_space<hbm>>)
      tpu.yield
    }) : () -> ()
    return
  }
}

module attributes {stable_mosaic.version = 14 : i64} {
  func.func @_atom_mm_body(%arg0: i32, %arg1: memref<2000x16xi32, #tpu.memory_space<vmem>>, %arg2: memref<576x128xf32, #tpu.memory_space<vmem>>, %arg3: memref<128x128xf32, #tpu.memory_space<vmem>>, %arg4: memref<1x128xf32, #tpu.memory_space<vmem>>, %arg5: memref<1x128xf32, #tpu.memory_space<vmem>>, %arg6: memref<2000x1xf32, #tpu.memory_space<vmem>>, %arg7: memref<2000x64xf32, #tpu.memory_space<vmem>>, %arg8: memref<2000x64xf32, #tpu.memory_space<vmem>>, %arg9: memref<2000x128xf32, #tpu.memory_space<vmem>>) attributes {dimension_semantics = [#tpu.dimension_semantics<arbitrary>], iteration_bounds = array<i64: 5>, scalar_prefetch = 0 : i64, scratch_operands = 0 : i64, tpu.core_type = #tpu.core_type<tc>, window_params = [{transform_indices = @transform_0, window_bounds = array<i64: 2000, 16>}, {pipeline_mode = #tpu.pipeline_mode<synchronous>, transform_indices = @transform_1, window_bounds = array<i64: 576, 128>}, {pipeline_mode = #tpu.pipeline_mode<synchronous>, transform_indices = @transform_2, window_bounds = array<i64: 128, 128>}, {pipeline_mode = #tpu.pipeline_mode<synchronous>, transform_indices = @transform_3, window_bounds = array<i64: 1, 128>}, {pipeline_mode = #tpu.pipeline_mode<synchronous>, transform_indices = @transform_4, window_bounds = array<i64: 1, 128>}, {transform_indices = @transform_5, window_bounds = array<i64: 2000, 1>}, {transform_indices = @transform_6, window_bounds = array<i64: 2000, 64>}, {transform_indices = @transform_7, window_bounds = array<i64: 2000, 64>}, {transform_indices = @transform_8, window_bounds = array<i64: 2000, 128>}]} {
    %get3A = arith.constant 0 : index
    %get3A_0 = arith.constant 0 : index
    %get3A_1 = vector.load %arg1[%get3A, %get3A_0] : memref<2000x16xi32, #tpu.memory_space<vmem>>, vector<2000x16xi32>
    %broadcast_in_dim3A = arith.constant 0.000000e+00 : f32
    %broadcast_in_dim3A_2 = vector.broadcast %broadcast_in_dim3A : f32 to vector<2000x128xf32>
    %iota3A = tpu.iota {dimensions = array<i32: 1>} : vector<1x64xi32>
    %slice3A = vector.extract_strided_slice %get3A_1 {offsets = [0, 0], sizes = [2000, 1], strides = [1, 1]} : vector<2000x16xi32> to vector<2000x1xi32>
    %eq3A = vector.broadcast %slice3A : vector<2000x1xi32> to vector<2000x64xi32>
    %eq3A_3 = vector.broadcast %iota3A : vector<1x64xi32> to vector<2000x64xi32>
    %eq3A_4 = arith.cmpi eq, %eq3A, %eq3A_3 : vector<2000x64xi32>
    %convert_element_type3A = arith.extui %eq3A_4 : vector<2000x64xi1> to vector<2000x64xi32>
    %convert_element_type3A_5 = arith.sitofp %convert_element_type3A : vector<2000x64xi32> to vector<2000x64xf32>
    %get3A_6 = arith.constant 0 : index
    %get3A_7 = arith.constant 0 : index
    %get3A_8 = vector.load %arg2[%get3A_6, %get3A_7] : memref<576x128xf32, #tpu.memory_space<vmem>>, vector<64x128xf32>
    %dot_general3A = arith.constant dense<0.000000e+00> : vector<2000x128xf32>
    %dot_general3A_9 = tpu.matmul %convert_element_type3A_5, %get3A_8, %dot_general3A {dimension_numbers = #tpu.dot_dimension_numbers<[1], [0], [0], [1], [0, 0, 1, 1], [], []>, transpose_lhs_hint = false} : vector<2000x64xf32>, vector<64x128xf32>, vector<2000x128xf32> -> vector<2000x128xf32>
    %add3A = arith.addf %broadcast_in_dim3A_2, %dot_general3A_9 : vector<2000x128xf32>
    %slice3A_10 = vector.extract_strided_slice %get3A_1 {offsets = [0, 1], sizes = [2000, 1], strides = [1, 1]} : vector<2000x16xi32> to vector<2000x1xi32>
    %eq3A_11 = vector.broadcast %slice3A_10 : vector<2000x1xi32> to vector<2000x64xi32>
    %eq3A_12 = vector.broadcast %iota3A : vector<1x64xi32> to vector<2000x64xi32>
    %eq3A_13 = arith.cmpi eq, %eq3A_11, %eq3A_12 : vector<2000x64xi32>
    %convert_element_type3A_14 = arith.extui %eq3A_13 : vector<2000x64xi1> to vector<2000x64xi32>
    %convert_element_type3A_15 = arith.sitofp %convert_element_type3A_14 : vector<2000x64xi32> to vector<2000x64xf32>
    %get3A_16 = arith.constant 64 : index
    %get3A_17 = arith.constant 0 : index
    %get3A_18 = vector.load %arg2[%get3A_16, %get3A_17] : memref<576x128xf32, #tpu.memory_space<vmem>>, vector<64x128xf32>
    %dot_general3A_19 = arith.constant dense<0.000000e+00> : vector<2000x128xf32>
    %dot_general3A_20 = tpu.matmul %convert_element_type3A_15, %get3A_18, %dot_general3A_19 {dimension_numbers = #tpu.dot_dimension_numbers<[1], [0], [0], [1], [0, 0, 1, 1], [], []>, transpose_lhs_hint = false} : vector<2000x64xf32>, vector<64x128xf32>, vector<2000x128xf32> -> vector<2000x128xf32>
    %add3A_21 = arith.addf %add3A, %dot_general3A_20 : vector<2000x128xf32>
    %slice3A_22 = vector.extract_strided_slice %get3A_1 {offsets = [0, 2], sizes = [2000, 1], strides = [1, 1]} : vector<2000x16xi32> to vector<2000x1xi32>
    %eq3A_23 = vector.broadcast %slice3A_22 : vector<2000x1xi32> to vector<2000x64xi32>
    %eq3A_24 = vector.broadcast %iota3A : vector<1x64xi32> to vector<2000x64xi32>
    %eq3A_25 = arith.cmpi eq, %eq3A_23, %eq3A_24 : vector<2000x64xi32>
    %convert_element_type3A_26 = arith.extui %eq3A_25 : vector<2000x64xi1> to vector<2000x64xi32>
    %convert_element_type3A_27 = arith.sitofp %convert_element_type3A_26 : vector<2000x64xi32> to vector<2000x64xf32>
    %get3A_28 = arith.constant 128 : index
    %get3A_29 = arith.constant 0 : index
    %get3A_30 = vector.load %arg2[%get3A_28, %get3A_29] : memref<576x128xf32, #tpu.memory_space<vmem>>, vector<64x128xf32>
    %dot_general3A_31 = arith.constant dense<0.000000e+00> : vector<2000x128xf32>
    %dot_general3A_32 = tpu.matmul %convert_element_type3A_27, %get3A_30, %dot_general3A_31 {dimension_numbers = #tpu.dot_dimension_numbers<[1], [0], [0], [1], [0, 0, 1, 1], [], []>, transpose_lhs_hint = false} : vector<2000x64xf32>, vector<64x128xf32>, vector<2000x128xf32> -> vector<2000x128xf32>
    %add3A_33 = arith.addf %add3A_21, %dot_general3A_32 : vector<2000x128xf32>
    %slice3A_34 = vector.extract_strided_slice %get3A_1 {offsets = [0, 3], sizes = [2000, 1], strides = [1, 1]} : vector<2000x16xi32> to vector<2000x1xi32>
    %eq3A_35 = vector.broadcast %slice3A_34 : vector<2000x1xi32> to vector<2000x64xi32>
    %eq3A_36 = vector.broadcast %iota3A : vector<1x64xi32> to vector<2000x64xi32>
    %eq3A_37 = arith.cmpi eq, %eq3A_35, %eq3A_36 : vector<2000x64xi32>
    %convert_element_type3A_38 = arith.extui %eq3A_37 : vector<2000x64xi1> to vector<2000x64xi32>
    %convert_element_type3A_39 = arith.sitofp %convert_element_type3A_38 : vector<2000x64xi32> to vector<2000x64xf32>
    %get3A_40 = arith.constant 192 : index
    %get3A_41 = arith.constant 0 : index
    %get3A_42 = vector.load %arg2[%get3A_40, %get3A_41] : memref<576x128xf32, #tpu.memory_space<vmem>>, vector<64x128xf32>
    %dot_general3A_43 = arith.constant dense<0.000000e+00> : vector<2000x128xf32>
    %dot_general3A_44 = tpu.matmul %convert_element_type3A_39, %get3A_42, %dot_general3A_43 {dimension_numbers = #tpu.dot_dimension_numbers<[1], [0], [0], [1], [0, 0, 1, 1], [], []>, transpose_lhs_hint = false} : vector<2000x64xf32>, vector<64x128xf32>, vector<2000x128xf32> -> vector<2000x128xf32>
    %add3A_45 = arith.addf %add3A_33, %dot_general3A_44 : vector<2000x128xf32>
    %slice3A_46 = vector.extract_strided_slice %get3A_1 {offsets = [0, 4], sizes = [2000, 1], strides = [1, 1]} : vector<2000x16xi32> to vector<2000x1xi32>
    %eq3A_47 = vector.broadcast %slice3A_46 : vector<2000x1xi32> to vector<2000x64xi32>
    %eq3A_48 = vector.broadcast %iota3A : vector<1x64xi32> to vector<2000x64xi32>
    %eq3A_49 = arith.cmpi eq, %eq3A_47, %eq3A_48 : vector<2000x64xi32>
    %convert_element_type3A_50 = arith.extui %eq3A_49 : vector<2000x64xi1> to vector<2000x64xi32>
    %convert_element_type3A_51 = arith.sitofp %convert_element_type3A_50 : vector<2000x64xi32> to vector<2000x64xf32>
    %get3A_52 = arith.constant 256 : index
    %get3A_53 = arith.constant 0 : index
    %get3A_54 = vector.load %arg2[%get3A_52, %get3A_53] : memref<576x128xf32, #tpu.memory_space<vmem>>, vector<64x128xf32>
    %dot_general3A_55 = arith.constant dense<0.000000e+00> : vector<2000x128xf32>
    %dot_general3A_56 = tpu.matmul %convert_element_type3A_51, %get3A_54, %dot_general3A_55 {dimension_numbers = #tpu.dot_dimension_numbers<[1], [0], [0], [1], [0, 0, 1, 1], [], []>, transpose_lhs_hint = false} : vector<2000x64xf32>, vector<64x128xf32>, vector<2000x128xf32> -> vector<2000x128xf32>
    %add3A_57 = arith.addf %add3A_45, %dot_general3A_56 : vector<2000x128xf32>
    %slice3A_58 = vector.extract_strided_slice %get3A_1 {offsets = [0, 5], sizes = [2000, 1], strides = [1, 1]} : vector<2000x16xi32> to vector<2000x1xi32>
    %eq3A_59 = vector.broadcast %slice3A_58 : vector<2000x1xi32> to vector<2000x64xi32>
    %eq3A_60 = vector.broadcast %iota3A : vector<1x64xi32> to vector<2000x64xi32>
    %eq3A_61 = arith.cmpi eq, %eq3A_59, %eq3A_60 : vector<2000x64xi32>
    %convert_element_type3A_62 = arith.extui %eq3A_61 : vector<2000x64xi1> to vector<2000x64xi32>
    %convert_element_type3A_63 = arith.sitofp %convert_element_type3A_62 : vector<2000x64xi32> to vector<2000x64xf32>
    %get3A_64 = arith.constant 320 : index
    %get3A_65 = arith.constant 0 : index
    %get3A_66 = vector.load %arg2[%get3A_64, %get3A_65] : memref<576x128xf32, #tpu.memory_space<vmem>>, vector<64x128xf32>
    %dot_general3A_67 = arith.constant dense<0.000000e+00> : vector<2000x128xf32>
    %dot_general3A_68 = tpu.matmul %convert_element_type3A_63, %get3A_66, %dot_general3A_67 {dimension_numbers = #tpu.dot_dimension_numbers<[1], [0], [0], [1], [0, 0, 1, 1], [], []>, transpose_lhs_hint = false} : vector<2000x64xf32>, vector<64x128xf32>, vector<2000x128xf32> -> vector<2000x128xf32>
    %add3A_69 = arith.addf %add3A_57, %dot_general3A_68 : vector<2000x128xf32>
    %slice3A_70 = vector.extract_strided_slice %get3A_1 {offsets = [0, 6], sizes = [2000, 1], strides = [1, 1]} : vector<2000x16xi32> to vector<2000x1xi32>
    %eq3A_71 = vector.broadcast %slice3A_70 : vector<2000x1xi32> to vector<2000x64xi32>
    %eq3A_72 = vector.broadcast %iota3A : vector<1x64xi32> to vector<2000x64xi32>
    %eq3A_73 = arith.cmpi eq, %eq3A_71, %eq3A_72 : vector<2000x64xi32>
    %convert_element_type3A_74 = arith.extui %eq3A_73 : vector<2000x64xi1> to vector<2000x64xi32>
    %convert_element_type3A_75 = arith.sitofp %convert_element_type3A_74 : vector<2000x64xi32> to vector<2000x64xf32>
    %get3A_76 = arith.constant 384 : index
    %get3A_77 = arith.constant 0 : index
    %get3A_78 = vector.load %arg2[%get3A_76, %get3A_77] : memref<576x128xf32, #tpu.memory_space<vmem>>, vector<64x128xf32>
    %dot_general3A_79 = arith.constant dense<0.000000e+00> : vector<2000x128xf32>
    %dot_general3A_80 = tpu.matmul %convert_element_type3A_75, %get3A_78, %dot_general3A_79 {dimension_numbers = #tpu.dot_dimension_numbers<[1], [0], [0], [1], [0, 0, 1, 1], [], []>, transpose_lhs_hint = false} : vector<2000x64xf32>, vector<64x128xf32>, vector<2000x128xf32> -> vector<2000x128xf32>
    %add3A_81 = arith.addf %add3A_69, %dot_general3A_80 : vector<2000x128xf32>
    %slice3A_82 = vector.extract_strided_slice %get3A_1 {offsets = [0, 7], sizes = [2000, 1], strides = [1, 1]} : vector<2000x16xi32> to vector<2000x1xi32>
    %eq3A_83 = vector.broadcast %slice3A_82 : vector<2000x1xi32> to vector<2000x64xi32>
    %eq3A_84 = vector.broadcast %iota3A : vector<1x64xi32> to vector<2000x64xi32>
    %eq3A_85 = arith.cmpi eq, %eq3A_83, %eq3A_84 : vector<2000x64xi32>
    %convert_element_type3A_86 = arith.extui %eq3A_85 : vector<2000x64xi1> to vector<2000x64xi32>
    %convert_element_type3A_87 = arith.sitofp %convert_element_type3A_86 : vector<2000x64xi32> to vector<2000x64xf32>
    %get3A_88 = arith.constant 448 : index
    %get3A_89 = arith.constant 0 : index
    %get3A_90 = vector.load %arg2[%get3A_88, %get3A_89] : memref<576x128xf32, #tpu.memory_space<vmem>>, vector<64x128xf32>
    %dot_general3A_91 = arith.constant dense<0.000000e+00> : vector<2000x128xf32>
    %dot_general3A_92 = tpu.matmul %convert_element_type3A_87, %get3A_90, %dot_general3A_91 {dimension_numbers = #tpu.dot_dimension_numbers<[1], [0], [0], [1], [0, 0, 1, 1], [], []>, transpose_lhs_hint = false} : vector<2000x64xf32>, vector<64x128xf32>, vector<2000x128xf32> -> vector<2000x128xf32>
    %add3A_93 = arith.addf %add3A_81, %dot_general3A_92 : vector<2000x128xf32>
    %slice3A_94 = vector.extract_strided_slice %get3A_1 {offsets = [0, 8], sizes = [2000, 1], strides = [1, 1]} : vector<2000x16xi32> to vector<2000x1xi32>
    %eq3A_95 = vector.broadcast %slice3A_94 : vector<2000x1xi32> to vector<2000x64xi32>
    %eq3A_96 = vector.broadcast %iota3A : vector<1x64xi32> to vector<2000x64xi32>
    %eq3A_97 = arith.cmpi eq, %eq3A_95, %eq3A_96 : vector<2000x64xi32>
    %convert_element_type3A_98 = arith.extui %eq3A_97 : vector<2000x64xi1> to vector<2000x64xi32>
    %convert_element_type3A_99 = arith.sitofp %convert_element_type3A_98 : vector<2000x64xi32> to vector<2000x64xf32>
    %get3A_100 = arith.constant 512 : index
    %get3A_101 = arith.constant 0 : index
    %get3A_102 = vector.load %arg2[%get3A_100, %get3A_101] : memref<576x128xf32, #tpu.memory_space<vmem>>, vector<64x128xf32>
    %dot_general3A_103 = arith.constant dense<0.000000e+00> : vector<2000x128xf32>
    %dot_general3A_104 = tpu.matmul %convert_element_type3A_99, %get3A_102, %dot_general3A_103 {dimension_numbers = #tpu.dot_dimension_numbers<[1], [0], [0], [1], [0, 0, 1, 1], [], []>, transpose_lhs_hint = false} : vector<2000x64xf32>, vector<64x128xf32>, vector<2000x128xf32> -> vector<2000x128xf32>
    %add3A_105 = arith.addf %add3A_93, %dot_general3A_104 : vector<2000x128xf32>
    %get3A_106 = arith.constant 0 : index
    %get3A_107 = arith.constant 0 : index
    %get3A_108 = vector.load %arg3[%get3A_106, %get3A_107] : memref<128x128xf32, #tpu.memory_space<vmem>>, vector<128x128xf32>
    %dot_general3A_109 = arith.constant dense<0.000000e+00> : vector<2000x128xf32>
    %dot_general3A_110 = tpu.matmul %add3A_105, %get3A_108, %dot_general3A_109 {dimension_numbers = #tpu.dot_dimension_numbers<[1], [0], [0], [1], [0, 0, 1, 1], [], []>, transpose_lhs_hint = false} : vector<2000x128xf32>, vector<128x128xf32>, vector<2000x128xf32> -> vector<2000x128xf32>
    %get3A_111 = arith.constant 0 : index
    %get3A_112 = arith.constant 0 : index
    %get3A_113 = vector.load %arg4[%get3A_111, %get3A_112] : memref<1x128xf32, #tpu.memory_space<vmem>>, vector<1x128xf32>
    %add3A_114 = vector.broadcast %get3A_113 : vector<1x128xf32> to vector<2000x128xf32>
    %add3A_115 = arith.addf %dot_general3A_110, %add3A_114 : vector<2000x128xf32>
    %slice3A_116 = vector.extract_strided_slice %add3A_115 {offsets = [0, 0], sizes = [2000, 64], strides = [1, 1]} : vector<2000x128xf32> to vector<2000x64xf32>
    %swap3A = arith.constant 0 : index
    %swap3A_117 = arith.constant 0 : index
    %swap3A_118 = vector.load %arg7[%swap3A, %swap3A_117] : memref<2000x64xf32, #tpu.memory_space<vmem>>, vector<2000x64xf32>
    tpu.vector_store %arg7[%swap3A, %swap3A_117], %slice3A_116 {strides = array<i32>} : memref<2000x64xf32, #tpu.memory_space<vmem>>, vector<2000x64xf32>,
    %slice3A_119 = vector.extract_strided_slice %add3A_115 {offsets = [0, 64], sizes = [2000, 64], strides = [1, 1]} : vector<2000x128xf32> to vector<2000x64xf32>
    %swap3A_120 = arith.constant 0 : index
    %swap3A_121 = arith.constant 0 : index
    %swap3A_122 = vector.load %arg8[%swap3A_120, %swap3A_121] : memref<2000x64xf32, #tpu.memory_space<vmem>>, vector<2000x64xf32>
    tpu.vector_store %arg8[%swap3A_120, %swap3A_121], %slice3A_119 {strides = array<i32>} : memref<2000x64xf32, #tpu.memory_space<vmem>>, vector<2000x64xf32>,
    %get3A_123 = arith.constant 0 : index
    %get3A_124 = arith.constant 0 : index
    %get3A_125 = vector.load %arg5[%get3A_123, %get3A_124] : memref<1x128xf32, #tpu.memory_space<vmem>>, vector<1x128xf32>
    %add3A_126 = vector.broadcast %get3A_125 : vector<1x128xf32> to vector<2000x128xf32>
    %add3A_127 = arith.addf %add3A_115, %add3A_126 : vector<2000x128xf32>
    %max3A = arith.constant 0.000000e+00 : f32
    %max3A_128 = vector.broadcast %max3A : f32 to vector<2000x128xf32>
    %max3A_129 = arith.maximumf %add3A_127, %max3A_128 : vector<2000x128xf32>
    %get3A_130 = arith.constant 0 : index
    %get3A_131 = arith.constant 0 : index
    %get3A_132 = vector.load %arg6[%get3A_130, %get3A_131] : memref<2000x1xf32, #tpu.memory_space<vmem>>, vector<2000x1xf32>
    %div3A = vector.broadcast %get3A_132 : vector<2000x1xf32> to vector<2000x128xf32>
    %div3A_133 = arith.divf %max3A_129, %div3A : vector<2000x128xf32>
    %swap3A_134 = arith.constant 0 : index
    %swap3A_135 = arith.constant 0 : index
    %swap3A_136 = vector.load %arg9[%swap3A_134, %swap3A_135] : memref<2000x128xf32, #tpu.memory_space<vmem>>, vector<2000x128xf32>
    tpu.vector_store %arg9[%swap3A_134, %swap3A_135], %div3A_133 {strides = array<i32>} : memref<2000x128xf32, #tpu.memory_space<vmem>>, vector<2000x128xf32>,
    return
  }
  func.func @transform_0(%arg0: i32) -> (i32, i32) {
    %c0_i32 = arith.constant 0 : i32
    %c0_i32_0 = arith.constant 0 : i32
    return %arg0, %c0_i32 : i32, i32
  }
  func.func @transform_1(%arg0: i32) -> (i32, i32) {
    %c0_i32 = arith.constant 0 : i32
    %c0_i32_0 = arith.constant 0 : i32
    %c0_i32_1 = arith.constant 0 : i32
    return %c0_i32, %c0_i32_0 : i32, i32
  }
  func.func @transform_2(%arg0: i32) -> (i32, i32) {
    %c0_i32 = arith.constant 0 : i32
    %c0_i32_0 = arith.constant 0 : i32
    %c0_i32_1 = arith.constant 0 : i32
    return %c0_i32, %c0_i32_0 : i32, i32
  }
  func.func @transform_3(%arg0: i32) -> (i32, i32) {
    %c0_i32 = arith.constant 0 : i32
    %c0_i32_0 = arith.constant 0 : i32
    %c0_i32_1 = arith.constant 0 : i32
    return %c0_i32, %c0_i32_0 : i32, i32
  }
  func.func @transform_4(%arg0: i32) -> (i32, i32) {
    %c0_i32 = arith.constant 0 : i32
    %c0_i32_0 = arith.constant 0 : i32
    %c0_i32_1 = arith.constant 0 : i32
    return %c0_i32, %c0_i32_0 : i32, i32
  }
  func.func @transform_5(%arg0: i32) -> (i32, i32) {
    %c0_i32 = arith.constant 0 : i32
    %c0_i32_0 = arith.constant 0 : i32
    return %arg0, %c0_i32 : i32, i32
  }
  func.func @transform_6(%arg0: i32) -> (i32, i32) {
    %c0_i32 = arith.constant 0 : i32
    %c0_i32_0 = arith.constant 0 : i32
    return %arg0, %c0_i32 : i32, i32
  }
  func.func @transform_7(%arg0: i32) -> (i32, i32) {
    %c0_i32 = arith.constant 0 : i32
    %c0_i32_0 = arith.constant 0 : i32
    return %arg0, %c0_i32 : i32, i32
  }
  func.func @transform_8(%arg0: i32) -> (i32, i32) {
    %c0_i32 = arith.constant 0 : i32
    %c0_i32_0 = arith.constant 0 : i32
    return %arg0, %c0_i32 : i32, i32
  }
}

module attributes {stable_mosaic.version = 14 : i64} {
  func.func @_ep_mm_body(%arg0: i32, %arg1: memref<2000x64xf32, #tpu.memory_space<vmem>>, %arg2: memref<2000x64xf32, #tpu.memory_space<vmem>>, %arg3: memref<2000x64xf32, #tpu.memory_space<vmem>>, %arg4: memref<2000x64xf32, #tpu.memory_space<vmem>>, %arg5: memref<2000x128xf32, #tpu.memory_space<vmem>>, %arg6: memref<1x128xf32, #tpu.memory_space<vmem>>, %arg7: memref<1x128xf32, #tpu.memory_space<vmem>>, %arg8: memref<128x128xf32, #tpu.memory_space<vmem>>, %arg9: memref<1x128xf32, #tpu.memory_space<vmem>>, %arg10: memref<1x128xf32, #tpu.memory_space<vmem>>, %arg11: memref<2000x1xf32, #tpu.memory_space<vmem>>, %arg12: memref<2000x64xf32, #tpu.memory_space<vmem>>, %arg13: memref<2000x64xf32, #tpu.memory_space<vmem>>, %arg14: memref<2000x128xf32, #tpu.memory_space<vmem>>) attributes {dimension_semantics = [#tpu.dimension_semantics<arbitrary>], iteration_bounds = array<i64: 5>, scalar_prefetch = 0 : i64, scratch_operands = 0 : i64, tpu.core_type = #tpu.core_type<tc>, window_params = [{transform_indices = @transform_0, window_bounds = array<i64: 2000, 64>}, {transform_indices = @transform_1, window_bounds = array<i64: 2000, 64>}, {transform_indices = @transform_2, window_bounds = array<i64: 2000, 64>}, {transform_indices = @transform_3, window_bounds = array<i64: 2000, 64>}, {transform_indices = @transform_4, window_bounds = array<i64: 2000, 128>}, {pipeline_mode = #tpu.pipeline_mode<synchronous>, transform_indices = @transform_5, window_bounds = array<i64: 1, 128>}, {pipeline_mode = #tpu.pipeline_mode<synchronous>, transform_indices = @transform_6, window_bounds = array<i64: 1, 128>}, {pipeline_mode = #tpu.pipeline_mode<synchronous>, transform_indices = @transform_7, window_bounds = array<i64: 128, 128>}, {pipeline_mode = #tpu.pipeline_mode<synchronous>, transform_indices = @transform_8, window_bounds = array<i64: 1, 128>}, {pipeline_mode = #tpu.pipeline_mode<synchronous>, transform_indices = @transform_9, window_bounds = array<i64: 1, 128>}, {transform_indices = @transform_10, window_bounds = array<i64: 2000, 1>}, {transform_indices = @transform_11, window_bounds = array<i64: 2000, 64>}, {transform_indices = @transform_12, window_bounds = array<i64: 2000, 64>}, {transform_indices = @transform_13, window_bounds = array<i64: 2000, 128>}]} {
    %get3A = arith.constant 0 : index
    %get3A_0 = arith.constant 0 : index
    %get3A_1 = vector.load %arg1[%get3A, %get3A_0] : memref<2000x64xf32, #tpu.memory_space<vmem>>, vector<2000x64xf32>
    %get3A_2 = arith.constant 0 : index
    %get3A_3 = arith.constant 0 : index
    %get3A_4 = vector.load %arg3[%get3A_2, %get3A_3] : memref<2000x64xf32, #tpu.memory_space<vmem>>, vector<2000x64xf32>
    %add3A = arith.addf %get3A_1, %get3A_4 : vector<2000x64xf32>
    %get3A_5 = arith.constant 0 : index
    %get3A_6 = arith.constant 0 : index
    %get3A_7 = vector.load %arg2[%get3A_5, %get3A_6] : memref<2000x64xf32, #tpu.memory_space<vmem>>, vector<2000x64xf32>
    %get3A_8 = arith.constant 0 : index
    %get3A_9 = arith.constant 0 : index
    %get3A_10 = vector.load %arg4[%get3A_8, %get3A_9] : memref<2000x64xf32, #tpu.memory_space<vmem>>, vector<2000x64xf32>
    %add3A_11 = arith.addf %get3A_7, %get3A_10 : vector<2000x64xf32>
    %concatenate3A = tpu.concatenate %add3A, %add3A_11 in 1 : vector<2000x64xf32>, vector<2000x64xf32> -> vector<2000x128xf32>
    %get3A_12 = arith.constant 0 : index
    %get3A_13 = arith.constant 0 : index
    %get3A_14 = vector.load %arg5[%get3A_12, %get3A_13] : memref<2000x128xf32, #tpu.memory_space<vmem>>, vector<2000x128xf32>
    %add3A_15 = arith.addf %concatenate3A, %get3A_14 : vector<2000x128xf32>
    %get3A_16 = arith.constant 0 : index
    %get3A_17 = arith.constant 0 : index
    %get3A_18 = vector.load %arg6[%get3A_16, %get3A_17] : memref<1x128xf32, #tpu.memory_space<vmem>>, vector<1x128xf32>
    %mul3A = vector.broadcast %get3A_18 : vector<1x128xf32> to vector<2000x128xf32>
    %mul3A_19 = arith.mulf %add3A_15, %mul3A : vector<2000x128xf32>
    %get3A_20 = arith.constant 0 : index
    %get3A_21 = arith.constant 0 : index
    %get3A_22 = vector.load %arg7[%get3A_20, %get3A_21] : memref<1x128xf32, #tpu.memory_space<vmem>>, vector<1x128xf32>
    %add3A_23 = vector.broadcast %get3A_22 : vector<1x128xf32> to vector<2000x128xf32>
    %add3A_24 = arith.addf %mul3A_19, %add3A_23 : vector<2000x128xf32>
    %max3A = arith.constant 0.000000e+00 : f32
    %max3A_25 = vector.broadcast %max3A : f32 to vector<2000x128xf32>
    %max3A_26 = arith.maximumf %add3A_24, %max3A_25 : vector<2000x128xf32>
    %get3A_27 = arith.constant 0 : index
    %get3A_28 = arith.constant 0 : index
    %get3A_29 = vector.load %arg8[%get3A_27, %get3A_28] : memref<128x128xf32, #tpu.memory_space<vmem>>, vector<128x128xf32>
    %dot_general3A = arith.constant dense<0.000000e+00> : vector<2000x128xf32>
    %dot_general3A_30 = tpu.matmul %max3A_26, %get3A_29, %dot_general3A {dimension_numbers = #tpu.dot_dimension_numbers<[1], [0], [0], [1], [0, 0, 1, 1], [], []>, transpose_lhs_hint = false} : vector<2000x128xf32>, vector<128x128xf32>, vector<2000x128xf32> -> vector<2000x128xf32>
    %get3A_31 = arith.constant 0 : index
    %get3A_32 = arith.constant 0 : index
    %get3A_33 = vector.load %arg9[%get3A_31, %get3A_32] : memref<1x128xf32, #tpu.memory_space<vmem>>, vector<1x128xf32>
    %add3A_34 = vector.broadcast %get3A_33 : vector<1x128xf32> to vector<2000x128xf32>
    %add3A_35 = arith.addf %dot_general3A_30, %add3A_34 : vector<2000x128xf32>
    %slice3A = vector.extract_strided_slice %add3A_35 {offsets = [0, 0], sizes = [2000, 64], strides = [1, 1]} : vector<2000x128xf32> to vector<2000x64xf32>
    %swap3A = arith.constant 0 : index
    %swap3A_36 = arith.constant 0 : index
    %swap3A_37 = vector.load %arg12[%swap3A, %swap3A_36] : memref<2000x64xf32, #tpu.memory_space<vmem>>, vector<2000x64xf32>
    tpu.vector_store %arg12[%swap3A, %swap3A_36], %slice3A {strides = array<i32>} : memref<2000x64xf32, #tpu.memory_space<vmem>>, vector<2000x64xf32>,
    %slice3A_38 = vector.extract_strided_slice %add3A_35 {offsets = [0, 64], sizes = [2000, 64], strides = [1, 1]} : vector<2000x128xf32> to vector<2000x64xf32>
    %swap3A_39 = arith.constant 0 : index
    %swap3A_40 = arith.constant 0 : index
    %swap3A_41 = vector.load %arg13[%swap3A_39, %swap3A_40] : memref<2000x64xf32, #tpu.memory_space<vmem>>, vector<2000x64xf32>
    tpu.vector_store %arg13[%swap3A_39, %swap3A_40], %slice3A_38 {strides = array<i32>} : memref<2000x64xf32, #tpu.memory_space<vmem>>, vector<2000x64xf32>,
    %get3A_42 = arith.constant 0 : index
    %get3A_43 = arith.constant 0 : index
    %get3A_44 = vector.load %arg10[%get3A_42, %get3A_43] : memref<1x128xf32, #tpu.memory_space<vmem>>, vector<1x128xf32>
    %add3A_45 = vector.broadcast %get3A_44 : vector<1x128xf32> to vector<2000x128xf32>
    %add3A_46 = arith.addf %add3A_35, %add3A_45 : vector<2000x128xf32>
    %max3A_47 = arith.constant 0.000000e+00 : f32
    %max3A_48 = vector.broadcast %max3A_47 : f32 to vector<2000x128xf32>
    %max3A_49 = arith.maximumf %add3A_46, %max3A_48 : vector<2000x128xf32>
    %get3A_50 = arith.constant 0 : index
    %get3A_51 = arith.constant 0 : index
    %get3A_52 = vector.load %arg11[%get3A_50, %get3A_51] : memref<2000x1xf32, #tpu.memory_space<vmem>>, vector<2000x1xf32>
    %div3A = vector.broadcast %get3A_52 : vector<2000x1xf32> to vector<2000x128xf32>
    %div3A_53 = arith.divf %max3A_49, %div3A : vector<2000x128xf32>
    %swap3A_54 = arith.constant 0 : index
    %swap3A_55 = arith.constant 0 : index
    %swap3A_56 = vector.load %arg14[%swap3A_54, %swap3A_55] : memref<2000x128xf32, #tpu.memory_space<vmem>>, vector<2000x128xf32>
    tpu.vector_store %arg14[%swap3A_54, %swap3A_55], %div3A_53 {strides = array<i32>} : memref<2000x128xf32, #tpu.memory_space<vmem>>, vector<2000x128xf32>,
    return
  }
  func.func @transform_0(%arg0: i32) -> (i32, i32) {
    %c0_i32 = arith.constant 0 : i32
    %c0_i32_0 = arith.constant 0 : i32
    return %arg0, %c0_i32 : i32, i32
  }
  func.func @transform_1(%arg0: i32) -> (i32, i32) {
    %c0_i32 = arith.constant 0 : i32
    %c0_i32_0 = arith.constant 0 : i32
    return %arg0, %c0_i32 : i32, i32
  }
  func.func @transform_2(%arg0: i32) -> (i32, i32) {
    %c0_i32 = arith.constant 0 : i32
    %c0_i32_0 = arith.constant 0 : i32
    return %arg0, %c0_i32 : i32, i32
  }
  func.func @transform_3(%arg0: i32) -> (i32, i32) {
    %c0_i32 = arith.constant 0 : i32
    %c0_i32_0 = arith.constant 0 : i32
    return %arg0, %c0_i32 : i32, i32
  }
  func.func @transform_4(%arg0: i32) -> (i32, i32) {
    %c0_i32 = arith.constant 0 : i32
    %c0_i32_0 = arith.constant 0 : i32
    return %arg0, %c0_i32 : i32, i32
  }
  func.func @transform_5(%arg0: i32) -> (i32, i32) {
    %c0_i32 = arith.constant 0 : i32
    %c0_i32_0 = arith.constant 0 : i32
    %c0_i32_1 = arith.constant 0 : i32
    return %c0_i32, %c0_i32_0 : i32, i32
  }
  func.func @transform_6(%arg0: i32) -> (i32, i32) {
    %c0_i32 = arith.constant 0 : i32
    %c0_i32_0 = arith.constant 0 : i32
    %c0_i32_1 = arith.constant 0 : i32
    return %c0_i32, %c0_i32_0 : i32, i32
  }
  func.func @transform_7(%arg0: i32) -> (i32, i32) {
    %c0_i32 = arith.constant 0 : i32
    %c0_i32_0 = arith.constant 0 : i32
    %c0_i32_1 = arith.constant 0 : i32
    return %c0_i32, %c0_i32_0 : i32, i32
  }
  func.func @transform_8(%arg0: i32) -> (i32, i32) {
    %c0_i32 = arith.constant 0 : i32
    %c0_i32_0 = arith.constant 0 : i32
    %c0_i32_1 = arith.constant 0 : i32
    return %c0_i32, %c0_i32_0 : i32, i32
  }
  func.func @transform_9(%arg0: i32) -> (i32, i32) {
    %c0_i32 = arith.constant 0 : i32
    %c0_i32_0 = arith.constant 0 : i32
    %c0_i32_1 = arith.constant 0 : i32
    return %c0_i32, %c0_i32_0 : i32, i32
  }
  func.func @transform_10(%arg0: i32) -> (i32, i32) {
    %c0_i32 = arith.constant 0 : i32
    %c0_i32_0 = arith.constant 0 : i32
    return %arg0, %c0_i32 : i32, i32
  }
  func.func @transform_11(%arg0: i32) -> (i32, i32) {
    %c0_i32 = arith.constant 0 : i32
    %c0_i32_0 = arith.constant 0 : i32
    return %arg0, %c0_i32 : i32, i32
  }
  func.func @transform_12(%arg0: i32) -> (i32, i32) {
    %c0_i32 = arith.constant 0 : i32
    %c0_i32_0 = arith.constant 0 : i32
    return %arg0, %c0_i32 : i32, i32
  }
  func.func @transform_13(%arg0: i32) -> (i32, i32) {
    %c0_i32 = arith.constant 0 : i32
    %c0_i32_0 = arith.constant 0 : i32
    return %arg0, %c0_i32 : i32, i32
  }
}

module attributes {stable_mosaic.version = 14 : i64} {
  func.func @_pool_body(%arg0: i32, %arg1: memref<2000x1xi32, #tpu.memory_space<vmem>>, %arg2: memref<2000x64xf32, #tpu.memory_space<vmem>>, %arg3: memref<2000x64xf32, #tpu.memory_space<vmem>>, %arg4: memref<2000x64xf32, #tpu.memory_space<vmem>>, %arg5: memref<2000x64xf32, #tpu.memory_space<vmem>>, %arg6: memref<2000x128xf32, #tpu.memory_space<vmem>>, %arg7: memref<128x128xf32, #tpu.memory_space<vmem>>, %arg8: memref<1x128xf32, #tpu.memory_space<vmem>>, %arg9: memref<64x128xf32, #tpu.memory_space<vmem>>, %arg10: memref<64x128xf32, #tpu.memory_space<vmem>>, %arg11: memref<8x64xf32, #tpu.memory_space<vmem>>) attributes {dimension_semantics = [#tpu.dimension_semantics<arbitrary>], iteration_bounds = array<i64: 5>, scalar_prefetch = 0 : i64, scratch_operands = 2 : i64, tpu.core_type = #tpu.core_type<tc>, window_params = [{transform_indices = @transform_0, window_bounds = array<i64: 2000, 1>}, {transform_indices = @transform_1, window_bounds = array<i64: 2000, 64>}, {transform_indices = @transform_2, window_bounds = array<i64: 2000, 64>}, {transform_indices = @transform_3, window_bounds = array<i64: 2000, 64>}, {transform_indices = @transform_4, window_bounds = array<i64: 2000, 64>}, {transform_indices = @transform_5, window_bounds = array<i64: 2000, 128>}, {pipeline_mode = #tpu.pipeline_mode<synchronous>, transform_indices = @transform_6, window_bounds = array<i64: 128, 128>}, {pipeline_mode = #tpu.pipeline_mode<synchronous>, transform_indices = @transform_7, window_bounds = array<i64: 1, 128>}, {pipeline_mode = #tpu.pipeline_mode<synchronous>, transform_indices = @transform_8, window_bounds = array<i64: 64, 128>}]} {
    %eq3A = arith.constant 0 : i32
    %eq3A_0 = arith.cmpi eq, %arg0, %eq3A : i32
    %convert_element_type3A = arith.extui %eq3A_0 : i1 to i32
    %cond3A = arith.constant 0 : i32
    %cond3A_1 = arith.cmpi ne, %convert_element_type3A, %cond3A : i32
    scf.if %cond3A_1 {
      %broadcast_in_dim3A = arith.constant 0.000000e+00 : f32
      %broadcast_in_dim3A_46 = vector.broadcast %broadcast_in_dim3A : f32 to vector<64x128xf32>
      %swap3A_47 = arith.constant 0 : index
      %swap3A_48 = arith.constant 0 : index
      %swap3A_49 = vector.load %arg10[%swap3A_47, %swap3A_48] : memref<64x128xf32, #tpu.memory_space<vmem>>, vector<64x128xf32>
      tpu.vector_store %arg10[%swap3A_47, %swap3A_48], %broadcast_in_dim3A_46 {strides = array<i32>} : memref<64x128xf32, #tpu.memory_space<vmem>>, vector<64x128xf32>,
      %broadcast_in_dim3A_50 = arith.constant 0.000000e+00 : f32
      %broadcast_in_dim3A_51 = vector.broadcast %broadcast_in_dim3A_50 : f32 to vector<8x64xf32>
      %swap3A_52 = arith.constant 0 : index
      %swap3A_53 = arith.constant 0 : index
      %swap3A_54 = vector.load %arg11[%swap3A_52, %swap3A_53] : memref<8x64xf32, #tpu.memory_space<vmem>>, vector<8x64xf32>
      tpu.vector_store %arg11[%swap3A_52, %swap3A_53], %broadcast_in_dim3A_51 {strides = array<i32>} : memref<8x64xf32, #tpu.memory_space<vmem>>, vector<8x64xf32>,
    } else {
    }
    %get3A = arith.constant 0 : index
    %get3A_2 = arith.constant 0 : index
    %get3A_3 = vector.load %arg2[%get3A, %get3A_2] : memref<2000x64xf32, #tpu.memory_space<vmem>>, vector<2000x64xf32>
    %get3A_4 = arith.constant 0 : index
    %get3A_5 = arith.constant 0 : index
    %get3A_6 = vector.load %arg4[%get3A_4, %get3A_5] : memref<2000x64xf32, #tpu.memory_space<vmem>>, vector<2000x64xf32>
    %add3A = arith.addf %get3A_3, %get3A_6 : vector<2000x64xf32>
    %get3A_7 = arith.constant 0 : index
    %get3A_8 = arith.constant 0 : index
    %get3A_9 = vector.load %arg3[%get3A_7, %get3A_8] : memref<2000x64xf32, #tpu.memory_space<vmem>>, vector<2000x64xf32>
    %get3A_10 = arith.constant 0 : index
    %get3A_11 = arith.constant 0 : index
    %get3A_12 = vector.load %arg5[%get3A_10, %get3A_11] : memref<2000x64xf32, #tpu.memory_space<vmem>>, vector<2000x64xf32>
    %add3A_13 = arith.addf %get3A_9, %get3A_12 : vector<2000x64xf32>
    %concatenate3A = tpu.concatenate %add3A, %add3A_13 in 1 : vector<2000x64xf32>, vector<2000x64xf32> -> vector<2000x128xf32>
    %get3A_14 = arith.constant 0 : index
    %get3A_15 = arith.constant 0 : index
    %get3A_16 = vector.load %arg6[%get3A_14, %get3A_15] : memref<2000x128xf32, #tpu.memory_space<vmem>>, vector<2000x128xf32>
    %add3A_17 = arith.addf %concatenate3A, %get3A_16 : vector<2000x128xf32>
    %iota3A = tpu.iota {dimensions = array<i32: 1>} : vector<1x64xi32>
    %get3A_18 = arith.constant 0 : index
    %get3A_19 = arith.constant 0 : index
    %get3A_20 = vector.load %arg1[%get3A_18, %get3A_19] : memref<2000x1xi32, #tpu.memory_space<vmem>>, vector<2000x1xi32>
    %eq3A_21 = vector.broadcast %get3A_20 : vector<2000x1xi32> to vector<2000x64xi32>
    %eq3A_22 = vector.broadcast %iota3A : vector<1x64xi32> to vector<2000x64xi32>
    %eq3A_23 = arith.cmpi eq, %eq3A_21, %eq3A_22 : vector<2000x64xi32>
    %convert_element_type3A_24 = arith.extui %eq3A_23 : vector<2000x64xi1> to vector<2000x64xi32>
    %convert_element_type3A_25 = arith.sitofp %convert_element_type3A_24 : vector<2000x64xi32> to vector<2000x64xf32>
    %get3A_26 = arith.constant 0 : index
    %get3A_27 = arith.constant 0 : index
    %get3A_28 = vector.load %arg10[%get3A_26, %get3A_27] : memref<64x128xf32, #tpu.memory_space<vmem>>, vector<64x128xf32>
    %transpose3A = tpu.transpose %convert_element_type3A_25, [1, 0] : vector<2000x64xf32> -> vector<64x2000xf32>
    %dot_general3A = arith.constant dense<0.000000e+00> : vector<64x128xf32>
    %dot_general3A_29 = tpu.matmul %transpose3A, %add3A_17, %dot_general3A {dimension_numbers = #tpu.dot_dimension_numbers<[1], [0], [0], [1], [0, 0, 1, 1], [], []>, transpose_lhs_hint = false} : vector<64x2000xf32>, vector<2000x128xf32>, vector<64x128xf32> -> vector<64x128xf32>
    %add3A_30 = arith.addf %get3A_28, %dot_general3A_29 : vector<64x128xf32>
    %swap3A = arith.constant 0 : index
    %swap3A_31 = arith.constant 0 : index
    %swap3A_32 = vector.load %arg10[%swap3A, %swap3A_31] : memref<64x128xf32, #tpu.memory_space<vmem>>, vector<64x128xf32>
    tpu.vector_store %arg10[%swap3A, %swap3A_31], %add3A_30 {strides = array<i32>} : memref<64x128xf32, #tpu.memory_space<vmem>>, vector<64x128xf32>,
    %get3A_33 = arith.constant 0 : index
    %get3A_34 = arith.constant 0 : index
    %get3A_35 = vector.load %arg11[%get3A_33, %get3A_34] : memref<8x64xf32, #tpu.memory_space<vmem>>, vector<8x64xf32>
    %reshape3A = vector.shape_cast %convert_element_type3A_25 : vector<2000x64xf32> to vector<250x8x64xf32>
    %reduce_sum3A = arith.constant dense<0.000000e+00> : vector<8x64xf32>
    %reduce_sum3A_36 = vector.multi_reduction <add>, %reshape3A, %reduce_sum3A [0] : vector<250x8x64xf32> to vector<8x64xf32>
    %add3A_37 = arith.addf %get3A_35, %reduce_sum3A_36 : vector<8x64xf32>
    %swap3A_38 = arith.constant 0 : index
    %swap3A_39 = arith.constant 0 : index
    %swap3A_40 = vector.load %arg11[%swap3A_38, %swap3A_39] : memref<8x64xf32, #tpu.memory_space<vmem>>, vector<8x64xf32>
    tpu.vector_store %arg11[%swap3A_38, %swap3A_39], %add3A_37 {strides = array<i32>} : memref<8x64xf32, #tpu.memory_space<vmem>>, vector<8x64xf32>,
    %eq3A_41 = arith.constant 4 : i32
    %eq3A_42 = arith.cmpi eq, %arg0, %eq3A_41 : i32
    %convert_element_type3A_43 = arith.extui %eq3A_42 : i1 to i32
    %cond3A_44 = arith.constant 0 : i32
    %cond3A_45 = arith.cmpi ne, %convert_element_type3A_43, %cond3A_44 : i32
    scf.if %cond3A_45 {
      %get3A_46 = arith.constant 0 : index
      %get3A_47 = arith.constant 0 : index
      %get3A_48 = vector.load %arg11[%get3A_46, %get3A_47] : memref<8x64xf32, #tpu.memory_space<vmem>>, vector<8x64xf32>
      %reduce_sum3A_49 = arith.constant dense<0.000000e+00> : vector<64xf32>
      %reduce_sum3A_50 = vector.multi_reduction <add>, %get3A_48, %reduce_sum3A_49 [0] : vector<8x64xf32> to vector<64xf32>
      %broadcast_in_dim3A = vector.shape_cast %reduce_sum3A_50 : vector<64xf32> to vector<64x1xf32>
      %get3A_51 = arith.constant 0 : index
      %get3A_52 = arith.constant 0 : index
      %get3A_53 = vector.load %arg10[%get3A_51, %get3A_52] : memref<64x128xf32, #tpu.memory_space<vmem>>, vector<64x128xf32>
      %max3A = arith.constant 1.000000e+00 : f32
      %max3A_54 = vector.broadcast %max3A : f32 to vector<64x1xf32>
      %max3A_55 = arith.maximumf %broadcast_in_dim3A, %max3A_54 : vector<64x1xf32>
      %div3A = vector.broadcast %max3A_55 : vector<64x1xf32> to vector<64x128xf32>
      %div3A_56 = arith.divf %get3A_53, %div3A : vector<64x128xf32>
      %get3A_57 = arith.constant 0 : index
      %get3A_58 = arith.constant 0 : index
      %get3A_59 = vector.load %arg7[%get3A_57, %get3A_58] : memref<128x128xf32, #tpu.memory_space<vmem>>, vector<128x128xf32>
      %dot_general3A_60 = arith.constant dense<0.000000e+00> : vector<64x128xf32>
      %dot_general3A_61 = tpu.matmul %div3A_56, %get3A_59, %dot_general3A_60 {dimension_numbers = #tpu.dot_dimension_numbers<[1], [0], [0], [1], [0, 0, 1, 1], [], []>, transpose_lhs_hint = false} : vector<64x128xf32>, vector<128x128xf32>, vector<64x128xf32> -> vector<64x128xf32>
      %get3A_62 = arith.constant 0 : index
      %get3A_63 = arith.constant 0 : index
      %get3A_64 = vector.load %arg8[%get3A_62, %get3A_63] : memref<1x128xf32, #tpu.memory_space<vmem>>, vector<1x128xf32>
      %add3A_65 = vector.broadcast %get3A_64 : vector<1x128xf32> to vector<64x128xf32>
      %add3A_66 = arith.addf %dot_general3A_61, %add3A_65 : vector<64x128xf32>
      %swap3A_67 = arith.constant 0 : index
      %swap3A_68 = arith.constant 0 : index
      %swap3A_69 = vector.load %arg9[%swap3A_67, %swap3A_68] : memref<64x128xf32, #tpu.memory_space<vmem>>, vector<64x128xf32>
      tpu.vector_store %arg9[%swap3A_67, %swap3A_68], %add3A_66 {strides = array<i32>} : memref<64x128xf32, #tpu.memory_space<vmem>>, vector<64x128xf32>,
    } else {
    }
    return
  }
  func.func @transform_0(%arg0: i32) -> (i32, i32) {
    %c0_i32 = arith.constant 0 : i32
    %c0_i32_0 = arith.constant 0 : i32
    return %arg0, %c0_i32 : i32, i32
  }
  func.func @transform_1(%arg0: i32) -> (i32, i32) {
    %c0_i32 = arith.constant 0 : i32
    %c0_i32_0 = arith.constant 0 : i32
    return %arg0, %c0_i32 : i32, i32
  }
  func.func @transform_2(%arg0: i32) -> (i32, i32) {
    %c0_i32 = arith.constant 0 : i32
    %c0_i32_0 = arith.constant 0 : i32
    return %arg0, %c0_i32 : i32, i32
  }
  func.func @transform_3(%arg0: i32) -> (i32, i32) {
    %c0_i32 = arith.constant 0 : i32
    %c0_i32_0 = arith.constant 0 : i32
    return %arg0, %c0_i32 : i32, i32
  }
  func.func @transform_4(%arg0: i32) -> (i32, i32) {
    %c0_i32 = arith.constant 0 : i32
    %c0_i32_0 = arith.constant 0 : i32
    return %arg0, %c0_i32 : i32, i32
  }
  func.func @transform_5(%arg0: i32) -> (i32, i32) {
    %c0_i32 = arith.constant 0 : i32
    %c0_i32_0 = arith.constant 0 : i32
    return %arg0, %c0_i32 : i32, i32
  }
  func.func @transform_6(%arg0: i32) -> (i32, i32) {
    %c0_i32 = arith.constant 0 : i32
    %c0_i32_0 = arith.constant 0 : i32
    %c0_i32_1 = arith.constant 0 : i32
    return %c0_i32, %c0_i32_0 : i32, i32
  }
  func.func @transform_7(%arg0: i32) -> (i32, i32) {
    %c0_i32 = arith.constant 0 : i32
    %c0_i32_0 = arith.constant 0 : i32
    %c0_i32_1 = arith.constant 0 : i32
    return %c0_i32, %c0_i32_0 : i32, i32
  }
  func.func @transform_8(%arg0: i32) -> (i32, i32) {
    %c0_i32 = arith.constant 0 : i32
    %c0_i32_0 = arith.constant 0 : i32
    %c0_i32_1 = arith.constant 0 : i32
    return %c0_i32, %c0_i32_0 : i32, i32
  }
}

</mosaic_0001>

<sc_bundles>
// kernel: body.16.cloned.1.call-start
scs
__scs_entry_jumppad:
0x0: {  	(pc) =	sbr.rel $0x88, $3  }
0x1: {  	(tag) =	ssettag $0x0;
	lr =	simm.s32 $0x1  }
0x2: {  	[smem:$0x3F94] =	sst lr;
	_ =	strace $0xD0000000  }
0x3: {  	_ = 	snop  }
0x4: {  	_ = 	snop  }
0x5: {  	_ = 	snop  }
0x6: {  	_ = 	snop  }
0x7: {  	_ = 	snop  }
__scs_overlays_trampoline_lowered:
0x8: {  	[smem:$0x3FA3] =	sst s0  }
0x9: {  	[smem:$0x3FA4] =	sst s1  }
0xa: {  	[smem:$0x3FA5] =	sst s2  }
0xb: {  	[smem:$0x3FA6] =	sst s3  }
0xc: {  	[smem:$0x3FA7] =	sst s4  }
0xd: {  	[smem:$0x3FA8] =	sst s5  }
0xe: {  	[smem:$0x3FA9] =	sst s6  }
0xf: {  	[smem:$0x3FAA] =	sst s7  }
0x10: {  	[smem:$0x3FAB] =	sst s8  }
0x11: {  	[smem:$0x3FAC] =	sst s9;
	s0 =	simm.s32 @!p0 $0x0  }
0x12: {  	s1 =	sld [smem:$0x3F92];
	s0 =	simm.s32 @p0 $0x1  }
0x13: {  	[smem:$0x3FAD] =	sst s0;
	s0 =	simm.s32 @!p1 $0x0  }
0x14: {  	s2 =	sld [smem:$0x3F91];
	s0 =	simm.s32 @p1 $0x1  }
0x15: {  	[smem:$0x3FAE] =	sst s0;
	s0 =	simm.s32 @!p2 $0x0  }
0x16: {  	s3 =	sld [smem:$0x3FDB];
	s0 =	simm.s32 @p2 $0x1  }
0x17: {  	s4 =	simm.s32 $0x1BF5;
	[smem:$0x3FB0] =	sst s0  }
0x18: {  	s0 =	sld [smem:$0x3F93];
	_ =	swait.ge [sflag:s4], $0x0  }
0x19: {  	s7 =	sld [smem:$0x3F94]  }
0x1a: {  	s8 =	sadd.s32 $0xFFFFE003, lr  }
0x1b: {  	s9 =	sadd.s32 $0xFFFFFEF7, lr;
	s5 =	simm.s32 $0xFFFFFFFF;
	p2 =	slt.u32 s8, $0xFFFFF086  }
0x1c: {  	p1 =	slt.u32 s9, $0xF7A;
	s5 =	simm.s32 @!p2 $0x0  }
0x1d: {  	s5 =	simm.s32 @p1 $0x1;
	p0 =	seq.s32 s7, s2  }
0x1e: {  	s7 =	smul.u32 @!p0 $0xF7A, s2;
	p2 =	seq.s32 @!p0 s5, $0x0  }
0x1f: {  	s9 =	smul.u32 $0xF7A, s1;
	s8 =	simm.s32 @!p0 $0x1BF5;
	p2 =	por !p2, p0  }
0x20: {  	[sflag:s8] =	ssyncset.s32 @!p0 $0xFFFFF086;
	s6 =	sadd.s32 @!p0 s3, s7;
	s7 =	simm.s32 @!p0 $0x108  }
0x21: {  	s3 =	sadd.s32 s3, s9;
	s6 =	sadd.s32 @!p0 $0x88, s6;
	s7 =	simm.s32 @p2 $0x1082  }
0x22: {  	[simem:s7], [sflag:s8] =	dma.local @!p0 [hbm:s6], $0xF7A  }
0x23: {  	s9 =	sor.u32 $0xD0000000, s2;
	s6 =	simm.s32 $0x108;
	_ =	swait.ge @!p0 [sflag:s8], $0x0  }
0x24: {  	s3 =	sadd.s32 $0x88, s3;
	s6 =	simm.s32 @!p1 $0x1082;
	[sflag:s4] =	ssyncset.s32 $0xFFFFF086  }
0x25: {  	[simem:s6], [sflag:s4] =	dma.local [hbm:s3], $0xF7A  }
0x26: {  	[smem:$0x3F94] =	sst s1;
	(tag) =	ssettag s2;
	_ =	strace s9  }
0x27: {  	s1 =	sld [smem:$0x3FA4]  }
0x28: {  	s2 =	sld [smem:$0x3FA5]  }
0x29: {  	s4 =	sld [smem:$0x3FA7]  }
0x2a: {  	p0 =	seq.s32 s5, $0x0;
	s5 =	sld [smem:$0x3FA8]  }
0x2b: {  	s6 =	sld [smem:$0x3FA9]  }
0x2c: {  	s7 =	sld [smem:$0x3FAA]  }
0x2d: {  	s3 =	simm.s32 $0x108;
	s8 =	sld [smem:$0x3FAB]  }
0x2e: {  	s3 =	simm.s32 @!p0 $0x1082;
	s9 =	sld [smem:$0x3FAC]  }
0x2f: {  	lr =	sadd.s32 s0, s3;
	s0 =	sld [smem:$0x3FA3]  }
0x30: {  	s3 =	sld [smem:$0x3FA6]  }
0x31: {  	[smem:$0x3FAF] =	sst s10  }
0x32: {  	s10 =	sld [smem:$0x3FAD];
	_ =	sdelay $0x3  }
0x33: {  	p0 =	seq.s32 s10, $0x1;
	s10 =	sld [smem:$0x3FAF];
	_ =	sdelay $0x3  }
0x34: {  	[smem:$0x3FAF] =	sst s10  }
0x35: {  	s10 =	sld [smem:$0x3FAE];
	_ =	sdelay $0x3  }
0x36: {  	p1 =	seq.s32 s10, $0x1;
	s10 =	sld [smem:$0x3FAF];
	_ =	sdelay $0x3  }
0x37: {  	[smem:$0x3FAF] =	sst s10  }
0x38: {  	s10 =	sld [smem:$0x3FB0]  }
0x39: {  	_ = 	snop;
	(pc) =	sbr.ind lr, $3  }
0x3a: {  	_ = 	snop  }
0x3b: {  	_ = 	snop  }
0x3c: {  	p2 =	seq.s32 s10, $0x1;
	s10 =	sld [smem:$0x3FAF]  }
0x3d: {  	_ =	shalt  }
0x3e: {  	_ =	shalt  }
0x3f: {  	_ =	shalt  }
0x40: {  	_ =	shalt  }
0x41: {  	_ =	shalt  }
0x42: {  	_ =	shalt  }
0x43: {  	_ =	shalt  }
0x44: {  	_ =	shalt  }
0x45: {  	_ =	shalt  }
0x46: {  	_ =	shalt  }
0x47: {  	_ =	shalt  }
0x48: {  	_ =	shalt  }
0x49: {  	_ =	shalt  }
0x4a: {  	_ =	shalt  }
0x4b: {  	_ =	shalt  }
0x4c: {  	_ =	shalt  }
0x4d: {  	_ =	shalt  }
0x4e: {  	_ =	shalt  }
0x4f: {  	_ =	shalt  }
0x50: {  	_ =	shalt  }
0x51: {  	_ =	shalt  }
0x52: {  	_ =	shalt  }
0x53: {  	_ =	shalt  }
0x54: {  	_ =	shalt  }
0x55: {  	_ =	shalt  }
0x56: {  	_ =	shalt  }
0x57: {  	_ =	shalt  }
0x58: {  	_ =	shalt  }
0x59: {  	_ =	shalt  }
0x5a: {  	_ =	shalt  }
0x5b: {  	_ =	shalt  }
0x5c: {  	_ =	shalt  }
0x5d: {  	_ =	shalt  }
0x5e: {  	_ =	shalt  }
0x5f: {  	_ =	shalt  }
0x60: {  	_ =	shalt  }
0x61: {  	_ =	shalt  }
0x62: {  	_ =	shalt  }
0x63: {  	_ =	shalt  }
0x64: {  	_ =	shalt  }
0x65: {  	_ =	shalt  }
0x66: {  	_ =	shalt  }
0x67: {  	_ =	shalt  }
0x68: {  	_ =	shalt  }
0x69: {  	_ =	shalt  }
0x6a: {  	_ =	shalt  }
0x6b: {  	_ =	shalt  }
0x6c: {  	_ =	shalt  }
0x6d: {  	_ =	shalt  }
0x6e: {  	_ =	shalt  }
0x6f: {  	_ =	shalt  }
0x70: {  	_ =	shalt  }
0x71: {  	_ =	shalt  }
0x72: {  	_ =	shalt  }
0x73: {  	_ =	shalt  }
0x74: {  	_ =	shalt  }
0x75: {  	_ =	shalt  }
0x76: {  	_ =	shalt  }
0x77: {  	_ =	shalt  }
0x78: {  	_ =	shalt  }
0x79: {  	_ =	shalt  }
0x7a: {  	_ =	shalt  }
0x7b: {  	_ =	shalt  }
0x7c: {  	_ =	shalt  }
0x7d: {  	_ =	shalt  }
0x7e: {  	_ =	shalt  }
0x7f: {  	_ =	shalt  }
0x80: {  	_ =	shalt  }
0x81: {  	_ =	shalt  }
0x82: {  	_ =	shalt  }
0x83: {  	_ =	shalt  }
0x84: {  	_ =	shalt  }
0x85: {  	_ =	shalt  }
0x86: {  	_ =	shalt  }
0x87: {  	_ =	shalt  }
.Lfunc_end0:
.L_simem_size_0:
called_computation_lowered:
.L_overlay_start_0:
0x88: {  	s2 =	sld [smem:$0x3FD9]  }
0x89: {  	s3 =	sld [smem:$0x3FFE];
	_ =	sdelay $0x1  }
0x8a: {  	s1 =	srdreg.scid  }
0x8b: {  	s0 =	sand.u32 $0x1, s1  }
0x8c: {  	s16 =	sshll.u32 s0, $0xA;
	s2 =	sadd.s32 s3, s2  }
0x8d: {  	s2 =	sadd.s32 s2, s16  }
0x8e: {  	[smem:$0x3FBB] =	sst s2  }
0x8f: {  	_ = 	snop  }
0x90: {  	(tm) =	ssettm $0x1  }
0x91: {  	s17 =	sld [smem:$0x3FFB];
	_ =	sdelay $0x3  }
0x92: {  	_ =	strace s17  }
0x93: {  	s2 =	sld [smem:$0x3FFC];
	_ =	sdelay $0x3  }
0x94: {  	_ =	strace s2  }
0x95: {  	s2 =	sld [smem:$0x3FFD];
	_ =	sdelay $0x3  }
0x96: {  	_ =	strace s2  }
0x97: {  	_ =	strace $0x8FFFFFFF  }
0x98: {  	s18 =	sld [smem:$0x3FDB];
	_ =	sdelay $0x1  }
0x99: {  	s19 =	simm.s32 $_scs_section_size  }
0x9a: {  	s4 =	simm.s32 $_size__tile_overlayer_lowered;
	s5 =	simm.s32 $_tile_overlayer_lowered  }
0x9b: {  	s22 =	simm.s32 $0x1BFF;
	s21 =	sshll.u32 s5, $0x1;
	s2 =	sadd.s32 s19, s18  }
0x9c: {  	s6 =	simm.s32 $0x0;
	s20 =	sshll.u32 s4, $0x1;
	s4 =	sadd.s32 s21, s2  }
0x9d: {  	[timem:s6], [sflag:s22] =	dma.local [hbm:s4], s20  }
0x9e: {  	_ =	swait.ge [sflag:s22], s20  }
0x9f: {  	s3 =	ssub.s32 $0x0, s20;
	[sflag:s22] =	ssyncset.done $0x0  }
0xa0: {  	[sflag:s22] =	ssyncadd.s32 s3;
	_ =	sdelay $0x1  }
0xa1: {  	s23 =	simm.s32 $0x1B8B  }
0xa2: {  	_ =	swait.ge [sflag:s23], $0x1  }
0xa3: {  	[sflag:s23] =	ssyncset.done $0x0  }
0xa4: {  	s25 =	simm.s32 $0x1B8E;
	s24 =	sld [smem:$0x3FFE];
	[sflag:s23] =	ssyncadd.s32 $0xFFFFFFFF  }
0xa5: {  	s26 =	simm.s32 $execute0_lowered;
	[smem:$0x3FD2] =	sst s25  }
0xa6: {  	s4 =	sshll.u32 s26, $0x1;
	_ =	strace $0x80000049;
	[dreg:$0x1] =	wrdreg $0xFFFFFFFF  }
0xa7: {  	s28 =	simm.s32 $_size_execute0_lowered;
	s2 =	sadd.s32 s2, s4;
	[dreg:$0x0] =	wrdreg $0x0  }
0xa8: {  	s4 =	sshll.u32 s28, $0x1;
	[dreg:$0x2] =	wrdreg s2  }
0xa9: {  	[dreg:$0x3] =	wrdreg s4  }
0xaa: {  	[dreg:$0x4] =	wrdreg $0xC0  }
0xab: {  	_ =	task [dreg:s6], $0x5FFFF  }
0xac: {  	[dreg:$0x1] =	wrdreg $0xFFFFFFFF  }
0xad: {  	[dreg:$0x0] =	wrdreg $0x60  }
0xae: {  	[dreg:$0x2] =	wrdreg s24  }
0xaf: {  	[dreg:$0x3] =	wrdreg $0xD8400  }
0xb0: {  	[dreg:$0x4] =	wrdreg $0x9  }
0xb1: {  	_ =	task.clear_ibuf [dreg:s6], $0x5FFFF;
	_ =	strace $0x90000049  }
0xb2: {  	s29 =	simm.s32 $0x9;
	_ =	strace $0x8000004B  }
0xb3: {  	_ =	swait.ge [sflag:s29], $0x1  }
0xb4: {  	[sflag:s29] =	ssyncadd.s32 $0xFFFFFFFF  }
0xb5: {  	_ =	strace $0x9000004B  }
0xb6: {  	_ =	sfence  }
0xb7: {  	s30 =	sld [smem:$0x0];
	_ =	sdelay $0x2  }
0xb8: {  	s31 =	sshll.u32 s1, $0xD;
	s1 =	sshrl.u32 s1, $0x2  }
0xb9: {  	s3 =	sand.u32 $0x4000, s31;
	s1 =	sadd.s32 s1, s30  }
0xba: {  	s0 =	sor.u32 s3, s0;
	s1 =	sshll.u32 s1, $0x11  }
0xbb: {  	s0 =	sor.u32 s1, s0  }
0xbc: {  	s0 =	sadd.s32 $0x8F2B, s0  }
0xbd: {  	[sflag:s0] =	ssyncadd.remote.s32 $0x1  }
0xbe: {  	_ =	sfence.sel $0xFFFF  }
0xbf: {  	[dreg:$0x0] =	wrdreg $0xFFFFFFFF;
	(pc) =	sbr.abs _section_cstart, $3  }
0xc0: {  	[dreg:$0x1] =	wrdreg $0xFFFFFFFF  }
0xc1: {  	_ =	task.clear_ibuf [dreg:s6], $0x2FFFF;
	_ =	strace $0x9FFFFFFF  }
0xc2: {  	(tm) =	ssettm $0x7FFFFFFF  }
0xc3: {  	_ =	shalt  }
tec
execute0_lowered:
.L_overlay_start_1:
0x0: {  	(tag) =	ssettag $0x1  }
0x1: {  	s0 =	rddreg [dreg:$0x0]  }
0x2: {  	s2 =	rddreg [dreg:$0x1];
	s1 =	srdreg.scid  }
0x3: {  	s10 =	stileid.u32;
	s4 =	simm.s32 $0x0;
	s28 =	simm.s32 $0xC440  }
0x4: {  	s29 =	simm.s32 $0x50;
	s30 =	simm.s32 $0x9C40;
	s31 =	simm.s32 $0xB040  }
0x5: {  	s1 =	sand.u32 $0x1, s1;
	[smem:$0x7FF] =	sst s4;
	s4 =	sadd.s32 $0x181600, s0  }
0x6: {  	s3 =	sshll.u32 s10, $0x1;
	s6 =	sadd.s32 $0x17F600, s0;
	s9 =	smul.u32 $0x28000, s10  }
0x7: {  	s5 =	sadd.s32 $0x195000, s0;
	s7 =	sadd.s32 $0x180600, s0;
	s17 =	smul.u32 $0xA000, s10  }
0x8: {  	s3 =	sor.u32 s1, s3;
	_ =	strace $0x8000004A;
	s8 =	smul.u32 $0x140000, s1  }
0x9: {  	s1 =	ssub.s32 $0x2, s1;
	s3 =	smul.u32 $0x4E2, s3;
	s9 =	sshrl.u32 s9, $0x2  }
0xa: {  	s15 =	sshrl.u32 s1, $0x1;
	s12 =	sadd.s32 s17, s2;
	s21 =	sadd.s32 s9, s2  }
0xb: {  	s8 =	sshrl.u32 s8, $0x3;
	s1 =	ssub.s32 s1, s15;
	s9 =	sadd.s32 $0x3C00, s21  }
0xc: {  	s3 =	sadd.s32 s3, s0;
	s22 =	sadd.s32 $0x5000, s21;
	[dreg:$0x7] =	wrdreg s9  }
0xd: {  	s0 =	sadd.s32 s8, s0;
	s23 =	sadd.s32 $0x6400, s21;
	[dreg:$0x8] =	wrdreg s22  }
0xe: {  	s15 =	sadd.s32 $0x1400, s21;
	s1 =	smax.u32 s1, $0x1;
	[dreg:$0x9] =	wrdreg s23  }
0xf: {  	s24 =	sadd.s32 $0x2800, s21;
	s16 =	sadd.s32 $0x2BE00, s3;
	[dreg:$0xa] =	wrdreg s1  }
0x10: {  	s18 =	sadd.s32 $0x7800, s21;
	s19 =	sadd.s32 $0x161C00, s3;
	[dreg:$0x3] =	wrdreg s16  }
0x11: {  	s8 =	sshrl.u32 s17, $0x3;
	s20 =	sadd.s32 $0x16BA00, s3;
	[dreg:$0x4] =	wrdreg s19  }
0x12: {  	s3 =	sadd.s32 $0x175800, s3;
	s25 =	sadd.s32 $0x1A8A00, s0;
	[dreg:$0x5] =	wrdreg s20  }
0x13: {  	s0 =	sadd.s32 $0x1BCA00, s0;
	s22 =	simm.s32 $0x2;
	[dreg:$0x6] =	wrdreg s3  }
0x14: {  	s19 =	sadd.s32 $0x8C00, s21;
	s21 =	simm.s32 $0x3;
	s26 =	sadd.s32 s8, s25  }
0x15: {  	s0 =	sadd.s32 s8, s0;
	s25 =	simm.s32 $0x0;
	[dreg:$0xb] =	wrdreg s26  }
0x16: {  	v0 =	vimm.f32 $0.0e+00;
	[dreg:$0xc] =	wrdreg s0;
	s26 =	simm.s32 $0x7530;
	s0 =	simm.s32 $0x1  }
.LBB2_1:
0x17: {  	s1 =	simm.s32 $0x0;
	s3 =	rddreg [dreg:$0x3]  }
0x18: {  	[tilespmem:s1], [sflag:$0x3] =	stream.linear.gather [hbm4b:s3+s1], $0x2710, $0x38;
	[tilespmem:$0x17840] =	vst v63  }
0x19: {  	_ =	swait.ge [sflag:s21], $0x2710  }
0x1a: {  	[sflag:s21] =	ssyncset.done $0x0  }
0x1b: {  	s8 =	simm.s32 $0x2710;
	s16 =	rddreg [dreg:$0x4];
	[sflag:s21] =	ssyncadd.s32 $0xFFFFD8F0  }
0x1c: {  	[tilespmem:s8], [sflag:$0x3] =	stream.linear.gather [hbm4b:s16+s1], $0x2710, $0x38;
	[tilespmem:$0x17840] =	vst v63  }
0x1d: {  	_ =	swait.ge [sflag:s21], $0x2710  }
0x1e: {  	[sflag:s21] =	ssyncset.done $0x0  }
0x1f: {  	s20 =	simm.s32 $0x4E20;
	s17 =	rddreg [dreg:$0x5];
	[sflag:s21] =	ssyncadd.s32 $0xFFFFD8F0  }
0x20: {  	[tilespmem:s20], [sflag:$0x3] =	stream.linear.gather [hbm4b:s17+s1], $0x2710, $0x38;
	[tilespmem:$0x17840] =	vst v63  }
0x21: {  	_ =	swait.ge [sflag:s21], $0x2710  }
0x22: {  	[sflag:s21] =	ssyncset.done $0x0  }
0x23: {  	s23 =	rddreg [dreg:$0x6];
	[sflag:s21] =	ssyncadd.s32 $0xFFFFD8F0  }
0x24: {  	[tilespmem:s26], [sflag:$0x3] =	stream.linear.gather [hbm4b:s23+s1], $0x2710, $0x38;
	[tilespmem:$0x17840] =	vst v63  }
0x25: {  	_ =	swait.ge [sflag:s21], $0x2710  }
0x26: {  	[sflag:s21] =	ssyncset.done $0x0  }
0x27: {  	s3 =	simm.s32 $0x100;
	s1 =	simm.s32 $0x0;
	[sflag:s21] =	ssyncadd.s32 $0xFFFFD8F0  }
.LBB2_2:
0x28: {  	p0 =	sne.s32 s3, $0x4F00;
	[tilespmem:s1+$0xC470] =	vst v0;
	s8 =	smov.u32 s3;
	s3 =	sadd.s32 $0x100, s3  }
.Ltmp0:
0x29: {  	[tilespmem:s1+$0xC460] =	vst v0;
	(pc) =	sbr.rel @p0 .LBB2_2-.Ltmp0, $3  }
0x2a: {  	[tilespmem:s1+$0xC440] =	vst v0  }
0x2b: {  	[tilespmem:s1+$0xC450] =	vst v0;
	_ =	sdelay $0x1  }
0x2c: {  	s1 =	sshra.s32 s8, $0x2  }
0x2d: {  	[tilespmem:s1+$0xC470] =	vst v0  }
0x2e: {  	[tilespmem:s1+$0xC460] =	vst v0  }
0x2f: {  	[tilespmem:s1+$0xC440] =	vst v0  }
0x30: {  	[tilespmem:s1+$0xC450] =	vst v0  }
0x31: {  	[spmem:s12] =	stream.linear.scatter [tilespmem:s28], [sflag:$0x3], $0x1400, $0x38;
	[tilespmem:$0x17840] =	vst v63  }
0x32: {  	_ =	swait.ge [sflag:s21], $0x1400  }
0x33: {  	[sflag:s21] =	ssyncset.done $0x0  }
0x34: {  	[sflag:s21] =	ssyncadd.s32 $0xFFFFEC00  }
0x35: {  	[spmem:s15] =	stream.linear.scatter [tilespmem:s28], [sflag:$0x3], $0x1400, $0x38;
	[tilespmem:$0x17840] =	vst v63  }
0x36: {  	_ =	swait.ge [sflag:s21], $0x1400  }
0x37: {  	[sflag:s21] =	ssyncset.done $0x0  }
0x38: {  	[sflag:s21] =	ssyncadd.s32 $0xFFFFEC00  }
0x39: {  	[spmem:s24] =	stream.linear.scatter [tilespmem:s28], [sflag:$0x3], $0x1400, $0x38;
	[tilespmem:$0x17840] =	vst v63  }
0x3a: {  	_ =	swait.ge [sflag:s21], $0x1400  }
0x3b: {  	[sflag:s21] =	ssyncset.done $0x0  }
0x3c: {  	s17 =	rddreg [dreg:$0x7];
	[sflag:s21] =	ssyncadd.s32 $0xFFFFEC00  }
0x3d: {  	[spmem:s17] =	stream.linear.scatter [tilespmem:s28], [sflag:$0x3], $0x1400, $0x38;
	[tilespmem:$0x17840] =	vst v63  }
0x3e: {  	_ =	swait.ge [sflag:s21], $0x1400  }
0x3f: {  	[sflag:s21] =	ssyncset.done $0x0  }
0x40: {  	s20 =	rddreg [dreg:$0x8];
	[sflag:s21] =	ssyncadd.s32 $0xFFFFEC00  }
0x41: {  	[spmem:s20] =	stream.linear.scatter [tilespmem:s28], [sflag:$0x3], $0x1400, $0x38;
	[tilespmem:$0x17840] =	vst v63  }
0x42: {  	_ =	swait.ge [sflag:s21], $0x1400  }
0x43: {  	[sflag:s21] =	ssyncset.done $0x0  }
0x44: {  	s23 =	rddreg [dreg:$0x9];
	[sflag:s21] =	ssyncadd.s32 $0xFFFFEC00  }
0x45: {  	[spmem:s23] =	stream.linear.scatter [tilespmem:s28], [sflag:$0x3], $0x1400, $0x38;
	[tilespmem:$0x17840] =	vst v63  }
0x46: {  	_ =	swait.ge [sflag:s21], $0x1400  }
0x47: {  	[sflag:s21] =	ssyncset.done $0x0  }
0x48: {  	[sflag:s21] =	ssyncadd.s32 $0xFFFFEC00  }
0x49: {  	[spmem:s18] =	stream.linear.scatter [tilespmem:s28], [sflag:$0x3], $0x1400, $0x38;
	[tilespmem:$0x17840] =	vst v63  }
0x4a: {  	_ =	swait.ge [sflag:s21], $0x1400  }
0x4b: {  	[sflag:s21] =	ssyncset.done $0x0  }
0x4c: {  	[sflag:s21] =	ssyncadd.s32 $0xFFFFEC00  }
0x4d: {  	[spmem:s19] =	stream.linear.scatter [tilespmem:s28], [sflag:$0x3], $0x1400, $0x38;
	[tilespmem:$0x17840] =	vst v63  }
0x4e: {  	_ =	swait.ge [sflag:s21], $0x1400  }
0x4f: {  	[sflag:s21] =	ssyncset.done $0x0  }
0x50: {  	[sflag:s21] =	ssyncadd.s32 $0xFFFFEC00  }
0x51: {  	s1 =	simm.s32 $0x0;
	s8 =	simm.s32 $0x0;
	[bflag:$0x0] =	sbarrier.arrive $0xFFFF  }
.LBB2_4:
0x52: {  	s9 =	smul.u32 $0x50, s8;
	_ =	sdelay $0x1  }
0x53: {  	[tilespmem:s30], [sflag:$0x1] =	stream.indirect.gather [hbm4b:s4+s29], $0x40, s9, s29, $0xb8;
	[tilespmem:$0x17840] =	vst v63  }
0x54: {  	s3 =	sadd.s32 $0x4E20, s9  }
0x55: {  	v1 =	vmov s8;
	[tilespmem:s31], [sflag:$0x2] =	stream.indirect.gather [hbm4b:s6+s29], $0x40, s3, s29, $0xb8;
	[tilespmem:$0x17840] =	vst v63  }
0x56: {  	v1 =	vmul.u32 $0x50, v1;
	_ =	swait.ge [sflag:s0], $0x1400  }
0x57: {  	[sflag:s0] =	ssyncset.done $0x0  }
0x58: {  	v2 =	vmov s1;
	v1 =	vbroadcast v1, $0x0;
	[sflag:s0] =	ssyncadd.s32 $0xFFFFEC00  }
0x59: {  	v3 =	vand.u32 $0x78, v2;
	_ =	swait.ge [sflag:s22], $0x1400  }
0x5a: {  	v2 =	vand.u32 $0x7, v2;
	v3 =	vadd.s32 v1, v3;
	[sflag:s22] =	ssyncset.done $0x0  }
0x5b: {  	s10 =	simm.s32 $0xB060;
	v2 =	vor.u32 v2, v3;
	[sflag:s22] =	ssyncadd.s32 $0xFFFFEC00  }
0x5c: {  	s20 =	simm.s32 $0x9C60;
	v3 =	vld [tilespmem:s10+$0xFFFFFFE0]  }
0x5d: {  	v4 =	vld [tilespmem:s20+$0xFFFFFFE0];
	_ =	sdelay $0x2  }
0x5e: {  	v2 =	vld.idx.msk [tilespmem:v2+s26+$0x0], $0xffff;
	_ =	sdelay $0x1  }
0x5f: {  	v3 =	vadd.f32 v3, v4;
	_ =	sdelay $0x1  }
0x60: {  	v3 =	vmax.f32 v3, $0.0e+00  }
0x61: {  	v3 =	vmul.f32 v3, v2  }
0x62: {  	s11 =	simm.s32 $0xC460  }
0x63: {  	[tilespmem:s11+$0xFFFFFFE0] =	vst v3  }
0x64: {  	v3 =	vld [tilespmem:s20+$0xFFFFFFF0]  }
0x65: {  	v4 =	vld [tilespmem:s10+$0xFFFFFFF0];
	_ =	sdelay $0x4  }
0x66: {  	v3 =	vadd.f32 v4, v3;
	_ =	sdelay $0x1  }
0x67: {  	v3 =	vmax.f32 v3, $0.0e+00  }
0x68: {  	v3 =	vmul.f32 v3, v2;
	_ =	sdelay $0x1  }
0x69: {  	[tilespmem:s11+$0xFFFFFFF0] =	vst v3  }
0x6a: {  	v3 =	vld [tilespmem:s20+$0x0]  }
0x6b: {  	v4 =	vld [tilespmem:s10+$0x0];
	_ =	sdelay $0x4  }
0x6c: {  	v3 =	vadd.f32 v4, v3;
	_ =	sdelay $0x1  }
0x6d: {  	v3 =	vmax.f32 v3, $0.0e+00  }
0x6e: {  	v3 =	vmul.f32 v3, v2;
	_ =	sdelay $0x1  }
0x6f: {  	[tilespmem:s11+$0x0] =	vst v3  }
0x70: {  	v3 =	vld [tilespmem:s20+$0x10]  }
0x71: {  	v4 =	vld [tilespmem:s10+$0x10];
	_ =	sdelay $0x3  }
0x72: {  	s23 =	simm.s32 $0x1  }
0x73: {  	s14 =	simm.s32 $0x2;
	s20 =	simm.s32 $0x9CA0;
	v4 =	vadd.f32 v4, v3;
	v3 =	vmov s23;
	s23 =	simm.s32 $0xC460  }
.LBB2_5:
0x74: {  	s10 =	sadd.s32 $0x40, s10  }
0x75: {  	v5 =	vand.u32 $0x78, v3;
	v4 =	vmax.f32 v4, $0.0e+00;
	s11 =	sadd.s32 $0x40, s11;
	s13 =	smov.u32 s14;
	s3 =	sadd.s32 $0x1, s14  }
0x76: {  	p0 =	sne.s32 s14, $0x4F;
	v3 =	vand.u32 $0x7, v3;
	v5 =	vadd.s32 v1, v5;
	v2 =	vmul.f32 v4, v2  }
0x77: {  	v3 =	vor.u32 v3, v5  }
0x78: {  	[tilespmem:s23+$0x10] =	vst v2;
	s23 =	smov.u32 s11  }
0x79: {  	v4 =	vld [tilespmem:s10+$0xFFFFFFE0]  }
0x7a: {  	v5 =	vld [tilespmem:s20+$0xFFFFFFE0];
	_ =	sdelay $0x1  }
0x7b: {  	v2 =	vld.idx.msk [tilespmem:v3+s26+$0x0], $0xffff;
	_ =	sdelay $0x2  }
0x7c: {  	v3 =	vadd.f32 v4, v5;
	_ =	sdelay $0x1  }
0x7d: {  	v3 =	vmax.f32 v3, $0.0e+00  }
0x7e: {  	v3 =	vmul.f32 v3, v2;
	_ =	sdelay $0x1  }
0x7f: {  	[tilespmem:s11+$0xFFFFFFE0] =	vst v3  }
0x80: {  	v3 =	vld [tilespmem:s20+$0xFFFFFFF0]  }
0x81: {  	v4 =	vld [tilespmem:s10+$0xFFFFFFF0];
	_ =	sdelay $0x4  }
0x82: {  	v3 =	vadd.f32 v4, v3;
	_ =	sdelay $0x1  }
0x83: {  	v3 =	vmax.f32 v3, $0.0e+00  }
0x84: {  	v3 =	vmul.f32 v3, v2;
	_ =	sdelay $0x1  }
0x85: {  	[tilespmem:s11+$0xFFFFFFF0] =	vst v3  }
0x86: {  	v3 =	vld [tilespmem:s20+$0x0]  }
0x87: {  	v4 =	vld [tilespmem:s10+$0x0];
	_ =	sdelay $0x4  }
0x88: {  	v3 =	vadd.f32 v4, v3;
	_ =	sdelay $0x1  }
0x89: {  	v3 =	vmax.f32 v3, $0.0e+00  }
0x8a: {  	v3 =	vmul.f32 v3, v2;
	_ =	sdelay $0x1  }
0x8b: {  	[tilespmem:s11+$0x0] =	vst v3  }
0x8c: {  	v3 =	vld [tilespmem:s20+$0x10]  }
0x8d: {  	v4 =	vld [tilespmem:s10+$0x10];
	_ =	sdelay $0x1  }
.Ltmp1:
0x8e: {  	(pc) =	sbr.rel @p0 .LBB2_5-.Ltmp1, $3  }
0x8f: {  	_ =	sdelay $0x1  }
0x90: {  	v4 =	vadd.f32 v4, v3  }
0x91: {  	s14 =	smov.u32 s3;
	s20 =	sadd.s32 $0x40, s20;
	v3 =	vmov s13  }
0x92: {  	v4 =	vmax.f32 v4, $0.0e+00  }
0x93: {  	v5 =	vand.u32 $0x78, v3;
	v2 =	vmul.f32 v4, v2  }
0x94: {  	v3 =	vand.u32 $0x7, v3;
	v1 =	vadd.s32 v1, v5  }
0x95: {  	s3 =	sadd.s32 $0x40, s10;
	v1 =	vor.u32 v3, v1;
	[tilespmem:s23+$0x10] =	vst v2  }
0x96: {  	v2 =	vld [tilespmem:s3+$0xFFFFFFE0]  }
0x97: {  	v3 =	vld [tilespmem:s20+$0xFFFFFFE0];
	_ =	sdelay $0x2  }
0x98: {  	v1 =	vld.idx.msk [tilespmem:v1+s26+$0x0], $0xffff;
	_ =	sdelay $0x1  }
0x99: {  	v2 =	vadd.f32 v2, v3;
	_ =	sdelay $0x1  }
0x9a: {  	v2 =	vmax.f32 v2, $0.0e+00  }
0x9b: {  	v2 =	vmul.f32 v2, v1  }
0x9c: {  	s17 =	sadd.s32 $0x40, s11  }
0x9d: {  	[tilespmem:s17+$0xFFFFFFE0] =	vst v2  }
0x9e: {  	v2 =	vld [tilespmem:s20+$0xFFFFFFF0]  }
0x9f: {  	v3 =	vld [tilespmem:s3+$0xFFFFFFF0];
	_ =	sdelay $0x4  }
0xa0: {  	v2 =	vadd.f32 v3, v2;
	_ =	sdelay $0x1  }
0xa1: {  	v2 =	vmax.f32 v2, $0.0e+00  }
0xa2: {  	v2 =	vmul.f32 v2, v1;
	_ =	sdelay $0x1  }
0xa3: {  	[tilespmem:s17+$0xFFFFFFF0] =	vst v2  }
0xa4: {  	v2 =	vld [tilespmem:s20+$0x0]  }
0xa5: {  	v3 =	vld [tilespmem:s3+$0x0];
	_ =	sdelay $0x4  }
0xa6: {  	v2 =	vadd.f32 v3, v2;
	_ =	sdelay $0x1  }
0xa7: {  	v2 =	vmax.f32 v2, $0.0e+00  }
0xa8: {  	v2 =	vmul.f32 v2, v1;
	_ =	sdelay $0x1  }
0xa9: {  	[tilespmem:s17+$0x0] =	vst v2  }
0xaa: {  	v2 =	vld [tilespmem:s20+$0x10]  }
0xab: {  	v3 =	vld [tilespmem:s3+$0x10];
	_ =	sdelay $0x4  }
0xac: {  	v2 =	vadd.f32 v3, v2;
	_ =	sdelay $0x1  }
0xad: {  	v2 =	vmax.f32 v2, $0.0e+00  }
0xae: {  	s8 =	sadd.s32 $0x1, s8;
	v1 =	vmul.f32 v2, v1  }
0xaf: {  	p0 =	sne.s32 s8, $0x7D  }
.Ltmp2:
0xb0: {  	s23 =	sadd.s32 $0x2710, s9;
	[tilespmem:s17+$0x10] =	vst v1;
	(pc) =	sbr.rel @p0 .LBB2_4-.Ltmp2, $4  }
0xb1: {  	[spmem:s2] =	stream.indirect.scatter.add.f32 [tilespmem:s28], [sflag:$0x3], $0x40, s23, s29, $0xb8;
	[tilespmem:$0x17840] =	vst v63  }
0xb2: {  	_ =	swait.ge [sflag:s21], $0x1400  }
0xb3: {  	[sflag:s21] =	ssyncset.done $0x0  }
0xb4: {  	[sflag:s21] =	ssyncadd.s32 $0xFFFFEC00  }
0xb5: {  	s1 =	stileid.u32  }
0xb6: {  	[bflag:$0x0] =	sbarrier.arrive $0xFFFF;
	s1 =	sshll.u32 s1, $0x6  }
0xb7: {  	s8 =	sshrl.u32 s12, $0x3;
	s3 =	rddreg [dreg:$0xb];
	s1 =	sor.u32 $0x1C03, s1  }
0xb8: {  	[hbm:s3], [sflag:s1] =	dma.local [spmem:s8], $0x1400  }
0xb9: {  	_ =	swait.ge [sflag:s21], $0x1400  }
0xba: {  	[sflag:s21] =	ssyncset.done $0x0  }
0xbb: {  	s9 =	simm.s32 $0x100;
	s3 =	simm.s32 $0x0;
	[sflag:s21] =	ssyncadd.s32 $0xFFFFEC00  }
.LBB2_8:
0xbc: {  	p0 =	sne.s32 s9, $0x4F00;
	[tilespmem:s3+$0xC470] =	vst v0;
	s10 =	smov.u32 s9;
	s9 =	sadd.s32 $0x100, s9  }
.Ltmp3:
0xbd: {  	[tilespmem:s3+$0xC460] =	vst v0;
	(pc) =	sbr.rel @p0 .LBB2_8-.Ltmp3, $3  }
0xbe: {  	[tilespmem:s3+$0xC440] =	vst v0  }
0xbf: {  	[tilespmem:s3+$0xC450] =	vst v0;
	_ =	sdelay $0x1  }
0xc0: {  	s3 =	sshra.s32 s10, $0x2  }
0xc1: {  	[tilespmem:s3+$0xC470] =	vst v0  }
0xc2: {  	[tilespmem:s3+$0xC460] =	vst v0  }
0xc3: {  	[tilespmem:s3+$0xC440] =	vst v0  }
0xc4: {  	[tilespmem:s3+$0xC450] =	vst v0  }
0xc5: {  	[spmem:s12] =	stream.linear.scatter [tilespmem:s28], [sflag:$0x3], $0x1400, $0x38;
	[tilespmem:$0x17840] =	vst v63  }
0xc6: {  	_ =	swait.ge [sflag:s21], $0x1400  }
0xc7: {  	[sflag:s21] =	ssyncset.done $0x0  }
0xc8: {  	[sflag:s21] =	ssyncadd.s32 $0xFFFFEC00  }
0xc9: {  	[spmem:s15] =	stream.linear.scatter [tilespmem:s28], [sflag:$0x3], $0x1400, $0x38;
	[tilespmem:$0x17840] =	vst v63  }
0xca: {  	_ =	swait.ge [sflag:s21], $0x1400  }
0xcb: {  	[sflag:s21] =	ssyncset.done $0x0  }
0xcc: {  	[sflag:s21] =	ssyncadd.s32 $0xFFFFEC00  }
0xcd: {  	[spmem:s24] =	stream.linear.scatter [tilespmem:s28], [sflag:$0x3], $0x1400, $0x38;
	[tilespmem:$0x17840] =	vst v63  }
0xce: {  	_ =	swait.ge [sflag:s21], $0x1400  }
0xcf: {  	[sflag:s21] =	ssyncset.done $0x0  }
0xd0: {  	s20 =	rddreg [dreg:$0x7];
	[sflag:s21] =	ssyncadd.s32 $0xFFFFEC00  }
0xd1: {  	[spmem:s20] =	stream.linear.scatter [tilespmem:s28], [sflag:$0x3], $0x1400, $0x38;
	[tilespmem:$0x17840] =	vst v63  }
0xd2: {  	_ =	swait.ge [sflag:s21], $0x1400  }
0xd3: {  	[sflag:s21] =	ssyncset.done $0x0  }
0xd4: {  	s23 =	rddreg [dreg:$0x8];
	[sflag:s21] =	ssyncadd.s32 $0xFFFFEC00  }
0xd5: {  	[spmem:s23] =	stream.linear.scatter [tilespmem:s28], [sflag:$0x3], $0x1400, $0x38;
	[tilespmem:$0x17840] =	vst v63  }
0xd6: {  	_ =	swait.ge [sflag:s21], $0x1400  }
0xd7: {  	[sflag:s21] =	ssyncset.done $0x0  }
0xd8: {  	s17 =	smov.u32 s24;
	s24 =	rddreg [dreg:$0x9];
	[sflag:s21] =	ssyncadd.s32 $0xFFFFEC00  }
0xd9: {  	[spmem:s24] =	stream.linear.scatter [tilespmem:s28], [sflag:$0x3], $0x1400, $0x38;
	[tilespmem:$0x17840] =	vst v63  }
0xda: {  	_ =	swait.ge [sflag:s21], $0x1400  }
0xdb: {  	[sflag:s21] =	ssyncset.done $0x0  }
0xdc: {  	[sflag:s21] =	ssyncadd.s32 $0xFFFFEC00  }
0xdd: {  	[spmem:s18] =	stream.linear.scatter [tilespmem:s28], [sflag:$0x3], $0x1400, $0x38;
	[tilespmem:$0x17840] =	vst v63  }
0xde: {  	_ =	swait.ge [sflag:s21], $0x1400  }
0xdf: {  	[sflag:s21] =	ssyncset.done $0x0  }
0xe0: {  	[sflag:s21] =	ssyncadd.s32 $0xFFFFEC00  }
0xe1: {  	[spmem:s19] =	stream.linear.scatter [tilespmem:s28], [sflag:$0x3], $0x1400, $0x38;
	[tilespmem:$0x17840] =	vst v63  }
0xe2: {  	_ =	swait.ge [sflag:s21], $0x1400  }
0xe3: {  	[sflag:s21] =	ssyncset.done $0x0  }
0xe4: {  	s16 =	smov.u32 s15;
	[sflag:s21] =	ssyncadd.s32 $0xFFFFEC00  }
0xe5: {  	s9 =	simm.s32 $0x0;
	s10 =	simm.s32 $0x0;
	[bflag:$0x0] =	sbarrier.arrive $0xFFFF  }
.LBB2_10:
0xe6: {  	s11 =	smul.u32 $0x50, s10;
	_ =	sdelay $0x1  }
0xe7: {  	[tilespmem:s30], [sflag:$0x1] =	stream.indirect.gather [hbm4b:s5+s29], $0x40, s11, s29, $0xb8;
	[tilespmem:$0x17840] =	vst v63  }
0xe8: {  	s3 =	sadd.s32 $0x4E20, s11  }
0xe9: {  	v1 =	vmov s10;
	[tilespmem:s31], [sflag:$0x2] =	stream.indirect.gather [hbm4b:s7+s29], $0x40, s3, s29, $0xb8;
	[tilespmem:$0x17840] =	vst v63  }
0xea: {  	v1 =	vmul.u32 $0x50, v1;
	_ =	swait.ge [sflag:s0], $0x1400  }
0xeb: {  	[sflag:s0] =	ssyncset.done $0x0  }
0xec: {  	v2 =	vmov s9;
	v1 =	vbroadcast v1, $0x0;
	[sflag:s0] =	ssyncadd.s32 $0xFFFFEC00  }
0xed: {  	v3 =	vand.u32 $0x78, v2;
	_ =	swait.ge [sflag:s22], $0x1400  }
0xee: {  	v2 =	vand.u32 $0x7, v2;
	v3 =	vadd.s32 v1, v3;
	[sflag:s22] =	ssyncset.done $0x0  }
0xef: {  	s20 =	simm.s32 $0xB060;
	v2 =	vor.u32 v2, v3;
	[sflag:s22] =	ssyncadd.s32 $0xFFFFEC00  }
0xf0: {  	s15 =	simm.s32 $0x9C60;
	v3 =	vld [tilespmem:s20+$0xFFFFFFE0]  }
0xf1: {  	v4 =	vld [tilespmem:s15+$0xFFFFFFE0];
	_ =	sdelay $0x2  }
0xf2: {  	v2 =	vld.idx.msk [tilespmem:v2+s26+$0x0], $0xffff;
	_ =	sdelay $0x1  }
0xf3: {  	v3 =	vadd.f32 v3, v4;
	_ =	sdelay $0x1  }
0xf4: {  	v3 =	vmax.f32 v3, $0.0e+00  }
0xf5: {  	v3 =	vmul.f32 v3, v2  }
0xf6: {  	s23 =	simm.s32 $0xC460  }
0xf7: {  	[tilespmem:s23+$0xFFFFFFE0] =	vst v3  }
0xf8: {  	v3 =	vld [tilespmem:s15+$0xFFFFFFF0]  }
0xf9: {  	v4 =	vld [tilespmem:s20+$0xFFFFFFF0];
	_ =	sdelay $0x4  }
0xfa: {  	v3 =	vadd.f32 v4, v3;
	_ =	sdelay $0x1  }
0xfb: {  	v3 =	vmax.f32 v3, $0.0e+00  }
0xfc: {  	v3 =	vmul.f32 v3, v2;
	_ =	sdelay $0x1  }
0xfd: {  	[tilespmem:s23+$0xFFFFFFF0] =	vst v3  }
0xfe: {  	v3 =	vld [tilespmem:s15+$0x0]  }
0xff: {  	v4 =	vld [tilespmem:s20+$0x0];
	_ =	sdelay $0x4  }
0x100: {  	v3 =	vadd.f32 v4, v3;
	_ =	sdelay $0x1  }
0x101: {  	v3 =	vmax.f32 v3, $0.0e+00  }
0x102: {  	v3 =	vmul.f32 v3, v2;
	_ =	sdelay $0x1  }
0x103: {  	[tilespmem:s23+$0x0] =	vst v3  }
0x104: {  	v3 =	vld [tilespmem:s15+$0x10]  }
0x105: {  	v4 =	vld [tilespmem:s20+$0x10];
	_ =	sdelay $0x3  }
0x106: {  	s24 =	simm.s32 $0x1  }
0x107: {  	s13 =	simm.s32 $0x2;
	s3 =	simm.s32 $0xC460;
	v4 =	vadd.f32 v4, v3;
	v3 =	vmov s24;
	s24 =	simm.s32 $0x9CA0  }
.LBB2_11:
0x108: {  	s20 =	sadd.s32 $0x40, s20  }
0x109: {  	v5 =	vand.u32 $0x78, v3;
	v4 =	vmax.f32 v4, $0.0e+00;
	s23 =	sadd.s32 $0x40, s23;
	s14 =	smov.u32 s13;
	s15 =	sadd.s32 $0x1, s13  }
0x10a: {  	p0 =	sne.s32 s13, $0x4F;
	v3 =	vand.u32 $0x7, v3;
	v5 =	vadd.s32 v1, v5;
	v2 =	vmul.f32 v4, v2  }
0x10b: {  	v3 =	vor.u32 v3, v5  }
0x10c: {  	[tilespmem:s3+$0x10] =	vst v2;
	s3 =	smov.u32 s23  }
0x10d: {  	v4 =	vld [tilespmem:s20+$0xFFFFFFE0]  }
0x10e: {  	v5 =	vld [tilespmem:s24+$0xFFFFFFE0];
	_ =	sdelay $0x1  }
0x10f: {  	v2 =	vld.idx.msk [tilespmem:v3+s26+$0x0], $0xffff;
	_ =	sdelay $0x2  }
0x110: {  	v3 =	vadd.f32 v4, v5;
	_ =	sdelay $0x1  }
0x111: {  	v3 =	vmax.f32 v3, $0.0e+00  }
0x112: {  	v3 =	vmul.f32 v3, v2;
	_ =	sdelay $0x1  }
0x113: {  	[tilespmem:s23+$0xFFFFFFE0] =	vst v3  }
0x114: {  	v3 =	vld [tilespmem:s24+$0xFFFFFFF0]  }
0x115: {  	v4 =	vld [tilespmem:s20+$0xFFFFFFF0];
	_ =	sdelay $0x4  }
0x116: {  	v3 =	vadd.f32 v4, v3;
	_ =	sdelay $0x1  }
0x117: {  	v3 =	vmax.f32 v3, $0.0e+00  }
0x118: {  	v3 =	vmul.f32 v3, v2;
	_ =	sdelay $0x1  }
0x119: {  	[tilespmem:s23+$0xFFFFFFF0] =	vst v3  }
0x11a: {  	v3 =	vld [tilespmem:s24+$0x0]  }
0x11b: {  	v4 =	vld [tilespmem:s20+$0x0];
	_ =	sdelay $0x4  }
0x11c: {  	v3 =	vadd.f32 v4, v3;
	_ =	sdelay $0x1  }
0x11d: {  	v3 =	vmax.f32 v3, $0.0e+00  }
0x11e: {  	v3 =	vmul.f32 v3, v2;
	_ =	sdelay $0x1  }
0x11f: {  	[tilespmem:s23+$0x0] =	vst v3  }
0x120: {  	v3 =	vld [tilespmem:s24+$0x10]  }
0x121: {  	v4 =	vld [tilespmem:s20+$0x10];
	_ =	sdelay $0x1  }
.Ltmp4:
0x122: {  	(pc) =	sbr.rel @p0 .LBB2_11-.Ltmp4, $3  }
0x123: {  	_ =	sdelay $0x1  }
0x124: {  	v4 =	vadd.f32 v4, v3  }
0x125: {  	s13 =	smov.u32 s15;
	s24 =	sadd.s32 $0x40, s24;
	v3 =	vmov s14  }
0x126: {  	v4 =	vmax.f32 v4, $0.0e+00  }
0x127: {  	v5 =	vand.u32 $0x78, v3;
	v2 =	vmul.f32 v4, v2  }
0x128: {  	v3 =	vand.u32 $0x7, v3;
	v1 =	vadd.s32 v1, v5  }
0x129: {  	s13 =	sadd.s32 $0x40, s20;
	v1 =	vor.u32 v3, v1;
	[tilespmem:s3+$0x10] =	vst v2  }
0x12a: {  	v2 =	vld [tilespmem:s13+$0xFFFFFFE0]  }
0x12b: {  	v3 =	vld [tilespmem:s24+$0xFFFFFFE0];
	_ =	sdelay $0x2  }
0x12c: {  	v1 =	vld.idx.msk [tilespmem:v1+s26+$0x0], $0xffff;
	_ =	sdelay $0x1  }
0x12d: {  	v2 =	vadd.f32 v2, v3;
	_ =	sdelay $0x1  }
0x12e: {  	v2 =	vmax.f32 v2, $0.0e+00  }
0x12f: {  	v2 =	vmul.f32 v2, v1  }
0x130: {  	s23 =	sadd.s32 $0x40, s23  }
0x131: {  	[tilespmem:s23+$0xFFFFFFE0] =	vst v2  }
0x132: {  	v2 =	vld [tilespmem:s24+$0xFFFFFFF0]  }
0x133: {  	v3 =	vld [tilespmem:s13+$0xFFFFFFF0];
	_ =	sdelay $0x4  }
0x134: {  	v2 =	vadd.f32 v3, v2;
	_ =	sdelay $0x1  }
0x135: {  	v2 =	vmax.f32 v2, $0.0e+00  }
0x136: {  	v2 =	vmul.f32 v2, v1;
	_ =	sdelay $0x1  }
0x137: {  	[tilespmem:s23+$0xFFFFFFF0] =	vst v2  }
0x138: {  	v2 =	vld [tilespmem:s24+$0x0]  }
0x139: {  	v3 =	vld [tilespmem:s13+$0x0];
	_ =	sdelay $0x4  }
0x13a: {  	v2 =	vadd.f32 v3, v2;
	_ =	sdelay $0x1  }
0x13b: {  	v2 =	vmax.f32 v2, $0.0e+00  }
0x13c: {  	v2 =	vmul.f32 v2, v1;
	_ =	sdelay $0x1  }
0x13d: {  	[tilespmem:s23+$0x0] =	vst v2  }
0x13e: {  	v2 =	vld [tilespmem:s24+$0x10]  }
0x13f: {  	v3 =	vld [tilespmem:s13+$0x10];
	_ =	sdelay $0x4  }
0x140: {  	v2 =	vadd.f32 v3, v2;
	_ =	sdelay $0x1  }
0x141: {  	v2 =	vmax.f32 v2, $0.0e+00  }
0x142: {  	s10 =	sadd.s32 $0x1, s10;
	v1 =	vmul.f32 v2, v1  }
0x143: {  	p0 =	sne.s32 s10, $0x7D  }
.Ltmp5:
0x144: {  	s24 =	sadd.s32 $0x2710, s11;
	[tilespmem:s23+$0x10] =	vst v1;
	(pc) =	sbr.rel @p0 .LBB2_10-.Ltmp5, $4  }
0x145: {  	[spmem:s2] =	stream.indirect.scatter.add.f32 [tilespmem:s28], [sflag:$0x3], $0x40, s24, s29, $0xb8;
	[tilespmem:$0x17840] =	vst v63  }
0x146: {  	_ =	swait.ge [sflag:s21], $0x1400  }
0x147: {  	[sflag:s21] =	ssyncset.done $0x0  }
0x148: {  	[sflag:s21] =	ssyncadd.s32 $0xFFFFEC00  }
0x149: {  	[bflag:$0x0] =	sbarrier.arrive $0xFFFF  }
0x14a: {  	s3 =	rddreg [dreg:$0xc]  }
0x14b: {  	[hbm:s3], [sflag:s1] =	dma.local [spmem:s8], $0x1400  }
0x14c: {  	_ =	swait.ge [sflag:s21], $0x1400  }
0x14d: {  	s25 =	sadd.s32 $0x1, s25;
	s24 =	rddreg [dreg:$0xa]  }
0x14e: {  	p0 =	sne.s32 s25, s24  }
.Ltmp6:
0x14f: {  	_ = 	snop;
	(pc) =	sbr.rel @p0 .LBB2_1-.Ltmp6, $3  }
0x150: {  	_ =	sdelay $0x1  }
0x151: {  	[sflag:s21] =	ssyncset.done $0x0  }
0x152: {  	s15 =	smov.u32 s16;
	[sflag:s21] =	ssyncadd.s32 $0xFFFFEC00;
	s24 =	smov.u32 s17  }
0x153: {  	_ =	sfence.sel $0x180000  }
0x154: {  	[bflag:$0x0] =	sbarrier.arrive $0xFFFF  }
0x155: {  	_ =	strace $0x9000004A  }
0x156: {  	s0 =	stileid.u32;
	[bflag:$0x2] =	sbarrier.arrive $0xFFFF  }
0x157: {  	p0 =	sne.s32 s0, $0x0;
	s0 =	rddreg [dreg:$0x2]  }
0x158: {  	s0 =	sadd.s32 @!p0 $0x100000, s0  }
0x159: {  	[sflag:s0] =	ssyncadd.tile.s32 @!p0 $0x1;
	_ =	shalt  }
.Lfunc_end2:
_tile_overlayer_lowered:
.L_overlay_start_2:
0x15a: {  	(tag) =	ssettag $0x2  }
0x15b: {  	s0 =	rddreg [dreg:$0x0];
	s2 =	stileid.u32  }
0x15c: {  	s1 =	rddreg [dreg:$0x1];
	p0 =	sne.s32 s2, $0x0  }
0x15d: {  	s3 =	rddreg [dreg:$0x2];
	[bflag:$0x3] =	sbarrier.arrive $0xFFFF;
	s2 =	simm.s32 @!p0 $0x1C03  }
0x15e: {  	[timem:s3], [sflag:s2] =	dma.local @!p0 [hbm:s0], s1  }
0x15f: {  	s0 =	simm.s32 @!p0 $0x3  }
0x160: {  	_ =	swait.ge @!p0 [sflag:s0], s1  }
0x161: {  	s1 =	ssub.s32 @!p0 $0x0, s1;
	[sflag:s0] =	ssyncset.done @!p0 $0x0  }
0x162: {  	[sflag:s0] =	ssyncadd.s32 @!p0 s1  }
0x163: {  	[bflag:$0x3] =	sbarrier.arrive $0xFFFF  }
0x164: {  	_ =	shalt  }

// kernel: kernel.5.cloned.1.call-start
scs
__scs_entry_jumppad:
0x0: {  	(pc) =	sbr.rel $0x88, $3  }
0x1: {  	(tag) =	ssettag $0x0;
	lr =	simm.s32 $0x1  }
0x2: {  	[smem:$0x3F94] =	sst lr;
	_ =	strace $0xD0000000  }
0x3: {  	_ = 	snop  }
0x4: {  	_ = 	snop  }
0x5: {  	_ = 	snop  }
0x6: {  	_ = 	snop  }
0x7: {  	_ = 	snop  }
__scs_overlays_trampoline_lowered:
0x8: {  	[smem:$0x3FA3] =	sst s0  }
0x9: {  	[smem:$0x3FA4] =	sst s1  }
0xa: {  	[smem:$0x3FA5] =	sst s2  }
0xb: {  	[smem:$0x3FA6] =	sst s3  }
0xc: {  	[smem:$0x3FA7] =	sst s4  }
0xd: {  	[smem:$0x3FA8] =	sst s5  }
0xe: {  	[smem:$0x3FA9] =	sst s6  }
0xf: {  	[smem:$0x3FAA] =	sst s7  }
0x10: {  	[smem:$0x3FAB] =	sst s8  }
0x11: {  	[smem:$0x3FAC] =	sst s9;
	s0 =	simm.s32 @!p0 $0x0  }
0x12: {  	s1 =	sld [smem:$0x3F92];
	s0 =	simm.s32 @p0 $0x1  }
0x13: {  	[smem:$0x3FAD] =	sst s0;
	s0 =	simm.s32 @!p1 $0x0  }
0x14: {  	s2 =	sld [smem:$0x3F91];
	s0 =	simm.s32 @p1 $0x1  }
0x15: {  	[smem:$0x3FAE] =	sst s0;
	s0 =	simm.s32 @!p2 $0x0  }
0x16: {  	s3 =	sld [smem:$0x3FDB];
	s0 =	simm.s32 @p2 $0x1  }
0x17: {  	s4 =	simm.s32 $0x1BF5;
	[smem:$0x3FB0] =	sst s0  }
0x18: {  	s0 =	sld [smem:$0x3F93];
	_ =	swait.ge [sflag:s4], $0x0  }
0x19: {  	s7 =	sld [smem:$0x3F94]  }
0x1a: {  	s8 =	sadd.s32 $0xFFFFE003, lr  }
0x1b: {  	s9 =	sadd.s32 $0xFFFFFEF7, lr;
	s5 =	simm.s32 $0xFFFFFFFF;
	p2 =	slt.u32 s8, $0xFFFFF086  }
0x1c: {  	p1 =	slt.u32 s9, $0xF7A;
	s5 =	simm.s32 @!p2 $0x0  }
0x1d: {  	s5 =	simm.s32 @p1 $0x1;
	p0 =	seq.s32 s7, s2  }
0x1e: {  	s7 =	smul.u32 @!p0 $0xF7A, s2;
	p2 =	seq.s32 @!p0 s5, $0x0  }
0x1f: {  	s9 =	smul.u32 $0xF7A, s1;
	s8 =	simm.s32 @!p0 $0x1BF5;
	p2 =	por !p2, p0  }
0x20: {  	[sflag:s8] =	ssyncset.s32 @!p0 $0xFFFFF086;
	s6 =	sadd.s32 @!p0 s3, s7;
	s7 =	simm.s32 @!p0 $0x108  }
0x21: {  	s3 =	sadd.s32 s3, s9;
	s6 =	sadd.s32 @!p0 $0x88, s6;
	s7 =	simm.s32 @p2 $0x1082  }
0x22: {  	[simem:s7], [sflag:s8] =	dma.local @!p0 [hbm:s6], $0xF7A  }
0x23: {  	s9 =	sor.u32 $0xD0000000, s2;
	s6 =	simm.s32 $0x108;
	_ =	swait.ge @!p0 [sflag:s8], $0x0  }
0x24: {  	s3 =	sadd.s32 $0x88, s3;
	s6 =	simm.s32 @!p1 $0x1082;
	[sflag:s4] =	ssyncset.s32 $0xFFFFF086  }
0x25: {  	[simem:s6], [sflag:s4] =	dma.local [hbm:s3], $0xF7A  }
0x26: {  	[smem:$0x3F94] =	sst s1;
	(tag) =	ssettag s2;
	_ =	strace s9  }
0x27: {  	s1 =	sld [smem:$0x3FA4]  }
0x28: {  	s2 =	sld [smem:$0x3FA5]  }
0x29: {  	s4 =	sld [smem:$0x3FA7]  }
0x2a: {  	p0 =	seq.s32 s5, $0x0;
	s5 =	sld [smem:$0x3FA8]  }
0x2b: {  	s6 =	sld [smem:$0x3FA9]  }
0x2c: {  	s7 =	sld [smem:$0x3FAA]  }
0x2d: {  	s3 =	simm.s32 $0x108;
	s8 =	sld [smem:$0x3FAB]  }
0x2e: {  	s3 =	simm.s32 @!p0 $0x1082;
	s9 =	sld [smem:$0x3FAC]  }
0x2f: {  	lr =	sadd.s32 s0, s3;
	s0 =	sld [smem:$0x3FA3]  }
0x30: {  	s3 =	sld [smem:$0x3FA6]  }
0x31: {  	[smem:$0x3FAF] =	sst s10  }
0x32: {  	s10 =	sld [smem:$0x3FAD];
	_ =	sdelay $0x3  }
0x33: {  	p0 =	seq.s32 s10, $0x1;
	s10 =	sld [smem:$0x3FAF];
	_ =	sdelay $0x3  }
0x34: {  	[smem:$0x3FAF] =	sst s10  }
0x35: {  	s10 =	sld [smem:$0x3FAE];
	_ =	sdelay $0x3  }
0x36: {  	p1 =	seq.s32 s10, $0x1;
	s10 =	sld [smem:$0x3FAF];
	_ =	sdelay $0x3  }
0x37: {  	[smem:$0x3FAF] =	sst s10  }
0x38: {  	s10 =	sld [smem:$0x3FB0]  }
0x39: {  	_ = 	snop;
	(pc) =	sbr.ind lr, $3  }
0x3a: {  	_ = 	snop  }
0x3b: {  	_ = 	snop  }
0x3c: {  	p2 =	seq.s32 s10, $0x1;
	s10 =	sld [smem:$0x3FAF]  }
0x3d: {  	_ =	shalt  }
0x3e: {  	_ =	shalt  }
0x3f: {  	_ =	shalt  }
0x40: {  	_ =	shalt  }
0x41: {  	_ =	shalt  }
0x42: {  	_ =	shalt  }
0x43: {  	_ =	shalt  }
0x44: {  	_ =	shalt  }
0x45: {  	_ =	shalt  }
0x46: {  	_ =	shalt  }
0x47: {  	_ =	shalt  }
0x48: {  	_ =	shalt  }
0x49: {  	_ =	shalt  }
0x4a: {  	_ =	shalt  }
0x4b: {  	_ =	shalt  }
0x4c: {  	_ =	shalt  }
0x4d: {  	_ =	shalt  }
0x4e: {  	_ =	shalt  }
0x4f: {  	_ =	shalt  }
0x50: {  	_ =	shalt  }
0x51: {  	_ =	shalt  }
0x52: {  	_ =	shalt  }
0x53: {  	_ =	shalt  }
0x54: {  	_ =	shalt  }
0x55: {  	_ =	shalt  }
0x56: {  	_ =	shalt  }
0x57: {  	_ =	shalt  }
0x58: {  	_ =	shalt  }
0x59: {  	_ =	shalt  }
0x5a: {  	_ =	shalt  }
0x5b: {  	_ =	shalt  }
0x5c: {  	_ =	shalt  }
0x5d: {  	_ =	shalt  }
0x5e: {  	_ =	shalt  }
0x5f: {  	_ =	shalt  }
0x60: {  	_ =	shalt  }
0x61: {  	_ =	shalt  }
0x62: {  	_ =	shalt  }
0x63: {  	_ =	shalt  }
0x64: {  	_ =	shalt  }
0x65: {  	_ =	shalt  }
0x66: {  	_ =	shalt  }
0x67: {  	_ =	shalt  }
0x68: {  	_ =	shalt  }
0x69: {  	_ =	shalt  }
0x6a: {  	_ =	shalt  }
0x6b: {  	_ =	shalt  }
0x6c: {  	_ =	shalt  }
0x6d: {  	_ =	shalt  }
0x6e: {  	_ =	shalt  }
0x6f: {  	_ =	shalt  }
0x70: {  	_ =	shalt  }
0x71: {  	_ =	shalt  }
0x72: {  	_ =	shalt  }
0x73: {  	_ =	shalt  }
0x74: {  	_ =	shalt  }
0x75: {  	_ =	shalt  }
0x76: {  	_ =	shalt  }
0x77: {  	_ =	shalt  }
0x78: {  	_ =	shalt  }
0x79: {  	_ =	shalt  }
0x7a: {  	_ =	shalt  }
0x7b: {  	_ =	shalt  }
0x7c: {  	_ =	shalt  }
0x7d: {  	_ =	shalt  }
0x7e: {  	_ =	shalt  }
0x7f: {  	_ =	shalt  }
0x80: {  	_ =	shalt  }
0x81: {  	_ =	shalt  }
0x82: {  	_ =	shalt  }
0x83: {  	_ =	shalt  }
0x84: {  	_ =	shalt  }
0x85: {  	_ =	shalt  }
0x86: {  	_ =	shalt  }
0x87: {  	_ =	shalt  }
.Lfunc_end0:
.L_simem_size_0:
called_computation.1_lowered:
.L_overlay_start_0:
0x88: {  	s2 =	sld [smem:$0x3FD9]  }
0x89: {  	s3 =	sld [smem:$0x3FFE];
	_ =	sdelay $0x1  }
0x8a: {  	s1 =	srdreg.scid  }
0x8b: {  	s0 =	sand.u32 $0x1, s1  }
0x8c: {  	s16 =	sshll.u32 s0, $0xA;
	s2 =	sadd.s32 s3, s2  }
0x8d: {  	s2 =	sadd.s32 s2, s16  }
0x8e: {  	[smem:$0x3FBB] =	sst s2  }
0x8f: {  	_ = 	snop  }
0x90: {  	(tm) =	ssettm $0x1  }
0x91: {  	s17 =	sld [smem:$0x3FFB];
	_ =	sdelay $0x3  }
0x92: {  	_ =	strace s17  }
0x93: {  	s2 =	sld [smem:$0x3FFC];
	_ =	sdelay $0x3  }
0x94: {  	_ =	strace s2  }
0x95: {  	s2 =	sld [smem:$0x3FFD];
	_ =	sdelay $0x3  }
0x96: {  	_ =	strace s2  }
0x97: {  	_ =	strace $0x8FFFFFFF  }
0x98: {  	s18 =	sld [smem:$0x3FDB];
	_ =	sdelay $0x1  }
0x99: {  	s19 =	simm.s32 $_scs_section_size  }
0x9a: {  	s4 =	simm.s32 $_size__tile_overlayer_lowered;
	s5 =	simm.s32 $_tile_overlayer_lowered  }
0x9b: {  	s22 =	simm.s32 $0x1BFF;
	s21 =	sshll.u32 s5, $0x1;
	s2 =	sadd.s32 s19, s18  }
0x9c: {  	s6 =	simm.s32 $0x0;
	s20 =	sshll.u32 s4, $0x1;
	s4 =	sadd.s32 s21, s2  }
0x9d: {  	[timem:s6], [sflag:s22] =	dma.local [hbm:s4], s20  }
0x9e: {  	_ =	swait.ge [sflag:s22], s20  }
0x9f: {  	s3 =	ssub.s32 $0x0, s20;
	[sflag:s22] =	ssyncset.done $0x0  }
0xa0: {  	[sflag:s22] =	ssyncadd.s32 s3;
	_ =	sdelay $0x1  }
0xa1: {  	s23 =	simm.s32 $0x1B8B  }
0xa2: {  	_ =	swait.ge [sflag:s23], $0x1  }
0xa3: {  	[sflag:s23] =	ssyncset.done $0x0  }
0xa4: {  	s25 =	simm.s32 $0x1B8E;
	s24 =	sld [smem:$0x3FFE];
	[sflag:s23] =	ssyncadd.s32 $0xFFFFFFFF  }
0xa5: {  	s26 =	simm.s32 $execute0_lowered;
	[smem:$0x3FD2] =	sst s25  }
0xa6: {  	s4 =	sshll.u32 s26, $0x1;
	_ =	strace $0x80000046;
	[dreg:$0x1] =	wrdreg $0xFFFFFFFF  }
0xa7: {  	s28 =	simm.s32 $_size_execute0_lowered;
	s2 =	sadd.s32 s2, s4;
	[dreg:$0x0] =	wrdreg $0x0  }
0xa8: {  	s4 =	sshll.u32 s28, $0x1;
	[dreg:$0x2] =	wrdreg s2  }
0xa9: {  	[dreg:$0x3] =	wrdreg s4  }
0xaa: {  	[dreg:$0x4] =	wrdreg $0xC0  }
0xab: {  	_ =	task [dreg:s6], $0x5FFFF  }
0xac: {  	[dreg:$0x1] =	wrdreg $0xFFFFFFFF  }
0xad: {  	[dreg:$0x0] =	wrdreg $0x60  }
0xae: {  	[dreg:$0x2] =	wrdreg s24  }
0xaf: {  	[dreg:$0x3] =	wrdreg $0xF3200  }
0xb0: {  	[dreg:$0x4] =	wrdreg $0xF5A00  }
0xb1: {  	[dreg:$0x5] =	wrdreg $0x9  }
0xb2: {  	_ =	task.clear_ibuf [dreg:s6], $0x6FFFF;
	_ =	strace $0x90000046  }
0xb3: {  	s29 =	simm.s32 $0x9;
	_ =	strace $0x80000048  }
0xb4: {  	_ =	swait.ge [sflag:s29], $0x1  }
0xb5: {  	[sflag:s29] =	ssyncadd.s32 $0xFFFFFFFF  }
0xb6: {  	_ =	strace $0x90000048  }
0xb7: {  	_ =	sfence  }
0xb8: {  	s30 =	sld [smem:$0x0];
	_ =	sdelay $0x2  }
0xb9: {  	s31 =	sshll.u32 s1, $0xD;
	s1 =	sshrl.u32 s1, $0x2  }
0xba: {  	s3 =	sand.u32 $0x4000, s31;
	s1 =	sadd.s32 s1, s30  }
0xbb: {  	s0 =	sor.u32 s3, s0;
	s1 =	sshll.u32 s1, $0x11  }
0xbc: {  	s0 =	sor.u32 s1, s0  }
0xbd: {  	s0 =	sadd.s32 $0x8F2B, s0  }
0xbe: {  	[sflag:s0] =	ssyncadd.remote.s32 $0x1  }
0xbf: {  	_ =	sfence.sel $0xFFFF  }
0xc0: {  	[dreg:$0x0] =	wrdreg $0xFFFFFFFF;
	(pc) =	sbr.abs _section_cstart, $3  }
0xc1: {  	[dreg:$0x1] =	wrdreg $0xFFFFFFFF  }
0xc2: {  	_ =	task.clear_ibuf [dreg:s6], $0x2FFFF;
	_ =	strace $0x9FFFFFFF  }
0xc3: {  	(tm) =	ssettm $0x7FFFFFFF  }
tec
execute0_lowered:
.L_overlay_start_1:
0x0: {  	(tag) =	ssettag $0x1  }
0x1: {  	s0 =	rddreg [dreg:$0x0]  }
0x2: {  	s1 =	rddreg [dreg:$0x1]  }
0x3: {  	s11 =	rddreg [dreg:$0x2];
	s4 =	simm.s32 $0x0;
	s6 =	stileid.u32  }
0x4: {  	s2 =	srdreg.scid;
	s14 =	simm.s32 $0x4E70;
	s15 =	simm.s32 $0x2  }
0x5: {  	s16 =	simm.s32 $0x50;
	s17 =	simm.s32 $0x4E20;
	s18 =	simm.s32 $0x80  }
0x6: {  	s20 =	simm.s32 $0x5370;
	s21 =	simm.s32 $0x1;
	s28 =	simm.s32 $0x54F0  }
0x7: {  	s29 =	simm.s32 $0x52F0;
	s30 =	simm.s32 $0x5570;
	s31 =	simm.s32 $0xCB20  }
0x8: {  	s19 =	simm.s32 $0x0;
	[smem:$0x7FF] =	sst s4;
	s3 =	smul.u32 $0x9C4, s6  }
0x9: {  	s2 =	sand.u32 $0x1, s2;
	s5 =	sshll.u32 s6, $0x1;
	s8 =	smul.u32 $0x280, s6  }
0xa: {  	_ =	strace $0x80000047;
	s5 =	sor.u32 s2, s5;
	s7 =	ssub.s32 $0x2, s2  }
0xb: {  	p0 =	sne.s32 s2, $0x0;
	s2 =	simm.s32 $0x7D00;
	s3 =	sadd.s32 s3, s0  }
0xc: {  	s26 =	smul.u32 $0x4E2, s5;
	s5 =	sadd.s32 $0x4C00, s0;
	s9 =	sshrl.u32 s8, $0x3  }
0xd: {  	s10 =	sshrl.u32 s7, $0x1;
	s6 =	sadd.s32 s8, s1;
	s8 =	sadd.s32 s8, s11  }
0xe: {  	s13 =	ssub.s32 s7, s10;
	s7 =	sadd.s32 $0x22600, s3;
	s3 =	simm.s32 $0xA410  }
0xf: {  	s12 =	sadd.s32 s26, s0;
	s0 =	sadd.s32 s9, s0;
	s13 =	smax.u32 s13, $0x1  }
0x10: {  	s26 =	simm.s32 $0x5270;
	s9 =	sadd.s32 $0x2C400, s0;
	s10 =	sadd.s32 $0x18800, s12  }
0x11: {  	v0 =	vimm.f32 $1.000000000e+00;
	v1 =	vimm.f32 $0.0e+00;
	s11 =	sadd.s32 $0xEA00, s12;
	s12 =	sadd.s32 $0x2CA00, s12;
	s0 =	simm.s32 $0x55F0  }
.LBB2_1:
0x12: {  	[tilespmem:$0x4E20] =	vst v0  }
0x13: {  	[tilespmem:$0x4E30] =	vst v0  }
0x14: {  	[tilespmem:$0x4E40] =	vst v0  }
0x15: {  	[tilespmem:$0x4E50] =	vst v0  }
0x16: {  	[tilespmem:$0x4E60] =	vst v0  }
0x17: {  	[tilespmem:$0x4E70] =	vst v1  }
0x18: {  	[tilespmem:$0x4E80] =	vst v1  }
0x19: {  	[tilespmem:$0x4E90] =	vst v1  }
0x1a: {  	[tilespmem:$0x4EA0] =	vst v1  }
0x1b: {  	[tilespmem:$0x4EB0] =	vst v1  }
0x1c: {  	[tilespmem:$0x4EC0] =	vst v1  }
0x1d: {  	[tilespmem:$0x4ED0] =	vst v1  }
0x1e: {  	[tilespmem:$0x4EE0] =	vst v1  }
0x1f: {  	[tilespmem:$0x4EF0] =	vst v1  }
0x20: {  	[tilespmem:$0x4F00] =	vst v1  }
0x21: {  	[tilespmem:$0x4F10] =	vst v1  }
0x22: {  	[tilespmem:$0x4F20] =	vst v1  }
0x23: {  	[tilespmem:$0x4F30] =	vst v1  }
0x24: {  	[tilespmem:$0x4F40] =	vst v1  }
0x25: {  	[tilespmem:$0x4F50] =	vst v1  }
0x26: {  	[tilespmem:$0x4F60] =	vst v1  }
0x27: {  	[tilespmem:$0x4F70] =	vst v1  }
0x28: {  	[tilespmem:$0x4F80] =	vst v1  }
0x29: {  	[tilespmem:$0x4F90] =	vst v1  }
0x2a: {  	[tilespmem:$0x4FA0] =	vst v1  }
0x2b: {  	[tilespmem:$0x4FB0] =	vst v1  }
0x2c: {  	[tilespmem:$0x4FC0] =	vst v1  }
0x2d: {  	[tilespmem:$0x4FD0] =	vst v1  }
0x2e: {  	[tilespmem:$0x4FE0] =	vst v1  }
0x2f: {  	[tilespmem:$0x4FF0] =	vst v1  }
0x30: {  	[tilespmem:$0x5000] =	vst v1  }
0x31: {  	[tilespmem:$0x5010] =	vst v1  }
0x32: {  	[tilespmem:$0x5020] =	vst v1  }
0x33: {  	[tilespmem:$0x5030] =	vst v1  }
0x34: {  	[tilespmem:$0x5040] =	vst v1  }
0x35: {  	[tilespmem:$0x5050] =	vst v1  }
0x36: {  	[tilespmem:$0x5060] =	vst v1  }
0x37: {  	[tilespmem:$0x5070] =	vst v1  }
0x38: {  	[tilespmem:$0x5080] =	vst v1  }
0x39: {  	[tilespmem:$0x5090] =	vst v1  }
0x3a: {  	[tilespmem:$0x50A0] =	vst v1  }
0x3b: {  	[tilespmem:$0x50B0] =	vst v1  }
0x3c: {  	[tilespmem:$0x50C0] =	vst v1  }
0x3d: {  	[tilespmem:$0x50D0] =	vst v1  }
0x3e: {  	[tilespmem:$0x50E0] =	vst v1  }
0x3f: {  	[spmem:s6] =	stream.linear.scatter [tilespmem:s14], [sflag:$0x2], $0x280, $0x38;
	[tilespmem:$0xF820] =	vst v63  }
0x40: {  	_ =	swait.ge [sflag:s15], $0x280  }
0x41: {  	[sflag:s15] =	ssyncset.done $0x0  }
0x42: {  	[sflag:s15] =	ssyncadd.s32 $0xFFFFFD80  }
0x43: {  	[bflag:$0x0] =	sbarrier.arrive $0xFFFF  }
0x44: {  	[tilespmem:s4], [sflag:$0x2] =	stream.linear.gather [hbm4b:s7+s4], $0x4E20, $0x38;
	[tilespmem:$0xF820] =	vst v63  }
0x45: {  	_ =	swait.ge [sflag:s15], $0x4E20  }
0x46: {  	[sflag:s15] =	ssyncset.done $0x0  }
0x47: {  	s22 =	simm.s32 $0x0;
	[sflag:s15] =	ssyncadd.s32 $0xFFFFB1E0  }
0x48: {  	[spmem:s1] =	stream.indirect.scatter.add.f32 [tilespmem:s17], [sflag:$0x2], $0x1, s22, s16, $0xb8;
	[tilespmem:$0xF820] =	vst v63  }
0x49: {  	_ =	swait.ge [sflag:s15], $0x50  }
0x4a: {  	s22 =	simm.s32 $0x140;
	[sflag:s15] =	ssyncset.done $0x0  }
.LBB2_2:
0x4b: {  	s23 =	sshra.s32 s22, $0x2;
	[sflag:s15] =	ssyncadd.s32 $0xFFFFFFB0;
	p1 =	sne.s32 s22, $0x13740  }
0x4c: {  	[spmem:s1] =	stream.indirect.scatter.add.f32 [tilespmem:s17], [sflag:$0x2], $0x1, s23, s16, $0xb8;
	[tilespmem:$0xF820] =	vst v63  }
.Ltmp0:
0x4d: {  	_ = 	snop;
	(pc) =	sbr.rel @p1 .LBB2_2-.Ltmp0, $4  }
0x4e: {  	_ = 	snop  }
0x4f: {  	s22 =	sadd.s32 $0x140, s22  }
0x50: {  	_ =	swait.ge [sflag:s15], $0x50  }
0x51: {  	[sflag:s15] =	ssyncset.done $0x0  }
0x52: {  	[sflag:s15] =	ssyncadd.s32 $0xFFFFFFB0  }
0x53: {  	[bflag:$0x0] =	sbarrier.arrive $0xFFFF  }
0x54: {  	[tilespmem:s14], [sflag:$0x2] =	stream.linear.gather [spmem:s6], $0x280, $0x38;
	[tilespmem:$0xF820] =	vst v63  }
0x55: {  	_ =	swait.ge [sflag:s15], $0x280  }
0x56: {  	[sflag:s15] =	ssyncset.done $0x0  }
0x57: {  	s22 =	simm.s32 $0x0;
	[sflag:s15] =	ssyncadd.s32 $0xFFFFFD80  }
0x58: {  	v2 =	vld [tilespmem:s22+$0x4E70];
	_ =	sdelay $0x3  }
0x59: {  	s23 =	simm.s32 $0x40;
	s24 =	simm.s32 $0x80  }
.LBB2_4:
0x5a: {  	p1 =	sne.s32 s24, $0x9C0;
	v2 =	vadd.f32 $1.000000000e+00, v2;
	_ =	sdelay $0x1  }
0x5b: {  	s25 =	sshra.s32 s23, $0x2;
	s23 =	smov.u32 s24;
	[tilespmem:s22+$0x4E70] =	vst v2;
	v3 =	vtrunc.f32 v2  }
.Ltmp1:
0x5c: {  	v2 =	vld [tilespmem:s25+$0x4E70];
	v3 =	vcvt.f32.s32 v3;
	(pc) =	sbr.rel @p1 .LBB2_4-.Ltmp1, $3  }
0x5d: {  	_ = 	snop  }
0x5e: {  	[tilespmem:s22+$0x50F0] =	vst v3;
	s22 =	smov.u32 s25;
	_ =	sdelay $0x1  }
0x5f: {  	s24 =	sadd.s32 $0x40, s24  }
0x60: {  	v2 =	vadd.f32 $1.000000000e+00, v2;
	_ =	sdelay $0x1  }
0x61: {  	s23 =	sshra.s32 s23, $0x2;
	[tilespmem:s22+$0x4E70] =	vst v2  }
0x62: {  	v3 =	vld [tilespmem:s23+$0x4E70];
	_ =	sdelay $0x4  }
0x63: {  	v2 =	vtrunc.f32 v2;
	v3 =	vadd.f32 $1.000000000e+00, v3  }
0x64: {  	v2 =	vcvt.f32.s32 v2  }
0x65: {  	v4 =	vtrunc.f32 v3  }
0x66: {  	[tilespmem:s22+$0x50F0] =	vst v2;
	v2 =	vcvt.f32.s32 v4  }
0x67: {  	[tilespmem:s23+$0x4E70] =	vst v3  }
0x68: {  	[tilespmem:s23+$0x50F0] =	vst v2;
	s23 =	simm.s32 $0x50F0  }
0x69: {  	[tilespmem:s20], [sflag:$0x1] =	stream.indirect.gather [hbm4b:s5+s18], $0x1, s23, s18, $0xb8;
	[tilespmem:$0xF820] =	vst v63  }
0x6a: {  	_ =	swait.ge [sflag:s21], $0x80  }
0x6b: {  	[sflag:s21] =	ssyncset.done $0x0  }
0x6c: {  	s24 =	simm.s32 $0x5170;
	s25 =	simm.s32 $0x53F0;
	[sflag:s21] =	ssyncadd.s32 $0xFFFFFF80  }
0x6d: {  	[tilespmem:s25], [sflag:$0x1] =	stream.indirect.gather [hbm4b:s5+s18], $0x1, s24, s18, $0xb8;
	[tilespmem:$0xF820] =	vst v63  }
0x6e: {  	_ =	swait.ge [sflag:s21], $0x80  }
0x6f: {  	[sflag:s21] =	ssyncset.done $0x0  }
0x70: {  	s24 =	simm.s32 $0x51F0;
	s25 =	simm.s32 $0x5470;
	[sflag:s21] =	ssyncadd.s32 $0xFFFFFF80  }
0x71: {  	[tilespmem:s25], [sflag:$0x1] =	stream.indirect.gather [hbm4b:s5+s18], $0x1, s24, s18, $0xb8;
	[tilespmem:$0xF820] =	vst v63  }
0x72: {  	_ =	swait.ge [sflag:s21], $0x80  }
0x73: {  	[sflag:s21] =	ssyncset.done $0x0  }
0x74: {  	[sflag:s21] =	ssyncadd.s32 $0xFFFFFF80  }
0x75: {  	[tilespmem:s28], [sflag:$0x1] =	stream.indirect.gather [hbm4b:s5+s18], $0x1, s26, s18, $0xb8;
	[tilespmem:$0xF820] =	vst v63  }
0x76: {  	_ =	swait.ge [sflag:s21], $0x80  }
0x77: {  	[sflag:s21] =	ssyncset.done $0x0  }
0x78: {  	[sflag:s21] =	ssyncadd.s32 $0xFFFFFF80  }
0x79: {  	[tilespmem:s30], [sflag:$0x1] =	stream.indirect.gather [hbm4b:s5+s18], $0x1, s29, s18, $0xb8;
	[tilespmem:$0xF820] =	vst v63  }
0x7a: {  	_ =	swait.ge [sflag:s21], $0x80  }
0x7b: {  	[sflag:s21] =	ssyncset.done $0x0  }
0x7c: {  	[sflag:s21] =	ssyncadd.s32 $0xFFFFFF80  }
0x7d: {  	[spmem:s8] =	stream.linear.scatter [tilespmem:s20], [sflag:$0x2], $0x280, $0x38;
	[tilespmem:$0xF820] =	vst v63  }
0x7e: {  	_ =	swait.ge [sflag:s15], $0x280  }
0x7f: {  	[sflag:s15] =	ssyncset.done $0x0  }
0x80: {  	s22 =	simm.s32 @!p0 $0x0;
	s23 =	simm.s32 @!p0 $0x4E70;
	[sflag:s15] =	ssyncadd.s32 $0xFFFFFD80  }
0x81: {  	[hbm4b:s9+s22] =	stream.linear.scatter @!p0 [tilespmem:s23], [sflag:$0x2], $0x280, $0x38;
	[tilespmem:$0xF820] =	vst v63  }
0x82: {  	s22 =	simm.s32 @!p0 $0x2  }
0x83: {  	_ =	swait.ge @!p0 [sflag:s22], $0x280  }
0x84: {  	[sflag:s22] =	ssyncset.done @!p0 $0x0  }
0x85: {  	[sflag:s22] =	ssyncadd.s32 @!p0 $0xFFFFFD80  }
0x86: {  	[bflag:$0x0] =	sbarrier.arrive $0xFFFF  }
0x87: {  	s24 =	rddreg [dreg:$0x2]  }
0x88: {  	[tilespmem:s31], [sflag:$0x2] =	stream.linear.gather [spmem:s24], $0x2800, $0x38;
	[tilespmem:$0xF820] =	vst v63  }
0x89: {  	_ =	swait.ge [sflag:s15], $0x2800  }
0x8a: {  	[sflag:s15] =	ssyncset.done $0x0  }
0x8b: {  	s25 =	simm.s32 $0x0;
	[sflag:s15] =	ssyncadd.s32 $0xFFFFD800  }
0x8c: {  	[tilespmem:s0], [sflag:$0x2] =	stream.linear.gather [hbm4b:s10+s25], $0x2710, $0x38;
	[tilespmem:$0xF820] =	vst v63  }
0x8d: {  	_ =	swait.ge [sflag:s15], $0x2710  }
0x8e: {  	[sflag:s15] =	ssyncset.done $0x0  }
0x8f: {  	[sflag:s15] =	ssyncadd.s32 $0xFFFFD8F0  }
0x90: {  	[tilespmem:s2], [sflag:$0x2] =	stream.linear.gather [hbm4b:s11+s25], $0x2710, $0x38;
	[tilespmem:$0xF820] =	vst v63  }
0x91: {  	_ =	swait.ge [sflag:s15], $0x2710  }
0x92: {  	[sflag:s15] =	ssyncset.done $0x0  }
0x93: {  	s22 =	simm.s32 $0x0;
	[sflag:s15] =	ssyncadd.s32 $0xFFFFD8F0  }
0x94: {  	v2 =	vld [tilespmem:s22+$0x55F0]  }
0x95: {  	v3 =	vld [tilespmem:s22+$0x7D00];
	_ =	sdelay $0x5  }
0x96: {  	v4 =	vld [tilespmem:s22+$0x5600]  }
0x97: {  	v2 =	vld.idx.msk [tilespmem:v2+s31+$0x0], $0xffff  }
0x98: {  	v3 =	vld.idx.msk [tilespmem:v3+s31+$0x0], $0xffff  }
0x99: {  	v5 =	vld [tilespmem:s22+$0x7D10];
	_ =	sdelay $0x3  }
0x9a: {  	v2 =	vmul.f32 v3, v2;
	_ =	sdelay $0x1  }
0x9b: {  	[tilespmem:s22+$0xA410] =	vst v2  }
0x9c: {  	v2 =	vld.idx.msk [tilespmem:v4+s31+$0x0], $0xffff  }
0x9d: {  	v3 =	vld.idx.msk [tilespmem:v5+s31+$0x0], $0xffff  }
0x9e: {  	v4 =	vld [tilespmem:s22+$0x5610]  }
0x9f: {  	v5 =	vld [tilespmem:s22+$0x7D20];
	_ =	sdelay $0x3  }
0xa0: {  	v2 =	vmul.f32 v3, v2;
	_ =	sdelay $0x1  }
0xa1: {  	[tilespmem:s22+$0xA420] =	vst v2  }
0xa2: {  	v2 =	vld.idx.msk [tilespmem:v4+s31+$0x0], $0xffff  }
0xa3: {  	v3 =	vld.idx.msk [tilespmem:v5+s31+$0x0], $0xffff  }
0xa4: {  	v4 =	vld [tilespmem:s22+$0x5620]  }
0xa5: {  	v5 =	vld [tilespmem:s22+$0x7D30];
	_ =	sdelay $0x3  }
0xa6: {  	v2 =	vmul.f32 v3, v2;
	_ =	sdelay $0x1  }
0xa7: {  	[tilespmem:s22+$0xA430] =	vst v2  }
0xa8: {  	v2 =	vld.idx.msk [tilespmem:v4+s31+$0x0], $0xffff  }
0xa9: {  	v3 =	vld.idx.msk [tilespmem:v5+s31+$0x0], $0xffff  }
0xaa: {  	v4 =	vld [tilespmem:s22+$0x5630]  }
0xab: {  	v5 =	vld [tilespmem:s22+$0x7D40];
	_ =	sdelay $0x3  }
0xac: {  	v2 =	vmul.f32 v3, v2;
	_ =	sdelay $0x1  }
0xad: {  	[tilespmem:s22+$0xA440] =	vst v2  }
0xae: {  	v4 =	vld.idx.msk [tilespmem:v4+s31+$0x0], $0xffff  }
0xaf: {  	s25 =	simm.s32 $0x50;
	v5 =	vld.idx.msk [tilespmem:v5+s31+$0x0], $0xffff  }
0xb0: {  	v2 =	vld [tilespmem:s25+$0x55F0]  }
0xb1: {  	s23 =	simm.s32 $0x280;
	v3 =	vld [tilespmem:s25+$0x7D00]  }
.LBB2_6:
0xb2: {  	p1 =	sne.s32 s23, $0x9B00;
	s24 =	smov.u32 s23;
	s23 =	sadd.s32 $0x140, s23  }
0xb3: {  	_ =	sdelay $0x1  }
0xb4: {  	v4 =	vmul.f32 v5, v4;
	_ =	sdelay $0x1  }
0xb5: {  	v5 =	vld [tilespmem:s25+$0x7D10];
	[tilespmem:s22+$0xA450] =	vst v4;
	s22 =	smov.u32 s25  }
0xb6: {  	v2 =	vld.idx.msk [tilespmem:v2+s31+$0x0], $0xffff  }
0xb7: {  	v3 =	vld.idx.msk [tilespmem:v3+s31+$0x0], $0xffff  }
0xb8: {  	v4 =	vld [tilespmem:s22+$0x5600];
	_ =	sdelay $0x4  }
0xb9: {  	v2 =	vmul.f32 v3, v2;
	_ =	sdelay $0x1  }
0xba: {  	[tilespmem:s22+$0xA410] =	vst v2;
	v2 =	vld [tilespmem:s22+$0x7D20]  }
0xbb: {  	v3 =	vld.idx.msk [tilespmem:v4+s31+$0x0], $0xffff  }
0xbc: {  	v4 =	vld.idx.msk [tilespmem:v5+s31+$0x0], $0xffff  }
0xbd: {  	v5 =	vld [tilespmem:s22+$0x5610];
	_ =	sdelay $0x4  }
0xbe: {  	v3 =	vmul.f32 v4, v3;
	_ =	sdelay $0x1  }
0xbf: {  	[tilespmem:s22+$0xA420] =	vst v3;
	v3 =	vld [tilespmem:s22+$0x7D30]  }
0xc0: {  	v4 =	vld.idx.msk [tilespmem:v5+s31+$0x0], $0xffff  }
0xc1: {  	v2 =	vld.idx.msk [tilespmem:v2+s31+$0x0], $0xffff  }
0xc2: {  	v5 =	vld [tilespmem:s22+$0x5620];
	_ =	sdelay $0x4  }
0xc3: {  	v2 =	vmul.f32 v2, v4;
	_ =	sdelay $0x1  }
0xc4: {  	[tilespmem:s22+$0xA430] =	vst v2;
	v2 =	vld [tilespmem:s22+$0x7D40]  }
0xc5: {  	v4 =	vld.idx.msk [tilespmem:v5+s31+$0x0], $0xffff  }
0xc6: {  	v3 =	vld.idx.msk [tilespmem:v3+s31+$0x0], $0xffff  }
0xc7: {  	v5 =	vld [tilespmem:s22+$0x5630];
	_ =	sdelay $0x4  }
0xc8: {  	v3 =	vmul.f32 v3, v4;
	_ =	sdelay $0x1  }
.Ltmp2:
0xc9: {  	[tilespmem:s22+$0xA440] =	vst v3;
	(pc) =	sbr.rel @p1 .LBB2_6-.Ltmp2, $4  }
0xca: {  	v4 =	vld.idx.msk [tilespmem:v5+s31+$0x0], $0xffff  }
0xcb: {  	s25 =	sshra.s32 s24, $0x2;
	v5 =	vld.idx.msk [tilespmem:v2+s31+$0x0], $0xffff  }
0xcc: {  	v2 =	vld [tilespmem:s25+$0x55F0]  }
0xcd: {  	v3 =	vld [tilespmem:s25+$0x7D00]  }
0xce: {  	_ =	sdelay $0x3  }
0xcf: {  	v4 =	vmul.f32 v5, v4;
	_ =	sdelay $0x1  }
0xd0: {  	v57 =	vld [tilespmem:s25+$0x7D10];
	[tilespmem:s22+$0xA450] =	vst v4  }
0xd1: {  	v2 =	vld.idx.msk [tilespmem:v2+s31+$0x0], $0xffff  }
0xd2: {  	v3 =	vld.idx.msk [tilespmem:v3+s31+$0x0], $0xffff  }
0xd3: {  	v4 =	vld [tilespmem:s25+$0x5600];
	_ =	sdelay $0x4  }
0xd4: {  	v2 =	vmul.f32 v3, v2;
	_ =	sdelay $0x1  }
0xd5: {  	v58 =	vld [tilespmem:s25+$0x5610];
	[tilespmem:s25+$0xA410] =	vst v2  }
0xd6: {  	v2 =	vld.idx.msk [tilespmem:v4+s31+$0x0], $0xffff  }
0xd7: {  	v3 =	vld.idx.msk [tilespmem:v57+s31+$0x0], $0xffff  }
0xd8: {  	v59 =	vld [tilespmem:s25+$0x7D20];
	_ =	sdelay $0x3  }
0xd9: {  	v2 =	vmul.f32 v3, v2;
	_ =	sdelay $0x1  }
0xda: {  	v60 =	vld [tilespmem:s25+$0x5620];
	[tilespmem:s25+$0xA420] =	vst v2  }
0xdb: {  	v2 =	vld.idx.msk [tilespmem:v58+s31+$0x0], $0xffff  }
0xdc: {  	v3 =	vld.idx.msk [tilespmem:v59+s31+$0x0], $0xffff  }
0xdd: {  	v61 =	vld [tilespmem:s25+$0x7D30];
	_ =	sdelay $0x3  }
0xde: {  	v2 =	vmul.f32 v3, v2;
	_ =	sdelay $0x1  }
0xdf: {  	v62 =	vld [tilespmem:s25+$0x5630];
	[tilespmem:s25+$0xA430] =	vst v2  }
0xe0: {  	v2 =	vld.idx.msk [tilespmem:v60+s31+$0x0], $0xffff  }
0xe1: {  	v3 =	vld.idx.msk [tilespmem:v61+s31+$0x0], $0xffff  }
0xe2: {  	v63 =	vld [tilespmem:s25+$0x7D40];
	_ =	sdelay $0x3  }
0xe3: {  	v2 =	vmul.f32 v3, v2;
	_ =	sdelay $0x1  }
0xe4: {  	[tilespmem:s25+$0xA440] =	vst v2  }
0xe5: {  	v2 =	vld.idx.msk [tilespmem:v62+s31+$0x0], $0xffff  }
0xe6: {  	v3 =	vld.idx.msk [tilespmem:v63+s31+$0x0], $0xffff;
	_ =	sdelay $0x4  }
0xe7: {  	s19 =	sadd.s32 $0x1, s19;
	v2 =	vmul.f32 v3, v2  }
0xe8: {  	p1 =	sne.s32 s19, s13  }
.Ltmp3:
0xe9: {  	[tilespmem:s25+$0xA450] =	vst v2;
	(pc) =	sbr.rel @p1 .LBB2_1-.Ltmp3, $4  }
0xea: {  	[hbm4b:s12+s4] =	stream.linear.scatter [tilespmem:s3], [sflag:$0x2], $0x2710, $0x38;
	[tilespmem:$0xF820] =	vst v63  }
0xeb: {  	_ =	swait.ge [sflag:s15], $0x2710  }
0xec: {  	[sflag:s15] =	ssyncset.done $0x0  }
0xed: {  	[sflag:s15] =	ssyncadd.s32 $0xFFFFD8F0  }
0xee: {  	_ =	sfence.sel $0x180000  }
0xef: {  	[bflag:$0x0] =	sbarrier.arrive $0xFFFF  }
0xf0: {  	_ =	strace $0x90000047  }
0xf1: {  	s0 =	stileid.u32;
	[bflag:$0x2] =	sbarrier.arrive $0xFFFF  }
0xf2: {  	p0 =	sne.s32 s0, $0x0;
	s0 =	rddreg [dreg:$0x3]  }
0xf3: {  	s0 =	sadd.s32 @!p0 $0x100000, s0  }
0xf4: {  	[sflag:s0] =	ssyncadd.tile.s32 @!p0 $0x1;
	_ =	shalt  }
.Lfunc_end2:
_tile_overlayer_lowered:
.L_overlay_start_2:
0xf5: {  	(tag) =	ssettag $0x2  }
0xf6: {  	s0 =	rddreg [dreg:$0x0];
	s2 =	stileid.u32  }
0xf7: {  	s1 =	rddreg [dreg:$0x1];
	p0 =	sne.s32 s2, $0x0  }
0xf8: {  	s3 =	rddreg [dreg:$0x2];
	[bflag:$0x3] =	sbarrier.arrive $0xFFFF;
	s2 =	simm.s32 @!p0 $0x1C02  }
0xf9: {  	[timem:s3], [sflag:s2] =	dma.local @!p0 [hbm:s0], s1  }
0xfa: {  	s0 =	simm.s32 @!p0 $0x2  }
0xfb: {  	_ =	swait.ge @!p0 [sflag:s0], s1  }
0xfc: {  	s1 =	ssub.s32 @!p0 $0x0, s1;
	[sflag:s0] =	ssyncset.done @!p0 $0x0  }
0xfd: {  	[sflag:s0] =	ssyncadd.s32 @!p0 s1  }
0xfe: {  	[bflag:$0x3] =	sbarrier.arrive $0xFFFF  }
0xff: {  	_ =	shalt  }

</sc_bundles>
